<compile_context>
chip_gen: v7x
topology: tpu7x:2x2x1
jax: 0.10.2.dev20260603
libtpu: 0.0.44.dev20260713+nightly
codegen_flags: <defaults>
</compile_context>

<pallas_src>
import functools

import jax
import jax.numpy as jnp
from jax import lax
from jax.experimental import pallas as pl
from jax.experimental.pallas import tpu as pltpu
from jax.experimental.pallas import tpu_sc as plsc

NC = 2
NS = 16
NW = NC * NS
LANES = 16

H = 1024
K = 8
NBUF = 4


def _emb_body(CH, widx, pidx, word, pos, out,
              idw, idp, bw, bp, bo, sems):
    c = lax.axis_index("c")
    s = lax.axis_index("s")
    wid = s * NC + c

    sem_w = sems[0:NBUF]
    sem_p = sems[NBUF:2 * NBUF]
    sem_o = sems[2 * NBUF:3 * NBUF]

    pltpu.sync_copy(widx.at[wid], idw)
    pltpu.sync_copy(pidx.at[wid], idp)

    def issue_gathers(g, b):
        pltpu.async_copy(word.at[idw.at[g]], bw.at[b], sem_w[b])
        pltpu.async_copy(pos.at[idp.at[g]], bp.at[b], sem_p[b])

    def wait_gathers(g, b):
        pltpu.make_async_copy(word.at[idw.at[g]], bw.at[b], sem_w[b]).wait()
        pltpu.make_async_copy(pos.at[idp.at[g]], bp.at[b], sem_p[b]).wait()

    def wait_out(g, b):
        pltpu.make_async_copy(bo.at[b], out.at[wid, g], sem_o[b]).wait()

    for b in range(NBUF):
        issue_gathers(b, b)

    @pl.loop(0, CH // NBUF)
    def superstep(t):
        for b in range(NBUF):
            g = t * NBUF + b
            wait_gathers(g, b)

            @pl.when(t >= 1)
            def _():
                wait_out(g, b)

            @pl.loop(0, K * H // LANES, unroll=8)
            def add(i):
                r = i // (H // LANES)
                col = (i % (H // LANES)) * LANES
                bo[b, r, pl.ds(col, LANES)] = (
                    bw[b, r, pl.ds(col, LANES)] + bp[b, r, pl.ds(col, LANES)]
                )

            @pl.when(t < CH // NBUF - 1)
            def _():
                issue_gathers(g + NBUF, b)

            pltpu.async_copy(bo.at[b], out.at[wid, g], sem_o[b])

    for b in range(NBUF):
        wait_out(CH - NBUF + b, b)


def kernel(input_ids, position_ids, word_table, pos_table):
    B, S = input_ids.shape
    N = B * S
    T = N // NW
    CH = T // K

    widx = input_ids.reshape(NW, CH, K).astype(jnp.int32)
    pidx = position_ids.reshape(NW, CH, K).astype(jnp.int32)

    mesh = plsc.VectorSubcoreMesh(core_axis_name="c", subcore_axis_name="s")
    out = pl.kernel(
        functools.partial(_emb_body, CH),
        out_type=jax.ShapeDtypeStruct((NW, CH, K, H), jnp.float32),
        mesh=mesh,
        scratch_types=[
            pltpu.VMEM((CH, K), jnp.int32),
            pltpu.VMEM((CH, K), jnp.int32),
            pltpu.VMEM((NBUF, K, H), jnp.float32),
            pltpu.VMEM((NBUF, K, H), jnp.float32),
            pltpu.VMEM((NBUF, K, H), jnp.float32),
            [pltpu.SemaphoreType.DMA] * (3 * NBUF),
        ],
    )(widx, pidx, word_table, pos_table)
    return out.reshape(B, S, H)

# --- scband reference (transcript-rebuilt; emitter-appended) ---
"""Pipeline reference for scband-embedding-8177617731584 (READ-ONLY COPY).

The authoritative reference and input builder live on the scoring server;
editing this copy changes nothing except your own understanding.
"""

import jax, jax.numpy as jnp
import numpy as np

VOCAB = 100000
MAX_SEQ = 8192
HIDDEN = 1024
B, S = 4, 8192

def setup_inputs(seed: int = 0) -> dict:
    key = jax.random.key(seed)
    k1, k2, k3, k4 = jax.random.split(key, 4)
    input_ids = jax.random.randint(k1, (B, S), 0, VOCAB, dtype=jnp.int64 if jax.config.jax_enable_x64 else jnp.int32)
    position_ids = jax.random.randint(k2, (B, S), 0, MAX_SEQ, dtype=jnp.int64 if jax.config.jax_enable_x64 else jnp.int32)
    word_table = jax.random.normal(k3, (VOCAB, HIDDEN), dtype=jnp.float32) * 0.02
    pos_table = jax.random.normal(k4, (MAX_SEQ, HIDDEN), dtype=jnp.float32) * 0.02
    return {"input_ids": input_ids, "position_ids": position_ids, "word_table": word_table, "pos_table": pos_table}

def reference(input_ids, position_ids, word_table, pos_table):
    # word_embeddings(input_ids)
    words_embeddings = jnp.take(word_table, input_ids, axis=0)
    # learned position_embeddings(position_ids)
    position_embeddings = jnp.take(pos_table, position_ids, axis=0)
    embeddings = words_embeddings + position_embeddings
    # num_tokentypes == 0 -> no tokentype embedding
    # dropout prob = 0.0 -> identity (eval-mode behavior)
    return embeddings

if __name__ == "__main__":
    import jax
    _d = setup_inputs()
    print(jax.jit(kernel)(*tuple(_d.values())))

</pallas_src>

<mosaic_0001>
#map = affine_map<(d0, d1) -> (0, 0, 0)>
#map1 = affine_map<(d0, d1) -> (0, 0)>
#map2 = affine_map<(d0, d1) -> (0, 0, 0, 0)>
module attributes {stable_mosaic.version = 14 : i64} {
  func.func @_emb_body(%arg0: i32, %arg1: i32, %arg2: memref<32x128x8xi32, #tpu.memory_space<hbm>>, %arg3: memref<32x128x8xi32, #tpu.memory_space<hbm>>, %arg4: memref<100000x1024xf32, #tpu.memory_space<hbm>>, %arg5: memref<8192x1024xf32, #tpu.memory_space<hbm>>, %arg6: memref<32x128x8x1024xf32, #tpu.memory_space<hbm>>, %arg7: memref<128x8xi32, #tpu.memory_space<vmem>>, %arg8: memref<128x8xi32, #tpu.memory_space<vmem>>, %arg9: memref<4x8x1024xf32, #tpu.memory_space<vmem>>, %arg10: memref<4x8x1024xf32, #tpu.memory_space<vmem>>, %arg11: memref<4x8x1024xf32, #tpu.memory_space<vmem>>, %arg12: memref<!tpu.dma_semaphore, #tpu.memory_space<semaphore_mem>>, %arg13: memref<!tpu.dma_semaphore, #tpu.memory_space<semaphore_mem>>, %arg14: memref<!tpu.dma_semaphore, #tpu.memory_space<semaphore_mem>>, %arg15: memref<!tpu.dma_semaphore, #tpu.memory_space<semaphore_mem>>, %arg16: memref<!tpu.dma_semaphore, #tpu.memory_space<semaphore_mem>>, %arg17: memref<!tpu.dma_semaphore, #tpu.memory_space<semaphore_mem>>, %arg18: memref<!tpu.dma_semaphore, #tpu.memory_space<semaphore_mem>>, %arg19: memref<!tpu.dma_semaphore, #tpu.memory_space<semaphore_mem>>, %arg20: memref<!tpu.dma_semaphore, #tpu.memory_space<semaphore_mem>>, %arg21: memref<!tpu.dma_semaphore, #tpu.memory_space<semaphore_mem>>, %arg22: memref<!tpu.dma_semaphore, #tpu.memory_space<semaphore_mem>>, %arg23: memref<!tpu.dma_semaphore, #tpu.memory_space<semaphore_mem>>) attributes {dimension_semantics = [#tpu.dimension_semantics<core_parallel>, #tpu.dimension_semantics<subcore_parallel>], iteration_bounds = array<i64: 2, 16>, scalar_prefetch = 0 : i64, scratch_operands = 17 : i64, tpu.core_type = #tpu.core_type<sc_vector_subcore>, window_params = [{transform_indices = #map}, {transform_indices = #map}, {transform_indices = #map1}, {transform_indices = #map1}, {transform_indices = #map2}]} {
    %mul3A = arith.constant 2 : i32
    %mul3A_0 = arith.muli %arg1, %mul3A : i32
    %add3A = arith.addi %mul3A_0, %arg0 : i32
    "tpu.region"() ({
      %run_scoped3A = tpu.sem_alloc : memref<!tpu.dma_semaphore, #tpu.memory_space<semaphore_mem>>
      %dma_start3A_171 = arith.constant 0 : i32
      %dma_start3A_172 = arith.constant 0 : i32
      %dma_start3A_173 = tpu.memref_slice %arg2[%add3A, %dma_start3A_171, %dma_start3A_172] : memref<32x128x8xi32, #tpu.memory_space<hbm>> -> memref<1x128x8xi32, #tpu.memory_space<hbm>>
      %dma_start3A_174 = tpu.memref_squeeze %dma_start3A_173 : memref<1x128x8xi32, #tpu.memory_space<hbm>> -> memref<128x8xi32, #tpu.memory_space<hbm>>
      %dma_start3A_175 = arith.constant 0 : i32
      %dma_start3A_176 = arith.constant 0 : i32
      %dma_start3A_177 = tpu.memref_slice %arg2[%add3A, %dma_start3A_175, %dma_start3A_176] : memref<32x128x8xi32, #tpu.memory_space<hbm>> -> memref<1x128x8xi32, #tpu.memory_space<hbm>>
      %dma_start3A_178 = tpu.memref_squeeze %dma_start3A_177 : memref<1x128x8xi32, #tpu.memory_space<hbm>> -> memref<128x8xi32, #tpu.memory_space<hbm>>
      tpu.enqueue_dma source(%dma_start3A_178 : memref<128x8xi32, #tpu.memory_space<hbm>>) target(%arg7 : memref<128x8xi32, #tpu.memory_space<vmem>>) target_semaphore(%run_scoped3A : memref<!tpu.dma_semaphore, #tpu.memory_space<semaphore_mem>>)
      %dma_wait3A_179 = arith.constant 0 : i32
      %dma_wait3A_180 = arith.constant 0 : i32
      %dma_wait3A_181 = tpu.memref_slice %arg2[%add3A, %dma_wait3A_179, %dma_wait3A_180] : memref<32x128x8xi32, #tpu.memory_space<hbm>> -> memref<1x128x8xi32, #tpu.memory_space<hbm>>
      %dma_wait3A_182 = tpu.memref_squeeze %dma_wait3A_181 : memref<1x128x8xi32, #tpu.memory_space<hbm>> -> memref<128x8xi32, #tpu.memory_space<hbm>>
      %dma_wait3A_183 = arith.constant 0 : i32
      %dma_wait3A_184 = arith.constant 0 : i32
      %dma_wait3A_185 = tpu.memref_slice %arg2[%add3A, %dma_wait3A_183, %dma_wait3A_184] : memref<32x128x8xi32, #tpu.memory_space<hbm>> -> memref<1x128x8xi32, #tpu.memory_space<hbm>>
      %dma_wait3A_186 = tpu.memref_squeeze %dma_wait3A_185 : memref<1x128x8xi32, #tpu.memory_space<hbm>> -> memref<128x8xi32, #tpu.memory_space<hbm>>
      tpu.wait_dma2 semaphore(%run_scoped3A : memref<!tpu.dma_semaphore, #tpu.memory_space<semaphore_mem>>) src(%dma_wait3A_186 : memref<128x8xi32, #tpu.memory_space<hbm>>) dst(%arg7 : memref<128x8xi32, #tpu.memory_space<vmem>>)
      tpu.yield
    }) : () -> ()
    "tpu.region"() ({
      %run_scoped3A = tpu.sem_alloc : memref<!tpu.dma_semaphore, #tpu.memory_space<semaphore_mem>>
      %dma_start3A_171 = arith.constant 0 : i32
      %dma_start3A_172 = arith.constant 0 : i32
      %dma_start3A_173 = tpu.memref_slice %arg3[%add3A, %dma_start3A_171, %dma_start3A_172] : memref<32x128x8xi32, #tpu.memory_space<hbm>> -> memref<1x128x8xi32, #tpu.memory_space<hbm>>
      %dma_start3A_174 = tpu.memref_squeeze %dma_start3A_173 : memref<1x128x8xi32, #tpu.memory_space<hbm>> -> memref<128x8xi32, #tpu.memory_space<hbm>>
      %dma_start3A_175 = arith.constant 0 : i32
      %dma_start3A_176 = arith.constant 0 : i32
      %dma_start3A_177 = tpu.memref_slice %arg3[%add3A, %dma_start3A_175, %dma_start3A_176] : memref<32x128x8xi32, #tpu.memory_space<hbm>> -> memref<1x128x8xi32, #tpu.memory_space<hbm>>
      %dma_start3A_178 = tpu.memref_squeeze %dma_start3A_177 : memref<1x128x8xi32, #tpu.memory_space<hbm>> -> memref<128x8xi32, #tpu.memory_space<hbm>>
      tpu.enqueue_dma source(%dma_start3A_178 : memref<128x8xi32, #tpu.memory_space<hbm>>) target(%arg8 : memref<128x8xi32, #tpu.memory_space<vmem>>) target_semaphore(%run_scoped3A : memref<!tpu.dma_semaphore, #tpu.memory_space<semaphore_mem>>)
      %dma_wait3A_179 = arith.constant 0 : i32
      %dma_wait3A_180 = arith.constant 0 : i32
      %dma_wait3A_181 = tpu.memref_slice %arg3[%add3A, %dma_wait3A_179, %dma_wait3A_180] : memref<32x128x8xi32, #tpu.memory_space<hbm>> -> memref<1x128x8xi32, #tpu.memory_space<hbm>>
      %dma_wait3A_182 = tpu.memref_squeeze %dma_wait3A_181 : memref<1x128x8xi32, #tpu.memory_space<hbm>> -> memref<128x8xi32, #tpu.memory_space<hbm>>
      %dma_wait3A_183 = arith.constant 0 : i32
      %dma_wait3A_184 = arith.constant 0 : i32
      %dma_wait3A_185 = tpu.memref_slice %arg3[%add3A, %dma_wait3A_183, %dma_wait3A_184] : memref<32x128x8xi32, #tpu.memory_space<hbm>> -> memref<1x128x8xi32, #tpu.memory_space<hbm>>
      %dma_wait3A_186 = tpu.memref_squeeze %dma_wait3A_185 : memref<1x128x8xi32, #tpu.memory_space<hbm>> -> memref<128x8xi32, #tpu.memory_space<hbm>>
      tpu.wait_dma2 semaphore(%run_scoped3A : memref<!tpu.dma_semaphore, #tpu.memory_space<semaphore_mem>>) src(%dma_wait3A_186 : memref<128x8xi32, #tpu.memory_space<hbm>>) dst(%arg8 : memref<128x8xi32, #tpu.memory_space<vmem>>)
      tpu.yield
    }) : () -> ()
    %dma_start3A = arith.constant 0 : i32
    %dma_start3A_1 = arith.constant 0 : i32
    %dma_start3A_2 = arith.constant 0 : i32
    %dma_start3A_3 = arith.constant 0 : i32
    %dma_start3A_4 = tpu.memref_slice %arg9[%dma_start3A_1, %dma_start3A_2, %dma_start3A_3] : memref<4x8x1024xf32, #tpu.memory_space<vmem>> -> memref<1x8x1024xf32, #tpu.memory_space<vmem>>
    %dma_start3A_5 = tpu.memref_squeeze %dma_start3A_4 : memref<1x8x1024xf32, #tpu.memory_space<vmem>> -> memref<8x1024xf32, #tpu.memory_space<vmem>>
    %dma_start3A_6 = arith.constant 0 : i32
    %dma_start3A_7 = tpu.memref_slice %arg7[%dma_start3A, %dma_start3A_6] : memref<128x8xi32, #tpu.memory_space<vmem>> -> memref<1x8xi32, #tpu.memory_space<vmem>>
    %dma_start3A_8 = tpu.memref_squeeze %dma_start3A_7 : memref<1x8xi32, #tpu.memory_space<vmem>> -> memref<8xi32, #tpu.memory_space<vmem>>
    %dma_start3A_9 = arith.constant 0 : i32
    %dma_start3A_10 = arith.constant 0 : i32
    %dma_start3A_11 = tpu.memref_slice %arg4[%dma_start3A_9, %dma_start3A_10] : memref<100000x1024xf32, #tpu.memory_space<hbm>> -> memref<100000x1024xf32, #tpu.memory_space<hbm>>
    tpu.enqueue_indirect_dma source(%dma_start3A_11 : memref<100000x1024xf32, #tpu.memory_space<hbm>>) target(%dma_start3A_5 : memref<8x1024xf32, #tpu.memory_space<vmem>>) offsets(%dma_start3A_8 : memref<8xi32, #tpu.memory_space<vmem>>) semaphore(%arg12 : memref<!tpu.dma_semaphore, #tpu.memory_space<semaphore_mem>>)
    %dma_start3A_12 = arith.constant 0 : i32
    %dma_start3A_13 = arith.constant 0 : i32
    %dma_start3A_14 = arith.constant 0 : i32
    %dma_start3A_15 = arith.constant 0 : i32
    %dma_start3A_16 = tpu.memref_slice %arg10[%dma_start3A_13, %dma_start3A_14, %dma_start3A_15] : memref<4x8x1024xf32, #tpu.memory_space<vmem>> -> memref<1x8x1024xf32, #tpu.memory_space<vmem>>
    %dma_start3A_17 = tpu.memref_squeeze %dma_start3A_16 : memref<1x8x1024xf32, #tpu.memory_space<vmem>> -> memref<8x1024xf32, #tpu.memory_space<vmem>>
    %dma_start3A_18 = arith.constant 0 : i32
    %dma_start3A_19 = tpu.memref_slice %arg8[%dma_start3A_12, %dma_start3A_18] : memref<128x8xi32, #tpu.memory_space<vmem>> -> memref<1x8xi32, #tpu.memory_space<vmem>>
    %dma_start3A_20 = tpu.memref_squeeze %dma_start3A_19 : memref<1x8xi32, #tpu.memory_space<vmem>> -> memref<8xi32, #tpu.memory_space<vmem>>
    %dma_start3A_21 = arith.constant 0 : i32
    %dma_start3A_22 = arith.constant 0 : i32
    %dma_start3A_23 = tpu.memref_slice %arg5[%dma_start3A_21, %dma_start3A_22] : memref<8192x1024xf32, #tpu.memory_space<hbm>> -> memref<8192x1024xf32, #tpu.memory_space<hbm>>
    tpu.enqueue_indirect_dma source(%dma_start3A_23 : memref<8192x1024xf32, #tpu.memory_space<hbm>>) target(%dma_start3A_17 : memref<8x1024xf32, #tpu.memory_space<vmem>>) offsets(%dma_start3A_20 : memref<8xi32, #tpu.memory_space<vmem>>) semaphore(%arg16 : memref<!tpu.dma_semaphore, #tpu.memory_space<semaphore_mem>>)
    %dma_start3A_24 = arith.constant 1 : i32
    %dma_start3A_25 = arith.constant 1 : i32
    %dma_start3A_26 = arith.constant 0 : i32
    %dma_start3A_27 = arith.constant 0 : i32
    %dma_start3A_28 = tpu.memref_slice %arg9[%dma_start3A_25, %dma_start3A_26, %dma_start3A_27] : memref<4x8x1024xf32, #tpu.memory_space<vmem>> -> memref<1x8x1024xf32, #tpu.memory_space<vmem>>
    %dma_start3A_29 = tpu.memref_squeeze %dma_start3A_28 : memref<1x8x1024xf32, #tpu.memory_space<vmem>> -> memref<8x1024xf32, #tpu.memory_space<vmem>>
    %dma_start3A_30 = arith.constant 0 : i32
    %dma_start3A_31 = tpu.memref_slice %arg7[%dma_start3A_24, %dma_start3A_30] : memref<128x8xi32, #tpu.memory_space<vmem>> -> memref<1x8xi32, #tpu.memory_space<vmem>>
    %dma_start3A_32 = tpu.memref_squeeze %dma_start3A_31 : memref<1x8xi32, #tpu.memory_space<vmem>> -> memref<8xi32, #tpu.memory_space<vmem>>
    %dma_start3A_33 = arith.constant 0 : i32
    %dma_start3A_34 = arith.constant 0 : i32
    %dma_start3A_35 = tpu.memref_slice %arg4[%dma_start3A_33, %dma_start3A_34] : memref<100000x1024xf32, #tpu.memory_space<hbm>> -> memref<100000x1024xf32, #tpu.memory_space<hbm>>
    tpu.enqueue_indirect_dma source(%dma_start3A_35 : memref<100000x1024xf32, #tpu.memory_space<hbm>>) target(%dma_start3A_29 : memref<8x1024xf32, #tpu.memory_space<vmem>>) offsets(%dma_start3A_32 : memref<8xi32, #tpu.memory_space<vmem>>) semaphore(%arg13 : memref<!tpu.dma_semaphore, #tpu.memory_space<semaphore_mem>>)
    %dma_start3A_36 = arith.constant 1 : i32
    %dma_start3A_37 = arith.constant 1 : i32
    %dma_start3A_38 = arith.constant 0 : i32
    %dma_start3A_39 = arith.constant 0 : i32
    %dma_start3A_40 = tpu.memref_slice %arg10[%dma_start3A_37, %dma_start3A_38, %dma_start3A_39] : memref<4x8x1024xf32, #tpu.memory_space<vmem>> -> memref<1x8x1024xf32, #tpu.memory_space<vmem>>
    %dma_start3A_41 = tpu.memref_squeeze %dma_start3A_40 : memref<1x8x1024xf32, #tpu.memory_space<vmem>> -> memref<8x1024xf32, #tpu.memory_space<vmem>>
    %dma_start3A_42 = arith.constant 0 : i32
    %dma_start3A_43 = tpu.memref_slice %arg8[%dma_start3A_36, %dma_start3A_42] : memref<128x8xi32, #tpu.memory_space<vmem>> -> memref<1x8xi32, #tpu.memory_space<vmem>>
    %dma_start3A_44 = tpu.memref_squeeze %dma_start3A_43 : memref<1x8xi32, #tpu.memory_space<vmem>> -> memref<8xi32, #tpu.memory_space<vmem>>
    %dma_start3A_45 = arith.constant 0 : i32
    %dma_start3A_46 = arith.constant 0 : i32
    %dma_start3A_47 = tpu.memref_slice %arg5[%dma_start3A_45, %dma_start3A_46] : memref<8192x1024xf32, #tpu.memory_space<hbm>> -> memref<8192x1024xf32, #tpu.memory_space<hbm>>
    tpu.enqueue_indirect_dma source(%dma_start3A_47 : memref<8192x1024xf32, #tpu.memory_space<hbm>>) target(%dma_start3A_41 : memref<8x1024xf32, #tpu.memory_space<vmem>>) offsets(%dma_start3A_44 : memref<8xi32, #tpu.memory_space<vmem>>) semaphore(%arg17 : memref<!tpu.dma_semaphore, #tpu.memory_space<semaphore_mem>>)
    %dma_start3A_48 = arith.constant 2 : i32
    %dma_start3A_49 = arith.constant 2 : i32
    %dma_start3A_50 = arith.constant 0 : i32
    %dma_start3A_51 = arith.constant 0 : i32
    %dma_start3A_52 = tpu.memref_slice %arg9[%dma_start3A_49, %dma_start3A_50, %dma_start3A_51] : memref<4x8x1024xf32, #tpu.memory_space<vmem>> -> memref<1x8x1024xf32, #tpu.memory_space<vmem>>
    %dma_start3A_53 = tpu.memref_squeeze %dma_start3A_52 : memref<1x8x1024xf32, #tpu.memory_space<vmem>> -> memref<8x1024xf32, #tpu.memory_space<vmem>>
    %dma_start3A_54 = arith.constant 0 : i32
    %dma_start3A_55 = tpu.memref_slice %arg7[%dma_start3A_48, %dma_start3A_54] : memref<128x8xi32, #tpu.memory_space<vmem>> -> memref<1x8xi32, #tpu.memory_space<vmem>>
    %dma_start3A_56 = tpu.memref_squeeze %dma_start3A_55 : memref<1x8xi32, #tpu.memory_space<vmem>> -> memref<8xi32, #tpu.memory_space<vmem>>
    %dma_start3A_57 = arith.constant 0 : i32
    %dma_start3A_58 = arith.constant 0 : i32
    %dma_start3A_59 = tpu.memref_slice %arg4[%dma_start3A_57, %dma_start3A_58] : memref<100000x1024xf32, #tpu.memory_space<hbm>> -> memref<100000x1024xf32, #tpu.memory_space<hbm>>
    tpu.enqueue_indirect_dma source(%dma_start3A_59 : memref<100000x1024xf32, #tpu.memory_space<hbm>>) target(%dma_start3A_53 : memref<8x1024xf32, #tpu.memory_space<vmem>>) offsets(%dma_start3A_56 : memref<8xi32, #tpu.memory_space<vmem>>) semaphore(%arg14 : memref<!tpu.dma_semaphore, #tpu.memory_space<semaphore_mem>>)
    %dma_start3A_60 = arith.constant 2 : i32
    %dma_start3A_61 = arith.constant 2 : i32
    %dma_start3A_62 = arith.constant 0 : i32
    %dma_start3A_63 = arith.constant 0 : i32
    %dma_start3A_64 = tpu.memref_slice %arg10[%dma_start3A_61, %dma_start3A_62, %dma_start3A_63] : memref<4x8x1024xf32, #tpu.memory_space<vmem>> -> memref<1x8x1024xf32, #tpu.memory_space<vmem>>
    %dma_start3A_65 = tpu.memref_squeeze %dma_start3A_64 : memref<1x8x1024xf32, #tpu.memory_space<vmem>> -> memref<8x1024xf32, #tpu.memory_space<vmem>>
    %dma_start3A_66 = arith.constant 0 : i32
    %dma_start3A_67 = tpu.memref_slice %arg8[%dma_start3A_60, %dma_start3A_66] : memref<128x8xi32, #tpu.memory_space<vmem>> -> memref<1x8xi32, #tpu.memory_space<vmem>>
    %dma_start3A_68 = tpu.memref_squeeze %dma_start3A_67 : memref<1x8xi32, #tpu.memory_space<vmem>> -> memref<8xi32, #tpu.memory_space<vmem>>
    %dma_start3A_69 = arith.constant 0 : i32
    %dma_start3A_70 = arith.constant 0 : i32
    %dma_start3A_71 = tpu.memref_slice %arg5[%dma_start3A_69, %dma_start3A_70] : memref<8192x1024xf32, #tpu.memory_space<hbm>> -> memref<8192x1024xf32, #tpu.memory_space<hbm>>
    tpu.enqueue_indirect_dma source(%dma_start3A_71 : memref<8192x1024xf32, #tpu.memory_space<hbm>>) target(%dma_start3A_65 : memref<8x1024xf32, #tpu.memory_space<vmem>>) offsets(%dma_start3A_68 : memref<8xi32, #tpu.memory_space<vmem>>) semaphore(%arg18 : memref<!tpu.dma_semaphore, #tpu.memory_space<semaphore_mem>>)
    %dma_start3A_72 = arith.constant 3 : i32
    %dma_start3A_73 = arith.constant 3 : i32
    %dma_start3A_74 = arith.constant 0 : i32
    %dma_start3A_75 = arith.constant 0 : i32
    %dma_start3A_76 = tpu.memref_slice %arg9[%dma_start3A_73, %dma_start3A_74, %dma_start3A_75] : memref<4x8x1024xf32, #tpu.memory_space<vmem>> -> memref<1x8x1024xf32, #tpu.memory_space<vmem>>
    %dma_start3A_77 = tpu.memref_squeeze %dma_start3A_76 : memref<1x8x1024xf32, #tpu.memory_space<vmem>> -> memref<8x1024xf32, #tpu.memory_space<vmem>>
    %dma_start3A_78 = arith.constant 0 : i32
    %dma_start3A_79 = tpu.memref_slice %arg7[%dma_start3A_72, %dma_start3A_78] : memref<128x8xi32, #tpu.memory_space<vmem>> -> memref<1x8xi32, #tpu.memory_space<vmem>>
    %dma_start3A_80 = tpu.memref_squeeze %dma_start3A_79 : memref<1x8xi32, #tpu.memory_space<vmem>> -> memref<8xi32, #tpu.memory_space<vmem>>
    %dma_start3A_81 = arith.constant 0 : i32
    %dma_start3A_82 = arith.constant 0 : i32
    %dma_start3A_83 = tpu.memref_slice %arg4[%dma_start3A_81, %dma_start3A_82] : memref<100000x1024xf32, #tpu.memory_space<hbm>> -> memref<100000x1024xf32, #tpu.memory_space<hbm>>
    tpu.enqueue_indirect_dma source(%dma_start3A_83 : memref<100000x1024xf32, #tpu.memory_space<hbm>>) target(%dma_start3A_77 : memref<8x1024xf32, #tpu.memory_space<vmem>>) offsets(%dma_start3A_80 : memref<8xi32, #tpu.memory_space<vmem>>) semaphore(%arg15 : memref<!tpu.dma_semaphore, #tpu.memory_space<semaphore_mem>>)
    %dma_start3A_84 = arith.constant 3 : i32
    %dma_start3A_85 = arith.constant 3 : i32
    %dma_start3A_86 = arith.constant 0 : i32
    %dma_start3A_87 = arith.constant 0 : i32
    %dma_start3A_88 = tpu.memref_slice %arg10[%dma_start3A_85, %dma_start3A_86, %dma_start3A_87] : memref<4x8x1024xf32, #tpu.memory_space<vmem>> -> memref<1x8x1024xf32, #tpu.memory_space<vmem>>
    %dma_start3A_89 = tpu.memref_squeeze %dma_start3A_88 : memref<1x8x1024xf32, #tpu.memory_space<vmem>> -> memref<8x1024xf32, #tpu.memory_space<vmem>>
    %dma_start3A_90 = arith.constant 0 : i32
    %dma_start3A_91 = tpu.memref_slice %arg8[%dma_start3A_84, %dma_start3A_90] : memref<128x8xi32, #tpu.memory_space<vmem>> -> memref<1x8xi32, #tpu.memory_space<vmem>>
    %dma_start3A_92 = tpu.memref_squeeze %dma_start3A_91 : memref<1x8xi32, #tpu.memory_space<vmem>> -> memref<8xi32, #tpu.memory_space<vmem>>
    %dma_start3A_93 = arith.constant 0 : i32
    %dma_start3A_94 = arith.constant 0 : i32
    %dma_start3A_95 = tpu.memref_slice %arg5[%dma_start3A_93, %dma_start3A_94] : memref<8192x1024xf32, #tpu.memory_space<hbm>> -> memref<8192x1024xf32, #tpu.memory_space<hbm>>
    tpu.enqueue_indirect_dma source(%dma_start3A_95 : memref<8192x1024xf32, #tpu.memory_space<hbm>>) target(%dma_start3A_89 : memref<8x1024xf32, #tpu.memory_space<vmem>>) offsets(%dma_start3A_92 : memref<8xi32, #tpu.memory_space<vmem>>) semaphore(%arg19 : memref<!tpu.dma_semaphore, #tpu.memory_space<semaphore_mem>>)
    %scan3A = arith.constant 0 : i32
    %scan3A_96 = arith.constant 32 : i32
    %scan3A_97 = arith.addi %scan3A, %scan3A_96 : i32
    %scan3A_98 = arith.constant 1 : i32
    scf.for %scan3A_171 = %scan3A to %scan3A_97 step %scan3A_98  : i32 {
      %mul3A_172 = arith.constant 1 : i32
      %mul3A_173 = arith.muli %scan3A_171, %mul3A_172 : i32
      %add3A_174 = arith.constant 0 : i32
      %add3A_175 = arith.addi %add3A_174, %mul3A_173 : i32
      %mul3A_176 = arith.constant 4 : i32
      %mul3A_177 = arith.muli %add3A_175, %mul3A_176 : i32
      %add3A_178 = arith.constant 0 : i32
      %add3A_179 = arith.addi %mul3A_177, %add3A_178 : i32
      %dma_wait3A_180 = arith.constant 0 : i32
      %dma_wait3A_181 = arith.constant 0 : i32
      %dma_wait3A_182 = arith.constant 0 : i32
      %dma_wait3A_183 = tpu.memref_slice %arg9[%dma_wait3A_180, %dma_wait3A_181, %dma_wait3A_182] : memref<4x8x1024xf32, #tpu.memory_space<vmem>> -> memref<1x8x1024xf32, #tpu.memory_space<vmem>>
      %dma_wait3A_184 = tpu.memref_squeeze %dma_wait3A_183 : memref<1x8x1024xf32, #tpu.memory_space<vmem>> -> memref<8x1024xf32, #tpu.memory_space<vmem>>
      %dma_wait3A_185 = arith.constant 0 : i32
      %dma_wait3A_186 = tpu.memref_slice %arg7[%add3A_179, %dma_wait3A_185] : memref<128x8xi32, #tpu.memory_space<vmem>> -> memref<1x8xi32, #tpu.memory_space<vmem>>
      %dma_wait3A_187 = tpu.memref_squeeze %dma_wait3A_186 : memref<1x8xi32, #tpu.memory_space<vmem>> -> memref<8xi32, #tpu.memory_space<vmem>>
      %dma_wait3A_188 = arith.constant 0 : i32
      %dma_wait3A_189 = arith.constant 0 : i32
      %dma_wait3A_190 = tpu.memref_slice %arg4[%dma_wait3A_188, %dma_wait3A_189] : memref<100000x1024xf32, #tpu.memory_space<hbm>> -> memref<100000x1024xf32, #tpu.memory_space<hbm>>
      tpu.wait_indirect_dma semaphore(%arg12 : memref<!tpu.dma_semaphore, #tpu.memory_space<semaphore_mem>>) src(%dma_wait3A_190 : memref<100000x1024xf32, #tpu.memory_space<hbm>>) dst(%dma_wait3A_184 : memref<8x1024xf32, #tpu.memory_space<vmem>>)
      %dma_wait3A_191 = arith.constant 0 : i32
      %dma_wait3A_192 = arith.constant 0 : i32
      %dma_wait3A_193 = arith.constant 0 : i32
      %dma_wait3A_194 = tpu.memref_slice %arg10[%dma_wait3A_191, %dma_wait3A_192, %dma_wait3A_193] : memref<4x8x1024xf32, #tpu.memory_space<vmem>> -> memref<1x8x1024xf32, #tpu.memory_space<vmem>>
      %dma_wait3A_195 = tpu.memref_squeeze %dma_wait3A_194 : memref<1x8x1024xf32, #tpu.memory_space<vmem>> -> memref<8x1024xf32, #tpu.memory_space<vmem>>
      %dma_wait3A_196 = arith.constant 0 : i32
      %dma_wait3A_197 = tpu.memref_slice %arg8[%add3A_179, %dma_wait3A_196] : memref<128x8xi32, #tpu.memory_space<vmem>> -> memref<1x8xi32, #tpu.memory_space<vmem>>
      %dma_wait3A_198 = tpu.memref_squeeze %dma_wait3A_197 : memref<1x8xi32, #tpu.memory_space<vmem>> -> memref<8xi32, #tpu.memory_space<vmem>>
      %dma_wait3A_199 = arith.constant 0 : i32
      %dma_wait3A_200 = arith.constant 0 : i32
      %dma_wait3A_201 = tpu.memref_slice %arg5[%dma_wait3A_199, %dma_wait3A_200] : memref<8192x1024xf32, #tpu.memory_space<hbm>> -> memref<8192x1024xf32, #tpu.memory_space<hbm>>
      tpu.wait_indirect_dma semaphore(%arg16 : memref<!tpu.dma_semaphore, #tpu.memory_space<semaphore_mem>>) src(%dma_wait3A_201 : memref<8192x1024xf32, #tpu.memory_space<hbm>>) dst(%dma_wait3A_195 : memref<8x1024xf32, #tpu.memory_space<vmem>>)
      %ge3A = arith.constant 1 : i32
      %ge3A_202 = arith.cmpi sge, %add3A_175, %ge3A : i32
      %convert_element_type3A = arith.extui %ge3A_202 : i1 to i32
      %cond3A = arith.constant 0 : i32
      %cond3A_203 = arith.cmpi ne, %convert_element_type3A, %cond3A : i32
      scf.if %cond3A_203 {
        %dma_wait3A_404 = arith.constant 0 : i32
        %dma_wait3A_405 = arith.constant 0 : i32
        %dma_wait3A_406 = arith.constant 0 : i32
        %dma_wait3A_407 = tpu.memref_slice %arg11[%dma_wait3A_404, %dma_wait3A_405, %dma_wait3A_406] : memref<4x8x1024xf32, #tpu.memory_space<vmem>> -> memref<1x8x1024xf32, #tpu.memory_space<vmem>>
        %dma_wait3A_408 = tpu.memref_squeeze %dma_wait3A_407 : memref<1x8x1024xf32, #tpu.memory_space<vmem>> -> memref<8x1024xf32, #tpu.memory_space<vmem>>
        %dma_wait3A_409 = arith.constant 0 : i32
        %dma_wait3A_410 = arith.constant 0 : i32
        %dma_wait3A_411 = tpu.memref_slice %arg6[%add3A, %add3A_179, %dma_wait3A_409, %dma_wait3A_410] : memref<32x128x8x1024xf32, #tpu.memory_space<hbm>> -> memref<1x1x8x1024xf32, #tpu.memory_space<hbm>>
        %dma_wait3A_412 = tpu.memref_squeeze %dma_wait3A_411 : memref<1x1x8x1024xf32, #tpu.memory_space<hbm>> -> memref<8x1024xf32, #tpu.memory_space<hbm>>
        %dma_wait3A_413 = arith.constant 0 : i32
        %dma_wait3A_414 = arith.constant 0 : i32
        %dma_wait3A_415 = tpu.memref_slice %arg6[%add3A, %add3A_179, %dma_wait3A_413, %dma_wait3A_414] : memref<32x128x8x1024xf32, #tpu.memory_space<hbm>> -> memref<1x1x8x1024xf32, #tpu.memory_space<hbm>>
        %dma_wait3A_416 = tpu.memref_squeeze %dma_wait3A_415 : memref<1x1x8x1024xf32, #tpu.memory_space<hbm>> -> memref<8x1024xf32, #tpu.memory_space<hbm>>
        %dma_wait3A_417 = arith.constant 0 : i32
        %dma_wait3A_418 = arith.constant 0 : i32
        %dma_wait3A_419 = tpu.memref_slice %arg11[%dma_wait3A_404, %dma_wait3A_417, %dma_wait3A_418] : memref<4x8x1024xf32, #tpu.memory_space<vmem>> -> memref<1x8x1024xf32, #tpu.memory_space<vmem>>
        %dma_wait3A_420 = tpu.memref_squeeze %dma_wait3A_419 : memref<1x8x1024xf32, #tpu.memory_space<vmem>> -> memref<8x1024xf32, #tpu.memory_space<vmem>>
        tpu.wait_dma2 semaphore(%arg20 : memref<!tpu.dma_semaphore, #tpu.memory_space<semaphore_mem>>) src(%dma_wait3A_420 : memref<8x1024xf32, #tpu.memory_space<vmem>>) dst(%dma_wait3A_416 : memref<8x1024xf32, #tpu.memory_space<hbm>>)
      } else {
      }
      %scan3A_204 = arith.constant 0 : i32
      %scan3A_205 = arith.constant 512 : i32
      %scan3A_206 = arith.addi %scan3A_204, %scan3A_205 : i32
      %scan3A_207 = arith.constant 8 : i32
      scf.for %scan3A_404 = %scan3A_204 to %scan3A_206 step %scan3A_207  : i32 {
        %mul3A_405 = arith.constant 1 : i32
        %mul3A_406 = arith.muli %scan3A_404, %mul3A_405 : i32
        %add3A_407 = arith.constant 0 : i32
        %add3A_408 = arith.addi %add3A_407, %mul3A_406 : i32
        %jit3A = arith.constant 64 : i32
        %div3A = arith.divsi %add3A_408, %jit3A : i32
        %sign3A = arith.constant 0 : i32
        %sign3A_409 = arith.cmpi sgt, %add3A_408, %sign3A : i32
        %sign3A_410 = arith.extui %sign3A_409 : i1 to i32
        %sign3A_411 = arith.constant 0 : i32
        %sign3A_412 = arith.cmpi slt, %add3A_408, %sign3A_411 : i32
        %sign3A_413 = arith.extui %sign3A_412 : i1 to i32
        %sign3A_414 = arith.subi %sign3A_410, %sign3A_413 : i32
        %sign3A_415 = arith.constant 0 : i32
        %sign3A_416 = arith.cmpi sgt, %jit3A, %sign3A_415 : i32
        %sign3A_417 = arith.extui %sign3A_416 : i1 to i32
        %sign3A_418 = arith.constant 0 : i32
        %sign3A_419 = arith.cmpi slt, %jit3A, %sign3A_418 : i32
        %sign3A_420 = arith.extui %sign3A_419 : i1 to i32
        %sign3A_421 = arith.subi %sign3A_417, %sign3A_420 : i32
        %ne3A = arith.cmpi ne, %sign3A_414, %sign3A_421 : i32
        %rem3A = arith.remsi %add3A_408, %jit3A : i32
        %ne3A_422 = arith.constant 0 : i32
        %ne3A_423 = arith.cmpi ne, %rem3A, %ne3A_422 : i32
        %and3A = arith.andi %ne3A, %ne3A_423 : i1
        %sub3A = arith.constant 1 : i32
        %sub3A_424 = arith.subi %div3A, %sub3A : i32
        %select_n3A = arith.select %and3A, %sub3A_424, %div3A : i32
        %jit3A_425 = arith.constant 64 : i32
        %eq3A = arith.constant 0 : i32
        %eq3A_426 = arith.cmpi eq, %jit3A_425, %eq3A : i32
        %jit3A_427 = arith.constant 1 : i32
        %select_n3A_428 = arith.select %eq3A_426, %jit3A_427, %jit3A_425 : i32
        %rem3A_429 = arith.remsi %add3A_408, %select_n3A_428 : i32
        %ne3A_430 = arith.constant 0 : i32
        %ne3A_431 = arith.cmpi ne, %rem3A_429, %ne3A_430 : i32
        %lt3A_432 = arith.constant 0 : i32
        %lt3A_433 = arith.cmpi slt, %rem3A_429, %lt3A_432 : i32
        %lt3A_434 = arith.constant 0 : i32
        %lt3A_435 = arith.cmpi slt, %select_n3A_428, %lt3A_434 : i32
        %ne3A_436 = arith.xori %lt3A_433, %lt3A_435 : i1
        %and3A_437 = arith.andi %ne3A_436, %ne3A_431 : i1
        %add3A_438 = arith.addi %rem3A_429, %select_n3A_428 : i32
        %select_n3A_439 = arith.select %and3A_437, %add3A_438, %rem3A_429 : i32
        %mul3A_440 = arith.constant 16 : i32
        %mul3A_441 = arith.muli %select_n3A_439, %mul3A_440 : i32
        %get3A = arith.constant 0 : i32
        %get3A_442 = arith.index_cast %get3A : i32 to index
        %get3A_443 = arith.index_cast %select_n3A : i32 to index
        %get3A_444 = arith.index_cast %mul3A_441 : i32 to index
        %get3A_445 = tpu.vector_load %arg9[%get3A_442, %get3A_443, %get3A_444] {strides = array<i32>} : memref<4x8x1024xf32, #tpu.memory_space<vmem>>, vector<1x1x16xf32>,
        %get3A_446 = vector.shape_cast %get3A_445 : vector<1x1x16xf32> to vector<16xf32>
        %get3A_447 = arith.constant 0 : i32
        %get3A_448 = arith.index_cast %get3A_447 : i32 to index
        %get3A_449 = arith.index_cast %select_n3A : i32 to index
        %get3A_450 = arith.index_cast %mul3A_441 : i32 to index
        %get3A_451 = tpu.vector_load %arg10[%get3A_448, %get3A_449, %get3A_450] {strides = array<i32>} : memref<4x8x1024xf32, #tpu.memory_space<vmem>>, vector<1x1x16xf32>,
        %get3A_452 = vector.shape_cast %get3A_451 : vector<1x1x16xf32> to vector<16xf32>
        %add3A_453 = arith.addf %get3A_446, %get3A_452 : vector<16xf32>
        %swap3A = arith.constant 0 : i32
        %swap3A_454 = arith.index_cast %swap3A : i32 to index
        %swap3A_455 = arith.index_cast %select_n3A : i32 to index
        %swap3A_456 = arith.index_cast %mul3A_441 : i32 to index
        %swap3A_457 = tpu.vector_load %arg11[%swap3A_454, %swap3A_455, %swap3A_456] {strides = array<i32>} : memref<4x8x1024xf32, #tpu.memory_space<vmem>>, vector<1x1x16xf32>,
        %swap3A_458 = vector.shape_cast %swap3A_457 : vector<1x1x16xf32> to vector<16xf32>
        %swap3A_459 = vector.shape_cast %add3A_453 : vector<16xf32> to vector<1x1x16xf32>
        tpu.vector_store %arg11[%swap3A_454, %swap3A_455, %swap3A_456], %swap3A_459 {strides = array<i32>} : memref<4x8x1024xf32, #tpu.memory_space<vmem>>, vector<1x1x16xf32>,
        %scan3A_460 = arith.constant 1 : i32
        %scan3A_461 = arith.addi %scan3A_404, %scan3A_460 : i32
        %mul3A_462 = arith.constant 1 : i32
        %mul3A_463 = arith.muli %scan3A_461, %mul3A_462 : i32
        %add3A_464 = arith.constant 0 : i32
        %add3A_465 = arith.addi %add3A_464, %mul3A_463 : i32
        %jit3A_466 = arith.constant 64 : i32
        %div3A_467 = arith.divsi %add3A_465, %jit3A_466 : i32
        %sign3A_468 = arith.constant 0 : i32
        %sign3A_469 = arith.cmpi sgt, %add3A_465, %sign3A_468 : i32
        %sign3A_470 = arith.extui %sign3A_469 : i1 to i32
        %sign3A_471 = arith.constant 0 : i32
        %sign3A_472 = arith.cmpi slt, %add3A_465, %sign3A_471 : i32
        %sign3A_473 = arith.extui %sign3A_472 : i1 to i32
        %sign3A_474 = arith.subi %sign3A_470, %sign3A_473 : i32
        %sign3A_475 = arith.constant 0 : i32
        %sign3A_476 = arith.cmpi sgt, %jit3A_466, %sign3A_475 : i32
        %sign3A_477 = arith.extui %sign3A_476 : i1 to i32
        %sign3A_478 = arith.constant 0 : i32
        %sign3A_479 = arith.cmpi slt, %jit3A_466, %sign3A_478 : i32
        %sign3A_480 = arith.extui %sign3A_479 : i1 to i32
        %sign3A_481 = arith.subi %sign3A_477, %sign3A_480 : i32
        %ne3A_482 = arith.cmpi ne, %sign3A_474, %sign3A_481 : i32
        %rem3A_483 = arith.remsi %add3A_465, %jit3A_466 : i32
        %ne3A_484 = arith.constant 0 : i32
        %ne3A_485 = arith.cmpi ne, %rem3A_483, %ne3A_484 : i32
        %and3A_486 = arith.andi %ne3A_482, %ne3A_485 : i1
        %sub3A_487 = arith.constant 1 : i32
        %sub3A_488 = arith.subi %div3A_467, %sub3A_487 : i32
        %select_n3A_489 = arith.select %and3A_486, %sub3A_488, %div3A_467 : i32
        %jit3A_490 = arith.constant 64 : i32
        %eq3A_491 = arith.constant 0 : i32
        %eq3A_492 = arith.cmpi eq, %jit3A_490, %eq3A_491 : i32
        %jit3A_493 = arith.constant 1 : i32
        %select_n3A_494 = arith.select %eq3A_492, %jit3A_493, %jit3A_490 : i32
        %rem3A_495 = arith.remsi %add3A_465, %select_n3A_494 : i32
        %ne3A_496 = arith.constant 0 : i32
        %ne3A_497 = arith.cmpi ne, %rem3A_495, %ne3A_496 : i32
        %lt3A_498 = arith.constant 0 : i32
        %lt3A_499 = arith.cmpi slt, %rem3A_495, %lt3A_498 : i32
        %lt3A_500 = arith.constant 0 : i32
        %lt3A_501 = arith.cmpi slt, %select_n3A_494, %lt3A_500 : i32
        %ne3A_502 = arith.xori %lt3A_499, %lt3A_501 : i1
        %and3A_503 = arith.andi %ne3A_502, %ne3A_497 : i1
        %add3A_504 = arith.addi %rem3A_495, %select_n3A_494 : i32
        %select_n3A_505 = arith.select %and3A_503, %add3A_504, %rem3A_495 : i32
        %mul3A_506 = arith.constant 16 : i32
        %mul3A_507 = arith.muli %select_n3A_505, %mul3A_506 : i32
        %get3A_508 = arith.constant 0 : i32
        %get3A_509 = arith.index_cast %get3A_508 : i32 to index
        %get3A_510 = arith.index_cast %select_n3A_489 : i32 to index
        %get3A_511 = arith.index_cast %mul3A_507 : i32 to index
        %get3A_512 = tpu.vector_load %arg9[%get3A_509, %get3A_510, %get3A_511] {strides = array<i32>} : memref<4x8x1024xf32, #tpu.memory_space<vmem>>, vector<1x1x16xf32>,
        %get3A_513 = vector.shape_cast %get3A_512 : vector<1x1x16xf32> to vector<16xf32>
        %get3A_514 = arith.constant 0 : i32
        %get3A_515 = arith.index_cast %get3A_514 : i32 to index
        %get3A_516 = arith.index_cast %select_n3A_489 : i32 to index
        %get3A_517 = arith.index_cast %mul3A_507 : i32 to index
        %get3A_518 = tpu.vector_load %arg10[%get3A_515, %get3A_516, %get3A_517] {strides = array<i32>} : memref<4x8x1024xf32, #tpu.memory_space<vmem>>, vector<1x1x16xf32>,
        %get3A_519 = vector.shape_cast %get3A_518 : vector<1x1x16xf32> to vector<16xf32>
        %add3A_520 = arith.addf %get3A_513, %get3A_519 : vector<16xf32>
        %swap3A_521 = arith.constant 0 : i32
        %swap3A_522 = arith.index_cast %swap3A_521 : i32 to index
        %swap3A_523 = arith.index_cast %select_n3A_489 : i32 to index
        %swap3A_524 = arith.index_cast %mul3A_507 : i32 to index
        %swap3A_525 = tpu.vector_load %arg11[%swap3A_522, %swap3A_523, %swap3A_524] {strides = array<i32>} : memref<4x8x1024xf32, #tpu.memory_space<vmem>>, vector<1x1x16xf32>,
        %swap3A_526 = vector.shape_cast %swap3A_525 : vector<1x1x16xf32> to vector<16xf32>
        %swap3A_527 = vector.shape_cast %add3A_520 : vector<16xf32> to vector<1x1x16xf32>
        tpu.vector_store %arg11[%swap3A_522, %swap3A_523, %swap3A_524], %swap3A_527 {strides = array<i32>} : memref<4x8x1024xf32, #tpu.memory_space<vmem>>, vector<1x1x16xf32>,
        %scan3A_528 = arith.constant 2 : i32
        %scan3A_529 = arith.addi %scan3A_404, %scan3A_528 : i32
        %mul3A_530 = arith.constant 1 : i32
        %mul3A_531 = arith.muli %scan3A_529, %mul3A_530 : i32
        %add3A_532 = arith.constant 0 : i32
        %add3A_533 = arith.addi %add3A_532, %mul3A_531 : i32
        %jit3A_534 = arith.constant 64 : i32
        %div3A_535 = arith.divsi %add3A_533, %jit3A_534 : i32
        %sign3A_536 = arith.constant 0 : i32
        %sign3A_537 = arith.cmpi sgt, %add3A_533, %sign3A_536 : i32
        %sign3A_538 = arith.extui %sign3A_537 : i1 to i32
        %sign3A_539 = arith.constant 0 : i32
        %sign3A_540 = arith.cmpi slt, %add3A_533, %sign3A_539 : i32
        %sign3A_541 = arith.extui %sign3A_540 : i1 to i32
        %sign3A_542 = arith.subi %sign3A_538, %sign3A_541 : i32
        %sign3A_543 = arith.constant 0 : i32
        %sign3A_544 = arith.cmpi sgt, %jit3A_534, %sign3A_543 : i32
        %sign3A_545 = arith.extui %sign3A_544 : i1 to i32
        %sign3A_546 = arith.constant 0 : i32
        %sign3A_547 = arith.cmpi slt, %jit3A_534, %sign3A_546 : i32
        %sign3A_548 = arith.extui %sign3A_547 : i1 to i32
        %sign3A_549 = arith.subi %sign3A_545, %sign3A_548 : i32
        %ne3A_550 = arith.cmpi ne, %sign3A_542, %sign3A_549 : i32
        %rem3A_551 = arith.remsi %add3A_533, %jit3A_534 : i32
        %ne3A_552 = arith.constant 0 : i32
        %ne3A_553 = arith.cmpi ne, %rem3A_551, %ne3A_552 : i32
        %and3A_554 = arith.andi %ne3A_550, %ne3A_553 : i1
        %sub3A_555 = arith.constant 1 : i32
        %sub3A_556 = arith.subi %div3A_535, %sub3A_555 : i32
        %select_n3A_557 = arith.select %and3A_554, %sub3A_556, %div3A_535 : i32
        %jit3A_558 = arith.constant 64 : i32
        %eq3A_559 = arith.constant 0 : i32
        %eq3A_560 = arith.cmpi eq, %jit3A_558, %eq3A_559 : i32
        %jit3A_561 = arith.constant 1 : i32
        %select_n3A_562 = arith.select %eq3A_560, %jit3A_561, %jit3A_558 : i32
        %rem3A_563 = arith.remsi %add3A_533, %select_n3A_562 : i32
        %ne3A_564 = arith.constant 0 : i32
        %ne3A_565 = arith.cmpi ne, %rem3A_563, %ne3A_564 : i32
        %lt3A_566 = arith.constant 0 : i32
        %lt3A_567 = arith.cmpi slt, %rem3A_563, %lt3A_566 : i32
        %lt3A_568 = arith.constant 0 : i32
        %lt3A_569 = arith.cmpi slt, %select_n3A_562, %lt3A_568 : i32
        %ne3A_570 = arith.xori %lt3A_567, %lt3A_569 : i1
        %and3A_571 = arith.andi %ne3A_570, %ne3A_565 : i1
        %add3A_572 = arith.addi %rem3A_563, %select_n3A_562 : i32
        %select_n3A_573 = arith.select %and3A_571, %add3A_572, %rem3A_563 : i32
        %mul3A_574 = arith.constant 16 : i32
        %mul3A_575 = arith.muli %select_n3A_573, %mul3A_574 : i32
        %get3A_576 = arith.constant 0 : i32
        %get3A_577 = arith.index_cast %get3A_576 : i32 to index
        %get3A_578 = arith.index_cast %select_n3A_557 : i32 to index
        %get3A_579 = arith.index_cast %mul3A_575 : i32 to index
        %get3A_580 = tpu.vector_load %arg9[%get3A_577, %get3A_578, %get3A_579] {strides = array<i32>} : memref<4x8x1024xf32, #tpu.memory_space<vmem>>, vector<1x1x16xf32>,
        %get3A_581 = vector.shape_cast %get3A_580 : vector<1x1x16xf32> to vector<16xf32>
        %get3A_582 = arith.constant 0 : i32
        %get3A_583 = arith.index_cast %get3A_582 : i32 to index
        %get3A_584 = arith.index_cast %select_n3A_557 : i32 to index
        %get3A_585 = arith.index_cast %mul3A_575 : i32 to index
        %get3A_586 = tpu.vector_load %arg10[%get3A_583, %get3A_584, %get3A_585] {strides = array<i32>} : memref<4x8x1024xf32, #tpu.memory_space<vmem>>, vector<1x1x16xf32>,
        %get3A_587 = vector.shape_cast %get3A_586 : vector<1x1x16xf32> to vector<16xf32>
        %add3A_588 = arith.addf %get3A_581, %get3A_587 : vector<16xf32>
        %swap3A_589 = arith.constant 0 : i32
        %swap3A_590 = arith.index_cast %swap3A_589 : i32 to index
        %swap3A_591 = arith.index_cast %select_n3A_557 : i32 to index
        %swap3A_592 = arith.index_cast %mul3A_575 : i32 to index
        %swap3A_593 = tpu.vector_load %arg11[%swap3A_590, %swap3A_591, %swap3A_592] {strides = array<i32>} : memref<4x8x1024xf32, #tpu.memory_space<vmem>>, vector<1x1x16xf32>,
        %swap3A_594 = vector.shape_cast %swap3A_593 : vector<1x1x16xf32> to vector<16xf32>
        %swap3A_595 = vector.shape_cast %add3A_588 : vector<16xf32> to vector<1x1x16xf32>
        tpu.vector_store %arg11[%swap3A_590, %swap3A_591, %swap3A_592], %swap3A_595 {strides = array<i32>} : memref<4x8x1024xf32, #tpu.memory_space<vmem>>, vector<1x1x16xf32>,
        %scan3A_596 = arith.constant 3 : i32
        %scan3A_597 = arith.addi %scan3A_404, %scan3A_596 : i32
        %mul3A_598 = arith.constant 1 : i32
        %mul3A_599 = arith.muli %scan3A_597, %mul3A_598 : i32
        %add3A_600 = arith.constant 0 : i32
        %add3A_601 = arith.addi %add3A_600, %mul3A_599 : i32
        %jit3A_602 = arith.constant 64 : i32
        %div3A_603 = arith.divsi %add3A_601, %jit3A_602 : i32
        %sign3A_604 = arith.constant 0 : i32
        %sign3A_605 = arith.cmpi sgt, %add3A_601, %sign3A_604 : i32
        %sign3A_606 = arith.extui %sign3A_605 : i1 to i32
        %sign3A_607 = arith.constant 0 : i32
        %sign3A_608 = arith.cmpi slt, %add3A_601, %sign3A_607 : i32
        %sign3A_609 = arith.extui %sign3A_608 : i1 to i32
        %sign3A_610 = arith.subi %sign3A_606, %sign3A_609 : i32
        %sign3A_611 = arith.constant 0 : i32
        %sign3A_612 = arith.cmpi sgt, %jit3A_602, %sign3A_611 : i32
        %sign3A_613 = arith.extui %sign3A_612 : i1 to i32
        %sign3A_614 = arith.constant 0 : i32
        %sign3A_615 = arith.cmpi slt, %jit3A_602, %sign3A_614 : i32
        %sign3A_616 = arith.extui %sign3A_615 : i1 to i32
        %sign3A_617 = arith.subi %sign3A_613, %sign3A_616 : i32
        %ne3A_618 = arith.cmpi ne, %sign3A_610, %sign3A_617 : i32
        %rem3A_619 = arith.remsi %add3A_601, %jit3A_602 : i32
        %ne3A_620 = arith.constant 0 : i32
        %ne3A_621 = arith.cmpi ne, %rem3A_619, %ne3A_620 : i32
        %and3A_622 = arith.andi %ne3A_618, %ne3A_621 : i1
        %sub3A_623 = arith.constant 1 : i32
        %sub3A_624 = arith.subi %div3A_603, %sub3A_623 : i32
        %select_n3A_625 = arith.select %and3A_622, %sub3A_624, %div3A_603 : i32
        %jit3A_626 = arith.constant 64 : i32
        %eq3A_627 = arith.constant 0 : i32
        %eq3A_628 = arith.cmpi eq, %jit3A_626, %eq3A_627 : i32
        %jit3A_629 = arith.constant 1 : i32
        %select_n3A_630 = arith.select %eq3A_628, %jit3A_629, %jit3A_626 : i32
        %rem3A_631 = arith.remsi %add3A_601, %select_n3A_630 : i32
        %ne3A_632 = arith.constant 0 : i32
        %ne3A_633 = arith.cmpi ne, %rem3A_631, %ne3A_632 : i32
        %lt3A_634 = arith.constant 0 : i32
        %lt3A_635 = arith.cmpi slt, %rem3A_631, %lt3A_634 : i32
        %lt3A_636 = arith.constant 0 : i32
        %lt3A_637 = arith.cmpi slt, %select_n3A_630, %lt3A_636 : i32
        %ne3A_638 = arith.xori %lt3A_635, %lt3A_637 : i1
        %and3A_639 = arith.andi %ne3A_638, %ne3A_633 : i1
        %add3A_640 = arith.addi %rem3A_631, %select_n3A_630 : i32
        %select_n3A_641 = arith.select %and3A_639, %add3A_640, %rem3A_631 : i32
        %mul3A_642 = arith.constant 16 : i32
        %mul3A_643 = arith.muli %select_n3A_641, %mul3A_642 : i32
        %get3A_644 = arith.constant 0 : i32
        %get3A_645 = arith.index_cast %get3A_644 : i32 to index
        %get3A_646 = arith.index_cast %select_n3A_625 : i32 to index
        %get3A_647 = arith.index_cast %mul3A_643 : i32 to index
        %get3A_648 = tpu.vector_load %arg9[%get3A_645, %get3A_646, %get3A_647] {strides = array<i32>} : memref<4x8x1024xf32, #tpu.memory_space<vmem>>, vector<1x1x16xf32>,
        %get3A_649 = vector.shape_cast %get3A_648 : vector<1x1x16xf32> to vector<16xf32>
        %get3A_650 = arith.constant 0 : i32
        %get3A_651 = arith.index_cast %get3A_650 : i32 to index
        %get3A_652 = arith.index_cast %select_n3A_625 : i32 to index
        %get3A_653 = arith.index_cast %mul3A_643 : i32 to index
        %get3A_654 = tpu.vector_load %arg10[%get3A_651, %get3A_652, %get3A_653] {strides = array<i32>} : memref<4x8x1024xf32, #tpu.memory_space<vmem>>, vector<1x1x16xf32>,
        %get3A_655 = vector.shape_cast %get3A_654 : vector<1x1x16xf32> to vector<16xf32>
        %add3A_656 = arith.addf %get3A_649, %get3A_655 : vector<16xf32>
        %swap3A_657 = arith.constant 0 : i32
        %swap3A_658 = arith.index_cast %swap3A_657 : i32 to index
        %swap3A_659 = arith.index_cast %select_n3A_625 : i32 to index
        %swap3A_660 = arith.index_cast %mul3A_643 : i32 to index
        %swap3A_661 = tpu.vector_load %arg11[%swap3A_658, %swap3A_659, %swap3A_660] {strides = array<i32>} : memref<4x8x1024xf32, #tpu.memory_space<vmem>>, vector<1x1x16xf32>,
        %swap3A_662 = vector.shape_cast %swap3A_661 : vector<1x1x16xf32> to vector<16xf32>
        %swap3A_663 = vector.shape_cast %add3A_656 : vector<16xf32> to vector<1x1x16xf32>
        tpu.vector_store %arg11[%swap3A_658, %swap3A_659, %swap3A_660], %swap3A_663 {strides = array<i32>} : memref<4x8x1024xf32, #tpu.memory_space<vmem>>, vector<1x1x16xf32>,
        %scan3A_664 = arith.constant 4 : i32
        %scan3A_665 = arith.addi %scan3A_404, %scan3A_664 : i32
        %mul3A_666 = arith.constant 1 : i32
        %mul3A_667 = arith.muli %scan3A_665, %mul3A_666 : i32
        %add3A_668 = arith.constant 0 : i32
        %add3A_669 = arith.addi %add3A_668, %mul3A_667 : i32
        %jit3A_670 = arith.constant 64 : i32
        %div3A_671 = arith.divsi %add3A_669, %jit3A_670 : i32
        %sign3A_672 = arith.constant 0 : i32
        %sign3A_673 = arith.cmpi sgt, %add3A_669, %sign3A_672 : i32
        %sign3A_674 = arith.extui %sign3A_673 : i1 to i32
        %sign3A_675 = arith.constant 0 : i32
        %sign3A_676 = arith.cmpi slt, %add3A_669, %sign3A_675 : i32
        %sign3A_677 = arith.extui %sign3A_676 : i1 to i32
        %sign3A_678 = arith.subi %sign3A_674, %sign3A_677 : i32
        %sign3A_679 = arith.constant 0 : i32
        %sign3A_680 = arith.cmpi sgt, %jit3A_670, %sign3A_679 : i32
        %sign3A_681 = arith.extui %sign3A_680 : i1 to i32
        %sign3A_682 = arith.constant 0 : i32
        %sign3A_683 = arith.cmpi slt, %jit3A_670, %sign3A_682 : i32
        %sign3A_684 = arith.extui %sign3A_683 : i1 to i32
        %sign3A_685 = arith.subi %sign3A_681, %sign3A_684 : i32
        %ne3A_686 = arith.cmpi ne, %sign3A_678, %sign3A_685 : i32
        %rem3A_687 = arith.remsi %add3A_669, %jit3A_670 : i32
        %ne3A_688 = arith.constant 0 : i32
        %ne3A_689 = arith.cmpi ne, %rem3A_687, %ne3A_688 : i32
        %and3A_690 = arith.andi %ne3A_686, %ne3A_689 : i1
        %sub3A_691 = arith.constant 1 : i32
        %sub3A_692 = arith.subi %div3A_671, %sub3A_691 : i32
        %select_n3A_693 = arith.select %and3A_690, %sub3A_692, %div3A_671 : i32
        %jit3A_694 = arith.constant 64 : i32
        %eq3A_695 = arith.constant 0 : i32
        %eq3A_696 = arith.cmpi eq, %jit3A_694, %eq3A_695 : i32
        %jit3A_697 = arith.constant 1 : i32
        %select_n3A_698 = arith.select %eq3A_696, %jit3A_697, %jit3A_694 : i32
        %rem3A_699 = arith.remsi %add3A_669, %select_n3A_698 : i32
        %ne3A_700 = arith.constant 0 : i32
        %ne3A_701 = arith.cmpi ne, %rem3A_699, %ne3A_700 : i32
        %lt3A_702 = arith.constant 0 : i32
        %lt3A_703 = arith.cmpi slt, %rem3A_699, %lt3A_702 : i32
        %lt3A_704 = arith.constant 0 : i32
        %lt3A_705 = arith.cmpi slt, %select_n3A_698, %lt3A_704 : i32
        %ne3A_706 = arith.xori %lt3A_703, %lt3A_705 : i1
        %and3A_707 = arith.andi %ne3A_706, %ne3A_701 : i1
        %add3A_708 = arith.addi %rem3A_699, %select_n3A_698 : i32
        %select_n3A_709 = arith.select %and3A_707, %add3A_708, %rem3A_699 : i32
        %mul3A_710 = arith.constant 16 : i32
        %mul3A_711 = arith.muli %select_n3A_709, %mul3A_710 : i32
        %get3A_712 = arith.constant 0 : i32
        %get3A_713 = arith.index_cast %get3A_712 : i32 to index
        %get3A_714 = arith.index_cast %select_n3A_693 : i32 to index
        %get3A_715 = arith.index_cast %mul3A_711 : i32 to index
        %get3A_716 = tpu.vector_load %arg9[%get3A_713, %get3A_714, %get3A_715] {strides = array<i32>} : memref<4x8x1024xf32, #tpu.memory_space<vmem>>, vector<1x1x16xf32>,
        %get3A_717 = vector.shape_cast %get3A_716 : vector<1x1x16xf32> to vector<16xf32>
        %get3A_718 = arith.constant 0 : i32
        %get3A_719 = arith.index_cast %get3A_718 : i32 to index
        %get3A_720 = arith.index_cast %select_n3A_693 : i32 to index
        %get3A_721 = arith.index_cast %mul3A_711 : i32 to index
        %get3A_722 = tpu.vector_load %arg10[%get3A_719, %get3A_720, %get3A_721] {strides = array<i32>} : memref<4x8x1024xf32, #tpu.memory_space<vmem>>, vector<1x1x16xf32>,
        %get3A_723 = vector.shape_cast %get3A_722 : vector<1x1x16xf32> to vector<16xf32>
        %add3A_724 = arith.addf %get3A_717, %get3A_723 : vector<16xf32>
        %swap3A_725 = arith.constant 0 : i32
        %swap3A_726 = arith.index_cast %swap3A_725 : i32 to index
        %swap3A_727 = arith.index_cast %select_n3A_693 : i32 to index
        %swap3A_728 = arith.index_cast %mul3A_711 : i32 to index
        %swap3A_729 = tpu.vector_load %arg11[%swap3A_726, %swap3A_727, %swap3A_728] {strides = array<i32>} : memref<4x8x1024xf32, #tpu.memory_space<vmem>>, vector<1x1x16xf32>,
        %swap3A_730 = vector.shape_cast %swap3A_729 : vector<1x1x16xf32> to vector<16xf32>
        %swap3A_731 = vector.shape_cast %add3A_724 : vector<16xf32> to vector<1x1x16xf32>
        tpu.vector_store %arg11[%swap3A_726, %swap3A_727, %swap3A_728], %swap3A_731 {strides = array<i32>} : memref<4x8x1024xf32, #tpu.memory_space<vmem>>, vector<1x1x16xf32>,
        %scan3A_732 = arith.constant 5 : i32
        %scan3A_733 = arith.addi %scan3A_404, %scan3A_732 : i32
        %mul3A_734 = arith.constant 1 : i32
        %mul3A_735 = arith.muli %scan3A_733, %mul3A_734 : i32
        %add3A_736 = arith.constant 0 : i32
        %add3A_737 = arith.addi %add3A_736, %mul3A_735 : i32
        %jit3A_738 = arith.constant 64 : i32
        %div3A_739 = arith.divsi %add3A_737, %jit3A_738 : i32
        %sign3A_740 = arith.constant 0 : i32
        %sign3A_741 = arith.cmpi sgt, %add3A_737, %sign3A_740 : i32
        %sign3A_742 = arith.extui %sign3A_741 : i1 to i32
        %sign3A_743 = arith.constant 0 : i32
        %sign3A_744 = arith.cmpi slt, %add3A_737, %sign3A_743 : i32
        %sign3A_745 = arith.extui %sign3A_744 : i1 to i32
        %sign3A_746 = arith.subi %sign3A_742, %sign3A_745 : i32
        %sign3A_747 = arith.constant 0 : i32
        %sign3A_748 = arith.cmpi sgt, %jit3A_738, %sign3A_747 : i32
        %sign3A_749 = arith.extui %sign3A_748 : i1 to i32
        %sign3A_750 = arith.constant 0 : i32
        %sign3A_751 = arith.cmpi slt, %jit3A_738, %sign3A_750 : i32
        %sign3A_752 = arith.extui %sign3A_751 : i1 to i32
        %sign3A_753 = arith.subi %sign3A_749, %sign3A_752 : i32
        %ne3A_754 = arith.cmpi ne, %sign3A_746, %sign3A_753 : i32
        %rem3A_755 = arith.remsi %add3A_737, %jit3A_738 : i32
        %ne3A_756 = arith.constant 0 : i32
        %ne3A_757 = arith.cmpi ne, %rem3A_755, %ne3A_756 : i32
        %and3A_758 = arith.andi %ne3A_754, %ne3A_757 : i1
        %sub3A_759 = arith.constant 1 : i32
        %sub3A_760 = arith.subi %div3A_739, %sub3A_759 : i32
        %select_n3A_761 = arith.select %and3A_758, %sub3A_760, %div3A_739 : i32
        %jit3A_762 = arith.constant 64 : i32
        %eq3A_763 = arith.constant 0 : i32
        %eq3A_764 = arith.cmpi eq, %jit3A_762, %eq3A_763 : i32
        %jit3A_765 = arith.constant 1 : i32
        %select_n3A_766 = arith.select %eq3A_764, %jit3A_765, %jit3A_762 : i32
        %rem3A_767 = arith.remsi %add3A_737, %select_n3A_766 : i32
        %ne3A_768 = arith.constant 0 : i32
        %ne3A_769 = arith.cmpi ne, %rem3A_767, %ne3A_768 : i32
        %lt3A_770 = arith.constant 0 : i32
        %lt3A_771 = arith.cmpi slt, %rem3A_767, %lt3A_770 : i32
        %lt3A_772 = arith.constant 0 : i32
        %lt3A_773 = arith.cmpi slt, %select_n3A_766, %lt3A_772 : i32
        %ne3A_774 = arith.xori %lt3A_771, %lt3A_773 : i1
        %and3A_775 = arith.andi %ne3A_774, %ne3A_769 : i1
        %add3A_776 = arith.addi %rem3A_767, %select_n3A_766 : i32
        %select_n3A_777 = arith.select %and3A_775, %add3A_776, %rem3A_767 : i32
        %mul3A_778 = arith.constant 16 : i32
        %mul3A_779 = arith.muli %select_n3A_777, %mul3A_778 : i32
        %get3A_780 = arith.constant 0 : i32
        %get3A_781 = arith.index_cast %get3A_780 : i32 to index
        %get3A_782 = arith.index_cast %select_n3A_761 : i32 to index
        %get3A_783 = arith.index_cast %mul3A_779 : i32 to index
        %get3A_784 = tpu.vector_load %arg9[%get3A_781, %get3A_782, %get3A_783] {strides = array<i32>} : memref<4x8x1024xf32, #tpu.memory_space<vmem>>, vector<1x1x16xf32>,
        %get3A_785 = vector.shape_cast %get3A_784 : vector<1x1x16xf32> to vector<16xf32>
        %get3A_786 = arith.constant 0 : i32
        %get3A_787 = arith.index_cast %get3A_786 : i32 to index
        %get3A_788 = arith.index_cast %select_n3A_761 : i32 to index
        %get3A_789 = arith.index_cast %mul3A_779 : i32 to index
        %get3A_790 = tpu.vector_load %arg10[%get3A_787, %get3A_788, %get3A_789] {strides = array<i32>} : memref<4x8x1024xf32, #tpu.memory_space<vmem>>, vector<1x1x16xf32>,
        %get3A_791 = vector.shape_cast %get3A_790 : vector<1x1x16xf32> to vector<16xf32>
        %add3A_792 = arith.addf %get3A_785, %get3A_791 : vector<16xf32>
        %swap3A_793 = arith.constant 0 : i32
        %swap3A_794 = arith.index_cast %swap3A_793 : i32 to index
        %swap3A_795 = arith.index_cast %select_n3A_761 : i32 to index
        %swap3A_796 = arith.index_cast %mul3A_779 : i32 to index
        %swap3A_797 = tpu.vector_load %arg11[%swap3A_794, %swap3A_795, %swap3A_796] {strides = array<i32>} : memref<4x8x1024xf32, #tpu.memory_space<vmem>>, vector<1x1x16xf32>,
        %swap3A_798 = vector.shape_cast %swap3A_797 : vector<1x1x16xf32> to vector<16xf32>
        %swap3A_799 = vector.shape_cast %add3A_792 : vector<16xf32> to vector<1x1x16xf32>
        tpu.vector_store %arg11[%swap3A_794, %swap3A_795, %swap3A_796], %swap3A_799 {strides = array<i32>} : memref<4x8x1024xf32, #tpu.memory_space<vmem>>, vector<1x1x16xf32>,
        %scan3A_800 = arith.constant 6 : i32
        %scan3A_801 = arith.addi %scan3A_404, %scan3A_800 : i32
        %mul3A_802 = arith.constant 1 : i32
        %mul3A_803 = arith.muli %scan3A_801, %mul3A_802 : i32
        %add3A_804 = arith.constant 0 : i32
        %add3A_805 = arith.addi %add3A_804, %mul3A_803 : i32
        %jit3A_806 = arith.constant 64 : i32
        %div3A_807 = arith.divsi %add3A_805, %jit3A_806 : i32
        %sign3A_808 = arith.constant 0 : i32
        %sign3A_809 = arith.cmpi sgt, %add3A_805, %sign3A_808 : i32
        %sign3A_810 = arith.extui %sign3A_809 : i1 to i32
        %sign3A_811 = arith.constant 0 : i32
        %sign3A_812 = arith.cmpi slt, %add3A_805, %sign3A_811 : i32
        %sign3A_813 = arith.extui %sign3A_812 : i1 to i32
        %sign3A_814 = arith.subi %sign3A_810, %sign3A_813 : i32
        %sign3A_815 = arith.constant 0 : i32
        %sign3A_816 = arith.cmpi sgt, %jit3A_806, %sign3A_815 : i32
        %sign3A_817 = arith.extui %sign3A_816 : i1 to i32
        %sign3A_818 = arith.constant 0 : i32
        %sign3A_819 = arith.cmpi slt, %jit3A_806, %sign3A_818 : i32
        %sign3A_820 = arith.extui %sign3A_819 : i1 to i32
        %sign3A_821 = arith.subi %sign3A_817, %sign3A_820 : i32
        %ne3A_822 = arith.cmpi ne, %sign3A_814, %sign3A_821 : i32
        %rem3A_823 = arith.remsi %add3A_805, %jit3A_806 : i32
        %ne3A_824 = arith.constant 0 : i32
        %ne3A_825 = arith.cmpi ne, %rem3A_823, %ne3A_824 : i32
        %and3A_826 = arith.andi %ne3A_822, %ne3A_825 : i1
        %sub3A_827 = arith.constant 1 : i32
        %sub3A_828 = arith.subi %div3A_807, %sub3A_827 : i32
        %select_n3A_829 = arith.select %and3A_826, %sub3A_828, %div3A_807 : i32
        %jit3A_830 = arith.constant 64 : i32
        %eq3A_831 = arith.constant 0 : i32
        %eq3A_832 = arith.cmpi eq, %jit3A_830, %eq3A_831 : i32
        %jit3A_833 = arith.constant 1 : i32
        %select_n3A_834 = arith.select %eq3A_832, %jit3A_833, %jit3A_830 : i32
        %rem3A_835 = arith.remsi %add3A_805, %select_n3A_834 : i32
        %ne3A_836 = arith.constant 0 : i32
        %ne3A_837 = arith.cmpi ne, %rem3A_835, %ne3A_836 : i32
        %lt3A_838 = arith.constant 0 : i32
        %lt3A_839 = arith.cmpi slt, %rem3A_835, %lt3A_838 : i32
        %lt3A_840 = arith.constant 0 : i32
        %lt3A_841 = arith.cmpi slt, %select_n3A_834, %lt3A_840 : i32
        %ne3A_842 = arith.xori %lt3A_839, %lt3A_841 : i1
        %and3A_843 = arith.andi %ne3A_842, %ne3A_837 : i1
        %add3A_844 = arith.addi %rem3A_835, %select_n3A_834 : i32
        %select_n3A_845 = arith.select %and3A_843, %add3A_844, %rem3A_835 : i32
        %mul3A_846 = arith.constant 16 : i32
        %mul3A_847 = arith.muli %select_n3A_845, %mul3A_846 : i32
        %get3A_848 = arith.constant 0 : i32
        %get3A_849 = arith.index_cast %get3A_848 : i32 to index
        %get3A_850 = arith.index_cast %select_n3A_829 : i32 to index
        %get3A_851 = arith.index_cast %mul3A_847 : i32 to index
        %get3A_852 = tpu.vector_load %arg9[%get3A_849, %get3A_850, %get3A_851] {strides = array<i32>} : memref<4x8x1024xf32, #tpu.memory_space<vmem>>, vector<1x1x16xf32>,
        %get3A_853 = vector.shape_cast %get3A_852 : vector<1x1x16xf32> to vector<16xf32>
        %get3A_854 = arith.constant 0 : i32
        %get3A_855 = arith.index_cast %get3A_854 : i32 to index
        %get3A_856 = arith.index_cast %select_n3A_829 : i32 to index
        %get3A_857 = arith.index_cast %mul3A_847 : i32 to index
        %get3A_858 = tpu.vector_load %arg10[%get3A_855, %get3A_856, %get3A_857] {strides = array<i32>} : memref<4x8x1024xf32, #tpu.memory_space<vmem>>, vector<1x1x16xf32>,
        %get3A_859 = vector.shape_cast %get3A_858 : vector<1x1x16xf32> to vector<16xf32>
        %add3A_860 = arith.addf %get3A_853, %get3A_859 : vector<16xf32>
        %swap3A_861 = arith.constant 0 : i32
        %swap3A_862 = arith.index_cast %swap3A_861 : i32 to index
        %swap3A_863 = arith.index_cast %select_n3A_829 : i32 to index
        %swap3A_864 = arith.index_cast %mul3A_847 : i32 to index
        %swap3A_865 = tpu.vector_load %arg11[%swap3A_862, %swap3A_863, %swap3A_864] {strides = array<i32>} : memref<4x8x1024xf32, #tpu.memory_space<vmem>>, vector<1x1x16xf32>,
        %swap3A_866 = vector.shape_cast %swap3A_865 : vector<1x1x16xf32> to vector<16xf32>
        %swap3A_867 = vector.shape_cast %add3A_860 : vector<16xf32> to vector<1x1x16xf32>
        tpu.vector_store %arg11[%swap3A_862, %swap3A_863, %swap3A_864], %swap3A_867 {strides = array<i32>} : memref<4x8x1024xf32, #tpu.memory_space<vmem>>, vector<1x1x16xf32>,
        %scan3A_868 = arith.constant 7 : i32
        %scan3A_869 = arith.addi %scan3A_404, %scan3A_868 : i32
        %mul3A_870 = arith.constant 1 : i32
        %mul3A_871 = arith.muli %scan3A_869, %mul3A_870 : i32
        %add3A_872 = arith.constant 0 : i32
        %add3A_873 = arith.addi %add3A_872, %mul3A_871 : i32
        %jit3A_874 = arith.constant 64 : i32
        %div3A_875 = arith.divsi %add3A_873, %jit3A_874 : i32
        %sign3A_876 = arith.constant 0 : i32
        %sign3A_877 = arith.cmpi sgt, %add3A_873, %sign3A_876 : i32
        %sign3A_878 = arith.extui %sign3A_877 : i1 to i32
        %sign3A_879 = arith.constant 0 : i32
        %sign3A_880 = arith.cmpi slt, %add3A_873, %sign3A_879 : i32
        %sign3A_881 = arith.extui %sign3A_880 : i1 to i32
        %sign3A_882 = arith.subi %sign3A_878, %sign3A_881 : i32
        %sign3A_883 = arith.constant 0 : i32
        %sign3A_884 = arith.cmpi sgt, %jit3A_874, %sign3A_883 : i32
        %sign3A_885 = arith.extui %sign3A_884 : i1 to i32
        %sign3A_886 = arith.constant 0 : i32
        %sign3A_887 = arith.cmpi slt, %jit3A_874, %sign3A_886 : i32
        %sign3A_888 = arith.extui %sign3A_887 : i1 to i32
        %sign3A_889 = arith.subi %sign3A_885, %sign3A_888 : i32
        %ne3A_890 = arith.cmpi ne, %sign3A_882, %sign3A_889 : i32
        %rem3A_891 = arith.remsi %add3A_873, %jit3A_874 : i32
        %ne3A_892 = arith.constant 0 : i32
        %ne3A_893 = arith.cmpi ne, %rem3A_891, %ne3A_892 : i32
        %and3A_894 = arith.andi %ne3A_890, %ne3A_893 : i1
        %sub3A_895 = arith.constant 1 : i32
        %sub3A_896 = arith.subi %div3A_875, %sub3A_895 : i32
        %select_n3A_897 = arith.select %and3A_894, %sub3A_896, %div3A_875 : i32
        %jit3A_898 = arith.constant 64 : i32
        %eq3A_899 = arith.constant 0 : i32
        %eq3A_900 = arith.cmpi eq, %jit3A_898, %eq3A_899 : i32
        %jit3A_901 = arith.constant 1 : i32
        %select_n3A_902 = arith.select %eq3A_900, %jit3A_901, %jit3A_898 : i32
        %rem3A_903 = arith.remsi %add3A_873, %select_n3A_902 : i32
        %ne3A_904 = arith.constant 0 : i32
        %ne3A_905 = arith.cmpi ne, %rem3A_903, %ne3A_904 : i32
        %lt3A_906 = arith.constant 0 : i32
        %lt3A_907 = arith.cmpi slt, %rem3A_903, %lt3A_906 : i32
        %lt3A_908 = arith.constant 0 : i32
        %lt3A_909 = arith.cmpi slt, %select_n3A_902, %lt3A_908 : i32
        %ne3A_910 = arith.xori %lt3A_907, %lt3A_909 : i1
        %and3A_911 = arith.andi %ne3A_910, %ne3A_905 : i1
        %add3A_912 = arith.addi %rem3A_903, %select_n3A_902 : i32
        %select_n3A_913 = arith.select %and3A_911, %add3A_912, %rem3A_903 : i32
        %mul3A_914 = arith.constant 16 : i32
        %mul3A_915 = arith.muli %select_n3A_913, %mul3A_914 : i32
        %get3A_916 = arith.constant 0 : i32
        %get3A_917 = arith.index_cast %get3A_916 : i32 to index
        %get3A_918 = arith.index_cast %select_n3A_897 : i32 to index
        %get3A_919 = arith.index_cast %mul3A_915 : i32 to index
        %get3A_920 = tpu.vector_load %arg9[%get3A_917, %get3A_918, %get3A_919] {strides = array<i32>} : memref<4x8x1024xf32, #tpu.memory_space<vmem>>, vector<1x1x16xf32>,
        %get3A_921 = vector.shape_cast %get3A_920 : vector<1x1x16xf32> to vector<16xf32>
        %get3A_922 = arith.constant 0 : i32
        %get3A_923 = arith.index_cast %get3A_922 : i32 to index
        %get3A_924 = arith.index_cast %select_n3A_897 : i32 to index
        %get3A_925 = arith.index_cast %mul3A_915 : i32 to index
        %get3A_926 = tpu.vector_load %arg10[%get3A_923, %get3A_924, %get3A_925] {strides = array<i32>} : memref<4x8x1024xf32, #tpu.memory_space<vmem>>, vector<1x1x16xf32>,
        %get3A_927 = vector.shape_cast %get3A_926 : vector<1x1x16xf32> to vector<16xf32>
        %add3A_928 = arith.addf %get3A_921, %get3A_927 : vector<16xf32>
        %swap3A_929 = arith.constant 0 : i32
        %swap3A_930 = arith.index_cast %swap3A_929 : i32 to index
        %swap3A_931 = arith.index_cast %select_n3A_897 : i32 to index
        %swap3A_932 = arith.index_cast %mul3A_915 : i32 to index
        %swap3A_933 = tpu.vector_load %arg11[%swap3A_930, %swap3A_931, %swap3A_932] {strides = array<i32>} : memref<4x8x1024xf32, #tpu.memory_space<vmem>>, vector<1x1x16xf32>,
        %swap3A_934 = vector.shape_cast %swap3A_933 : vector<1x1x16xf32> to vector<16xf32>
        %swap3A_935 = vector.shape_cast %add3A_928 : vector<16xf32> to vector<1x1x16xf32>
        tpu.vector_store %arg11[%swap3A_930, %swap3A_931, %swap3A_932], %swap3A_935 {strides = array<i32>} : memref<4x8x1024xf32, #tpu.memory_space<vmem>>, vector<1x1x16xf32>,
      }
      %scan3A_208 = arith.constant 512 : i32
      %lt3A = arith.constant 31 : i32
      %lt3A_209 = arith.cmpi slt, %add3A_175, %lt3A : i32
      %convert_element_type3A_210 = arith.extui %lt3A_209 : i1 to i32
      %cond3A_211 = arith.constant 0 : i32
      %cond3A_212 = arith.cmpi ne, %convert_element_type3A_210, %cond3A_211 : i32
      scf.if %cond3A_212 {
        %add3A_404 = arith.constant 4 : i32
        %add3A_405 = arith.addi %add3A_179, %add3A_404 : i32
        %dma_start3A_406 = arith.constant 0 : i32
        %dma_start3A_407 = arith.constant 0 : i32
        %dma_start3A_408 = arith.constant 0 : i32
        %dma_start3A_409 = tpu.memref_slice %arg9[%dma_start3A_406, %dma_start3A_407, %dma_start3A_408] : memref<4x8x1024xf32, #tpu.memory_space<vmem>> -> memref<1x8x1024xf32, #tpu.memory_space<vmem>>
        %dma_start3A_410 = tpu.memref_squeeze %dma_start3A_409 : memref<1x8x1024xf32, #tpu.memory_space<vmem>> -> memref<8x1024xf32, #tpu.memory_space<vmem>>
        %dma_start3A_411 = arith.constant 0 : i32
        %dma_start3A_412 = tpu.memref_slice %arg7[%add3A_405, %dma_start3A_411] : memref<128x8xi32, #tpu.memory_space<vmem>> -> memref<1x8xi32, #tpu.memory_space<vmem>>
        %dma_start3A_413 = tpu.memref_squeeze %dma_start3A_412 : memref<1x8xi32, #tpu.memory_space<vmem>> -> memref<8xi32, #tpu.memory_space<vmem>>
        %dma_start3A_414 = arith.constant 0 : i32
        %dma_start3A_415 = arith.constant 0 : i32
        %dma_start3A_416 = tpu.memref_slice %arg4[%dma_start3A_414, %dma_start3A_415] : memref<100000x1024xf32, #tpu.memory_space<hbm>> -> memref<100000x1024xf32, #tpu.memory_space<hbm>>
        tpu.enqueue_indirect_dma source(%dma_start3A_416 : memref<100000x1024xf32, #tpu.memory_space<hbm>>) target(%dma_start3A_410 : memref<8x1024xf32, #tpu.memory_space<vmem>>) offsets(%dma_start3A_413 : memref<8xi32, #tpu.memory_space<vmem>>) semaphore(%arg12 : memref<!tpu.dma_semaphore, #tpu.memory_space<semaphore_mem>>)
        %dma_start3A_417 = arith.constant 0 : i32
        %dma_start3A_418 = arith.constant 0 : i32
        %dma_start3A_419 = arith.constant 0 : i32
        %dma_start3A_420 = tpu.memref_slice %arg10[%dma_start3A_417, %dma_start3A_418, %dma_start3A_419] : memref<4x8x1024xf32, #tpu.memory_space<vmem>> -> memref<1x8x1024xf32, #tpu.memory_space<vmem>>
        %dma_start3A_421 = tpu.memref_squeeze %dma_start3A_420 : memref<1x8x1024xf32, #tpu.memory_space<vmem>> -> memref<8x1024xf32, #tpu.memory_space<vmem>>
        %dma_start3A_422 = arith.constant 0 : i32
        %dma_start3A_423 = tpu.memref_slice %arg8[%add3A_405, %dma_start3A_422] : memref<128x8xi32, #tpu.memory_space<vmem>> -> memref<1x8xi32, #tpu.memory_space<vmem>>
        %dma_start3A_424 = tpu.memref_squeeze %dma_start3A_423 : memref<1x8xi32, #tpu.memory_space<vmem>> -> memref<8xi32, #tpu.memory_space<vmem>>
        %dma_start3A_425 = arith.constant 0 : i32
        %dma_start3A_426 = arith.constant 0 : i32
        %dma_start3A_427 = tpu.memref_slice %arg5[%dma_start3A_425, %dma_start3A_426] : memref<8192x1024xf32, #tpu.memory_space<hbm>> -> memref<8192x1024xf32, #tpu.memory_space<hbm>>
        tpu.enqueue_indirect_dma source(%dma_start3A_427 : memref<8192x1024xf32, #tpu.memory_space<hbm>>) target(%dma_start3A_421 : memref<8x1024xf32, #tpu.memory_space<vmem>>) offsets(%dma_start3A_424 : memref<8xi32, #tpu.memory_space<vmem>>) semaphore(%arg16 : memref<!tpu.dma_semaphore, #tpu.memory_space<semaphore_mem>>)
      } else {
      }
      %dma_start3A_213 = arith.constant 0 : i32
      %dma_start3A_214 = arith.constant 0 : i32
      %dma_start3A_215 = arith.constant 0 : i32
      %dma_start3A_216 = tpu.memref_slice %arg11[%dma_start3A_213, %dma_start3A_214, %dma_start3A_215] : memref<4x8x1024xf32, #tpu.memory_space<vmem>> -> memref<1x8x1024xf32, #tpu.memory_space<vmem>>
      %dma_start3A_217 = tpu.memref_squeeze %dma_start3A_216 : memref<1x8x1024xf32, #tpu.memory_space<vmem>> -> memref<8x1024xf32, #tpu.memory_space<vmem>>
      %dma_start3A_218 = arith.constant 0 : i32
      %dma_start3A_219 = arith.constant 0 : i32
      %dma_start3A_220 = tpu.memref_slice %arg6[%add3A, %add3A_179, %dma_start3A_218, %dma_start3A_219] : memref<32x128x8x1024xf32, #tpu.memory_space<hbm>> -> memref<1x1x8x1024xf32, #tpu.memory_space<hbm>>
      %dma_start3A_221 = tpu.memref_squeeze %dma_start3A_220 : memref<1x1x8x1024xf32, #tpu.memory_space<hbm>> -> memref<8x1024xf32, #tpu.memory_space<hbm>>
      %dma_start3A_222 = arith.constant 0 : i32
      %dma_start3A_223 = arith.constant 0 : i32
      %dma_start3A_224 = tpu.memref_slice %arg6[%add3A, %add3A_179, %dma_start3A_222, %dma_start3A_223] : memref<32x128x8x1024xf32, #tpu.memory_space<hbm>> -> memref<1x1x8x1024xf32, #tpu.memory_space<hbm>>
      %dma_start3A_225 = tpu.memref_squeeze %dma_start3A_224 : memref<1x1x8x1024xf32, #tpu.memory_space<hbm>> -> memref<8x1024xf32, #tpu.memory_space<hbm>>
      %dma_start3A_226 = arith.constant 0 : i32
      %dma_start3A_227 = arith.constant 0 : i32
      %dma_start3A_228 = tpu.memref_slice %arg11[%dma_start3A_213, %dma_start3A_226, %dma_start3A_227] : memref<4x8x1024xf32, #tpu.memory_space<vmem>> -> memref<1x8x1024xf32, #tpu.memory_space<vmem>>
      %dma_start3A_229 = tpu.memref_squeeze %dma_start3A_228 : memref<1x8x1024xf32, #tpu.memory_space<vmem>> -> memref<8x1024xf32, #tpu.memory_space<vmem>>
      tpu.enqueue_dma source(%dma_start3A_229 : memref<8x1024xf32, #tpu.memory_space<vmem>>) target(%dma_start3A_225 : memref<8x1024xf32, #tpu.memory_space<hbm>>) target_semaphore(%arg20 : memref<!tpu.dma_semaphore, #tpu.memory_space<semaphore_mem>>)
      %mul3A_230 = arith.constant 4 : i32
      %mul3A_231 = arith.muli %add3A_175, %mul3A_230 : i32
      %add3A_232 = arith.constant 1 : i32
      %add3A_233 = arith.addi %mul3A_231, %add3A_232 : i32
      %dma_wait3A_234 = arith.constant 1 : i32
      %dma_wait3A_235 = arith.constant 0 : i32
      %dma_wait3A_236 = arith.constant 0 : i32
      %dma_wait3A_237 = tpu.memref_slice %arg9[%dma_wait3A_234, %dma_wait3A_235, %dma_wait3A_236] : memref<4x8x1024xf32, #tpu.memory_space<vmem>> -> memref<1x8x1024xf32, #tpu.memory_space<vmem>>
      %dma_wait3A_238 = tpu.memref_squeeze %dma_wait3A_237 : memref<1x8x1024xf32, #tpu.memory_space<vmem>> -> memref<8x1024xf32, #tpu.memory_space<vmem>>
      %dma_wait3A_239 = arith.constant 0 : i32
      %dma_wait3A_240 = tpu.memref_slice %arg7[%add3A_233, %dma_wait3A_239] : memref<128x8xi32, #tpu.memory_space<vmem>> -> memref<1x8xi32, #tpu.memory_space<vmem>>
      %dma_wait3A_241 = tpu.memref_squeeze %dma_wait3A_240 : memref<1x8xi32, #tpu.memory_space<vmem>> -> memref<8xi32, #tpu.memory_space<vmem>>
      %dma_wait3A_242 = arith.constant 0 : i32
      %dma_wait3A_243 = arith.constant 0 : i32
      %dma_wait3A_244 = tpu.memref_slice %arg4[%dma_wait3A_242, %dma_wait3A_243] : memref<100000x1024xf32, #tpu.memory_space<hbm>> -> memref<100000x1024xf32, #tpu.memory_space<hbm>>
      tpu.wait_indirect_dma semaphore(%arg13 : memref<!tpu.dma_semaphore, #tpu.memory_space<semaphore_mem>>) src(%dma_wait3A_244 : memref<100000x1024xf32, #tpu.memory_space<hbm>>) dst(%dma_wait3A_238 : memref<8x1024xf32, #tpu.memory_space<vmem>>)
      %dma_wait3A_245 = arith.constant 1 : i32
      %dma_wait3A_246 = arith.constant 0 : i32
      %dma_wait3A_247 = arith.constant 0 : i32
      %dma_wait3A_248 = tpu.memref_slice %arg10[%dma_wait3A_245, %dma_wait3A_246, %dma_wait3A_247] : memref<4x8x1024xf32, #tpu.memory_space<vmem>> -> memref<1x8x1024xf32, #tpu.memory_space<vmem>>
      %dma_wait3A_249 = tpu.memref_squeeze %dma_wait3A_248 : memref<1x8x1024xf32, #tpu.memory_space<vmem>> -> memref<8x1024xf32, #tpu.memory_space<vmem>>
      %dma_wait3A_250 = arith.constant 0 : i32
      %dma_wait3A_251 = tpu.memref_slice %arg8[%add3A_233, %dma_wait3A_250] : memref<128x8xi32, #tpu.memory_space<vmem>> -> memref<1x8xi32, #tpu.memory_space<vmem>>
      %dma_wait3A_252 = tpu.memref_squeeze %dma_wait3A_251 : memref<1x8xi32, #tpu.memory_space<vmem>> -> memref<8xi32, #tpu.memory_space<vmem>>
      %dma_wait3A_253 = arith.constant 0 : i32
      %dma_wait3A_254 = arith.constant 0 : i32
      %dma_wait3A_255 = tpu.memref_slice %arg5[%dma_wait3A_253, %dma_wait3A_254] : memref<8192x1024xf32, #tpu.memory_space<hbm>> -> memref<8192x1024xf32, #tpu.memory_space<hbm>>
      tpu.wait_indirect_dma semaphore(%arg17 : memref<!tpu.dma_semaphore, #tpu.memory_space<semaphore_mem>>) src(%dma_wait3A_255 : memref<8192x1024xf32, #tpu.memory_space<hbm>>) dst(%dma_wait3A_249 : memref<8x1024xf32, #tpu.memory_space<vmem>>)
      %ge3A_256 = arith.constant 1 : i32
      %ge3A_257 = arith.cmpi sge, %add3A_175, %ge3A_256 : i32
      %convert_element_type3A_258 = arith.extui %ge3A_257 : i1 to i32
      %cond3A_259 = arith.constant 0 : i32
      %cond3A_260 = arith.cmpi ne, %convert_element_type3A_258, %cond3A_259 : i32
      scf.if %cond3A_260 {
        %dma_wait3A_404 = arith.constant 1 : i32
        %dma_wait3A_405 = arith.constant 0 : i32
        %dma_wait3A_406 = arith.constant 0 : i32
        %dma_wait3A_407 = tpu.memref_slice %arg11[%dma_wait3A_404, %dma_wait3A_405, %dma_wait3A_406] : memref<4x8x1024xf32, #tpu.memory_space<vmem>> -> memref<1x8x1024xf32, #tpu.memory_space<vmem>>
        %dma_wait3A_408 = tpu.memref_squeeze %dma_wait3A_407 : memref<1x8x1024xf32, #tpu.memory_space<vmem>> -> memref<8x1024xf32, #tpu.memory_space<vmem>>
        %dma_wait3A_409 = arith.constant 0 : i32
        %dma_wait3A_410 = arith.constant 0 : i32
        %dma_wait3A_411 = tpu.memref_slice %arg6[%add3A, %add3A_233, %dma_wait3A_409, %dma_wait3A_410] : memref<32x128x8x1024xf32, #tpu.memory_space<hbm>> -> memref<1x1x8x1024xf32, #tpu.memory_space<hbm>>
        %dma_wait3A_412 = tpu.memref_squeeze %dma_wait3A_411 : memref<1x1x8x1024xf32, #tpu.memory_space<hbm>> -> memref<8x1024xf32, #tpu.memory_space<hbm>>
        %dma_wait3A_413 = arith.constant 0 : i32
        %dma_wait3A_414 = arith.constant 0 : i32
        %dma_wait3A_415 = tpu.memref_slice %arg6[%add3A, %add3A_233, %dma_wait3A_413, %dma_wait3A_414] : memref<32x128x8x1024xf32, #tpu.memory_space<hbm>> -> memref<1x1x8x1024xf32, #tpu.memory_space<hbm>>
        %dma_wait3A_416 = tpu.memref_squeeze %dma_wait3A_415 : memref<1x1x8x1024xf32, #tpu.memory_space<hbm>> -> memref<8x1024xf32, #tpu.memory_space<hbm>>
        %dma_wait3A_417 = arith.constant 0 : i32
        %dma_wait3A_418 = arith.constant 0 : i32
        %dma_wait3A_419 = tpu.memref_slice %arg11[%dma_wait3A_404, %dma_wait3A_417, %dma_wait3A_418] : memref<4x8x1024xf32, #tpu.memory_space<vmem>> -> memref<1x8x1024xf32, #tpu.memory_space<vmem>>
        %dma_wait3A_420 = tpu.memref_squeeze %dma_wait3A_419 : memref<1x8x1024xf32, #tpu.memory_space<vmem>> -> memref<8x1024xf32, #tpu.memory_space<vmem>>
        tpu.wait_dma2 semaphore(%arg21 : memref<!tpu.dma_semaphore, #tpu.memory_space<semaphore_mem>>) src(%dma_wait3A_420 : memref<8x1024xf32, #tpu.memory_space<vmem>>) dst(%dma_wait3A_416 : memref<8x1024xf32, #tpu.memory_space<hbm>>)
      } else {
      }
      %scan3A_261 = arith.constant 0 : i32
      %scan3A_262 = arith.constant 512 : i32
      %scan3A_263 = arith.addi %scan3A_261, %scan3A_262 : i32
      %scan3A_264 = arith.constant 8 : i32
      scf.for %scan3A_404 = %scan3A_261 to %scan3A_263 step %scan3A_264  : i32 {
        %mul3A_405 = arith.constant 1 : i32
        %mul3A_406 = arith.muli %scan3A_404, %mul3A_405 : i32
        %add3A_407 = arith.constant 0 : i32
        %add3A_408 = arith.addi %add3A_407, %mul3A_406 : i32
        %jit3A = arith.constant 64 : i32
        %div3A = arith.divsi %add3A_408, %jit3A : i32
        %sign3A = arith.constant 0 : i32
        %sign3A_409 = arith.cmpi sgt, %add3A_408, %sign3A : i32
        %sign3A_410 = arith.extui %sign3A_409 : i1 to i32
        %sign3A_411 = arith.constant 0 : i32
        %sign3A_412 = arith.cmpi slt, %add3A_408, %sign3A_411 : i32
        %sign3A_413 = arith.extui %sign3A_412 : i1 to i32
        %sign3A_414 = arith.subi %sign3A_410, %sign3A_413 : i32
        %sign3A_415 = arith.constant 0 : i32
        %sign3A_416 = arith.cmpi sgt, %jit3A, %sign3A_415 : i32
        %sign3A_417 = arith.extui %sign3A_416 : i1 to i32
        %sign3A_418 = arith.constant 0 : i32
        %sign3A_419 = arith.cmpi slt, %jit3A, %sign3A_418 : i32
        %sign3A_420 = arith.extui %sign3A_419 : i1 to i32
        %sign3A_421 = arith.subi %sign3A_417, %sign3A_420 : i32
        %ne3A = arith.cmpi ne, %sign3A_414, %sign3A_421 : i32
        %rem3A = arith.remsi %add3A_408, %jit3A : i32
        %ne3A_422 = arith.constant 0 : i32
        %ne3A_423 = arith.cmpi ne, %rem3A, %ne3A_422 : i32
        %and3A = arith.andi %ne3A, %ne3A_423 : i1
        %sub3A = arith.constant 1 : i32
        %sub3A_424 = arith.subi %div3A, %sub3A : i32
        %select_n3A = arith.select %and3A, %sub3A_424, %div3A : i32
        %jit3A_425 = arith.constant 64 : i32
        %eq3A = arith.constant 0 : i32
        %eq3A_426 = arith.cmpi eq, %jit3A_425, %eq3A : i32
        %jit3A_427 = arith.constant 1 : i32
        %select_n3A_428 = arith.select %eq3A_426, %jit3A_427, %jit3A_425 : i32
        %rem3A_429 = arith.remsi %add3A_408, %select_n3A_428 : i32
        %ne3A_430 = arith.constant 0 : i32
        %ne3A_431 = arith.cmpi ne, %rem3A_429, %ne3A_430 : i32
        %lt3A_432 = arith.constant 0 : i32
        %lt3A_433 = arith.cmpi slt, %rem3A_429, %lt3A_432 : i32
        %lt3A_434 = arith.constant 0 : i32
        %lt3A_435 = arith.cmpi slt, %select_n3A_428, %lt3A_434 : i32
        %ne3A_436 = arith.xori %lt3A_433, %lt3A_435 : i1
        %and3A_437 = arith.andi %ne3A_436, %ne3A_431 : i1
        %add3A_438 = arith.addi %rem3A_429, %select_n3A_428 : i32
        %select_n3A_439 = arith.select %and3A_437, %add3A_438, %rem3A_429 : i32
        %mul3A_440 = arith.constant 16 : i32
        %mul3A_441 = arith.muli %select_n3A_439, %mul3A_440 : i32
        %get3A = arith.constant 1 : i32
        %get3A_442 = arith.index_cast %get3A : i32 to index
        %get3A_443 = arith.index_cast %select_n3A : i32 to index
        %get3A_444 = arith.index_cast %mul3A_441 : i32 to index
        %get3A_445 = tpu.vector_load %arg9[%get3A_442, %get3A_443, %get3A_444] {strides = array<i32>} : memref<4x8x1024xf32, #tpu.memory_space<vmem>>, vector<1x1x16xf32>,
        %get3A_446 = vector.shape_cast %get3A_445 : vector<1x1x16xf32> to vector<16xf32>
        %get3A_447 = arith.constant 1 : i32
        %get3A_448 = arith.index_cast %get3A_447 : i32 to index
        %get3A_449 = arith.index_cast %select_n3A : i32 to index
        %get3A_450 = arith.index_cast %mul3A_441 : i32 to index
        %get3A_451 = tpu.vector_load %arg10[%get3A_448, %get3A_449, %get3A_450] {strides = array<i32>} : memref<4x8x1024xf32, #tpu.memory_space<vmem>>, vector<1x1x16xf32>,
        %get3A_452 = vector.shape_cast %get3A_451 : vector<1x1x16xf32> to vector<16xf32>
        %add3A_453 = arith.addf %get3A_446, %get3A_452 : vector<16xf32>
        %swap3A = arith.constant 1 : i32
        %swap3A_454 = arith.index_cast %swap3A : i32 to index
        %swap3A_455 = arith.index_cast %select_n3A : i32 to index
        %swap3A_456 = arith.index_cast %mul3A_441 : i32 to index
        %swap3A_457 = tpu.vector_load %arg11[%swap3A_454, %swap3A_455, %swap3A_456] {strides = array<i32>} : memref<4x8x1024xf32, #tpu.memory_space<vmem>>, vector<1x1x16xf32>,
        %swap3A_458 = vector.shape_cast %swap3A_457 : vector<1x1x16xf32> to vector<16xf32>
        %swap3A_459 = vector.shape_cast %add3A_453 : vector<16xf32> to vector<1x1x16xf32>
        tpu.vector_store %arg11[%swap3A_454, %swap3A_455, %swap3A_456], %swap3A_459 {strides = array<i32>} : memref<4x8x1024xf32, #tpu.memory_space<vmem>>, vector<1x1x16xf32>,
        %scan3A_460 = arith.constant 1 : i32
        %scan3A_461 = arith.addi %scan3A_404, %scan3A_460 : i32
        %mul3A_462 = arith.constant 1 : i32
        %mul3A_463 = arith.muli %scan3A_461, %mul3A_462 : i32
        %add3A_464 = arith.constant 0 : i32
        %add3A_465 = arith.addi %add3A_464, %mul3A_463 : i32
        %jit3A_466 = arith.constant 64 : i32
        %div3A_467 = arith.divsi %add3A_465, %jit3A_466 : i32
        %sign3A_468 = arith.constant 0 : i32
        %sign3A_469 = arith.cmpi sgt, %add3A_465, %sign3A_468 : i32
        %sign3A_470 = arith.extui %sign3A_469 : i1 to i32
        %sign3A_471 = arith.constant 0 : i32
        %sign3A_472 = arith.cmpi slt, %add3A_465, %sign3A_471 : i32
        %sign3A_473 = arith.extui %sign3A_472 : i1 to i32
        %sign3A_474 = arith.subi %sign3A_470, %sign3A_473 : i32
        %sign3A_475 = arith.constant 0 : i32
        %sign3A_476 = arith.cmpi sgt, %jit3A_466, %sign3A_475 : i32
        %sign3A_477 = arith.extui %sign3A_476 : i1 to i32
        %sign3A_478 = arith.constant 0 : i32
        %sign3A_479 = arith.cmpi slt, %jit3A_466, %sign3A_478 : i32
        %sign3A_480 = arith.extui %sign3A_479 : i1 to i32
        %sign3A_481 = arith.subi %sign3A_477, %sign3A_480 : i32
        %ne3A_482 = arith.cmpi ne, %sign3A_474, %sign3A_481 : i32
        %rem3A_483 = arith.remsi %add3A_465, %jit3A_466 : i32
        %ne3A_484 = arith.constant 0 : i32
        %ne3A_485 = arith.cmpi ne, %rem3A_483, %ne3A_484 : i32
        %and3A_486 = arith.andi %ne3A_482, %ne3A_485 : i1
        %sub3A_487 = arith.constant 1 : i32
        %sub3A_488 = arith.subi %div3A_467, %sub3A_487 : i32
        %select_n3A_489 = arith.select %and3A_486, %sub3A_488, %div3A_467 : i32
        %jit3A_490 = arith.constant 64 : i32
        %eq3A_491 = arith.constant 0 : i32
        %eq3A_492 = arith.cmpi eq, %jit3A_490, %eq3A_491 : i32
        %jit3A_493 = arith.constant 1 : i32
        %select_n3A_494 = arith.select %eq3A_492, %jit3A_493, %jit3A_490 : i32
        %rem3A_495 = arith.remsi %add3A_465, %select_n3A_494 : i32
        %ne3A_496 = arith.constant 0 : i32
        %ne3A_497 = arith.cmpi ne, %rem3A_495, %ne3A_496 : i32
        %lt3A_498 = arith.constant 0 : i32
        %lt3A_499 = arith.cmpi slt, %rem3A_495, %lt3A_498 : i32
        %lt3A_500 = arith.constant 0 : i32
        %lt3A_501 = arith.cmpi slt, %select_n3A_494, %lt3A_500 : i32
        %ne3A_502 = arith.xori %lt3A_499, %lt3A_501 : i1
        %and3A_503 = arith.andi %ne3A_502, %ne3A_497 : i1
        %add3A_504 = arith.addi %rem3A_495, %select_n3A_494 : i32
        %select_n3A_505 = arith.select %and3A_503, %add3A_504, %rem3A_495 : i32
        %mul3A_506 = arith.constant 16 : i32
        %mul3A_507 = arith.muli %select_n3A_505, %mul3A_506 : i32
        %get3A_508 = arith.constant 1 : i32
        %get3A_509 = arith.index_cast %get3A_508 : i32 to index
        %get3A_510 = arith.index_cast %select_n3A_489 : i32 to index
        %get3A_511 = arith.index_cast %mul3A_507 : i32 to index
        %get3A_512 = tpu.vector_load %arg9[%get3A_509, %get3A_510, %get3A_511] {strides = array<i32>} : memref<4x8x1024xf32, #tpu.memory_space<vmem>>, vector<1x1x16xf32>,
        %get3A_513 = vector.shape_cast %get3A_512 : vector<1x1x16xf32> to vector<16xf32>
        %get3A_514 = arith.constant 1 : i32
        %get3A_515 = arith.index_cast %get3A_514 : i32 to index
        %get3A_516 = arith.index_cast %select_n3A_489 : i32 to index
        %get3A_517 = arith.index_cast %mul3A_507 : i32 to index
        %get3A_518 = tpu.vector_load %arg10[%get3A_515, %get3A_516, %get3A_517] {strides = array<i32>} : memref<4x8x1024xf32, #tpu.memory_space<vmem>>, vector<1x1x16xf32>,
        %get3A_519 = vector.shape_cast %get3A_518 : vector<1x1x16xf32> to vector<16xf32>
        %add3A_520 = arith.addf %get3A_513, %get3A_519 : vector<16xf32>
        %swap3A_521 = arith.constant 1 : i32
        %swap3A_522 = arith.index_cast %swap3A_521 : i32 to index
        %swap3A_523 = arith.index_cast %select_n3A_489 : i32 to index
        %swap3A_524 = arith.index_cast %mul3A_507 : i32 to index
        %swap3A_525 = tpu.vector_load %arg11[%swap3A_522, %swap3A_523, %swap3A_524] {strides = array<i32>} : memref<4x8x1024xf32, #tpu.memory_space<vmem>>, vector<1x1x16xf32>,
        %swap3A_526 = vector.shape_cast %swap3A_525 : vector<1x1x16xf32> to vector<16xf32>
        %swap3A_527 = vector.shape_cast %add3A_520 : vector<16xf32> to vector<1x1x16xf32>
        tpu.vector_store %arg11[%swap3A_522, %swap3A_523, %swap3A_524], %swap3A_527 {strides = array<i32>} : memref<4x8x1024xf32, #tpu.memory_space<vmem>>, vector<1x1x16xf32>,
        %scan3A_528 = arith.constant 2 : i32
        %scan3A_529 = arith.addi %scan3A_404, %scan3A_528 : i32
        %mul3A_530 = arith.constant 1 : i32
        %mul3A_531 = arith.muli %scan3A_529, %mul3A_530 : i32
        %add3A_532 = arith.constant 0 : i32
        %add3A_533 = arith.addi %add3A_532, %mul3A_531 : i32
        %jit3A_534 = arith.constant 64 : i32
        %div3A_535 = arith.divsi %add3A_533, %jit3A_534 : i32
        %sign3A_536 = arith.constant 0 : i32
        %sign3A_537 = arith.cmpi sgt, %add3A_533, %sign3A_536 : i32
        %sign3A_538 = arith.extui %sign3A_537 : i1 to i32
        %sign3A_539 = arith.constant 0 : i32
        %sign3A_540 = arith.cmpi slt, %add3A_533, %sign3A_539 : i32
        %sign3A_541 = arith.extui %sign3A_540 : i1 to i32
        %sign3A_542 = arith.subi %sign3A_538, %sign3A_541 : i32
        %sign3A_543 = arith.constant 0 : i32
        %sign3A_544 = arith.cmpi sgt, %jit3A_534, %sign3A_543 : i32
        %sign3A_545 = arith.extui %sign3A_544 : i1 to i32
        %sign3A_546 = arith.constant 0 : i32
        %sign3A_547 = arith.cmpi slt, %jit3A_534, %sign3A_546 : i32
        %sign3A_548 = arith.extui %sign3A_547 : i1 to i32
        %sign3A_549 = arith.subi %sign3A_545, %sign3A_548 : i32
        %ne3A_550 = arith.cmpi ne, %sign3A_542, %sign3A_549 : i32
        %rem3A_551 = arith.remsi %add3A_533, %jit3A_534 : i32
        %ne3A_552 = arith.constant 0 : i32
        %ne3A_553 = arith.cmpi ne, %rem3A_551, %ne3A_552 : i32
        %and3A_554 = arith.andi %ne3A_550, %ne3A_553 : i1
        %sub3A_555 = arith.constant 1 : i32
        %sub3A_556 = arith.subi %div3A_535, %sub3A_555 : i32
        %select_n3A_557 = arith.select %and3A_554, %sub3A_556, %div3A_535 : i32
        %jit3A_558 = arith.constant 64 : i32
        %eq3A_559 = arith.constant 0 : i32
        %eq3A_560 = arith.cmpi eq, %jit3A_558, %eq3A_559 : i32
        %jit3A_561 = arith.constant 1 : i32
        %select_n3A_562 = arith.select %eq3A_560, %jit3A_561, %jit3A_558 : i32
        %rem3A_563 = arith.remsi %add3A_533, %select_n3A_562 : i32
        %ne3A_564 = arith.constant 0 : i32
        %ne3A_565 = arith.cmpi ne, %rem3A_563, %ne3A_564 : i32
        %lt3A_566 = arith.constant 0 : i32
        %lt3A_567 = arith.cmpi slt, %rem3A_563, %lt3A_566 : i32
        %lt3A_568 = arith.constant 0 : i32
        %lt3A_569 = arith.cmpi slt, %select_n3A_562, %lt3A_568 : i32
        %ne3A_570 = arith.xori %lt3A_567, %lt3A_569 : i1
        %and3A_571 = arith.andi %ne3A_570, %ne3A_565 : i1
        %add3A_572 = arith.addi %rem3A_563, %select_n3A_562 : i32
        %select_n3A_573 = arith.select %and3A_571, %add3A_572, %rem3A_563 : i32
        %mul3A_574 = arith.constant 16 : i32
        %mul3A_575 = arith.muli %select_n3A_573, %mul3A_574 : i32
        %get3A_576 = arith.constant 1 : i32
        %get3A_577 = arith.index_cast %get3A_576 : i32 to index
        %get3A_578 = arith.index_cast %select_n3A_557 : i32 to index
        %get3A_579 = arith.index_cast %mul3A_575 : i32 to index
        %get3A_580 = tpu.vector_load %arg9[%get3A_577, %get3A_578, %get3A_579] {strides = array<i32>} : memref<4x8x1024xf32, #tpu.memory_space<vmem>>, vector<1x1x16xf32>,
        %get3A_581 = vector.shape_cast %get3A_580 : vector<1x1x16xf32> to vector<16xf32>
        %get3A_582 = arith.constant 1 : i32
        %get3A_583 = arith.index_cast %get3A_582 : i32 to index
        %get3A_584 = arith.index_cast %select_n3A_557 : i32 to index
        %get3A_585 = arith.index_cast %mul3A_575 : i32 to index
        %get3A_586 = tpu.vector_load %arg10[%get3A_583, %get3A_584, %get3A_585] {strides = array<i32>} : memref<4x8x1024xf32, #tpu.memory_space<vmem>>, vector<1x1x16xf32>,
        %get3A_587 = vector.shape_cast %get3A_586 : vector<1x1x16xf32> to vector<16xf32>
        %add3A_588 = arith.addf %get3A_581, %get3A_587 : vector<16xf32>
        %swap3A_589 = arith.constant 1 : i32
        %swap3A_590 = arith.index_cast %swap3A_589 : i32 to index
        %swap3A_591 = arith.index_cast %select_n3A_557 : i32 to index
        %swap3A_592 = arith.index_cast %mul3A_575 : i32 to index
        %swap3A_593 = tpu.vector_load %arg11[%swap3A_590, %swap3A_591, %swap3A_592] {strides = array<i32>} : memref<4x8x1024xf32, #tpu.memory_space<vmem>>, vector<1x1x16xf32>,
        %swap3A_594 = vector.shape_cast %swap3A_593 : vector<1x1x16xf32> to vector<16xf32>
        %swap3A_595 = vector.shape_cast %add3A_588 : vector<16xf32> to vector<1x1x16xf32>
        tpu.vector_store %arg11[%swap3A_590, %swap3A_591, %swap3A_592], %swap3A_595 {strides = array<i32>} : memref<4x8x1024xf32, #tpu.memory_space<vmem>>, vector<1x1x16xf32>,
        %scan3A_596 = arith.constant 3 : i32
        %scan3A_597 = arith.addi %scan3A_404, %scan3A_596 : i32
        %mul3A_598 = arith.constant 1 : i32
        %mul3A_599 = arith.muli %scan3A_597, %mul3A_598 : i32
        %add3A_600 = arith.constant 0 : i32
        %add3A_601 = arith.addi %add3A_600, %mul3A_599 : i32
        %jit3A_602 = arith.constant 64 : i32
        %div3A_603 = arith.divsi %add3A_601, %jit3A_602 : i32
        %sign3A_604 = arith.constant 0 : i32
        %sign3A_605 = arith.cmpi sgt, %add3A_601, %sign3A_604 : i32
        %sign3A_606 = arith.extui %sign3A_605 : i1 to i32
        %sign3A_607 = arith.constant 0 : i32
        %sign3A_608 = arith.cmpi slt, %add3A_601, %sign3A_607 : i32
        %sign3A_609 = arith.extui %sign3A_608 : i1 to i32
        %sign3A_610 = arith.subi %sign3A_606, %sign3A_609 : i32
        %sign3A_611 = arith.constant 0 : i32
        %sign3A_612 = arith.cmpi sgt, %jit3A_602, %sign3A_611 : i32
        %sign3A_613 = arith.extui %sign3A_612 : i1 to i32
        %sign3A_614 = arith.constant 0 : i32
        %sign3A_615 = arith.cmpi slt, %jit3A_602, %sign3A_614 : i32
        %sign3A_616 = arith.extui %sign3A_615 : i1 to i32
        %sign3A_617 = arith.subi %sign3A_613, %sign3A_616 : i32
        %ne3A_618 = arith.cmpi ne, %sign3A_610, %sign3A_617 : i32
        %rem3A_619 = arith.remsi %add3A_601, %jit3A_602 : i32
        %ne3A_620 = arith.constant 0 : i32
        %ne3A_621 = arith.cmpi ne, %rem3A_619, %ne3A_620 : i32
        %and3A_622 = arith.andi %ne3A_618, %ne3A_621 : i1
        %sub3A_623 = arith.constant 1 : i32
        %sub3A_624 = arith.subi %div3A_603, %sub3A_623 : i32
        %select_n3A_625 = arith.select %and3A_622, %sub3A_624, %div3A_603 : i32
        %jit3A_626 = arith.constant 64 : i32
        %eq3A_627 = arith.constant 0 : i32
        %eq3A_628 = arith.cmpi eq, %jit3A_626, %eq3A_627 : i32
        %jit3A_629 = arith.constant 1 : i32
        %select_n3A_630 = arith.select %eq3A_628, %jit3A_629, %jit3A_626 : i32
        %rem3A_631 = arith.remsi %add3A_601, %select_n3A_630 : i32
        %ne3A_632 = arith.constant 0 : i32
        %ne3A_633 = arith.cmpi ne, %rem3A_631, %ne3A_632 : i32
        %lt3A_634 = arith.constant 0 : i32
        %lt3A_635 = arith.cmpi slt, %rem3A_631, %lt3A_634 : i32
        %lt3A_636 = arith.constant 0 : i32
        %lt3A_637 = arith.cmpi slt, %select_n3A_630, %lt3A_636 : i32
        %ne3A_638 = arith.xori %lt3A_635, %lt3A_637 : i1
        %and3A_639 = arith.andi %ne3A_638, %ne3A_633 : i1
        %add3A_640 = arith.addi %rem3A_631, %select_n3A_630 : i32
        %select_n3A_641 = arith.select %and3A_639, %add3A_640, %rem3A_631 : i32
        %mul3A_642 = arith.constant 16 : i32
        %mul3A_643 = arith.muli %select_n3A_641, %mul3A_642 : i32
        %get3A_644 = arith.constant 1 : i32
        %get3A_645 = arith.index_cast %get3A_644 : i32 to index
        %get3A_646 = arith.index_cast %select_n3A_625 : i32 to index
        %get3A_647 = arith.index_cast %mul3A_643 : i32 to index
        %get3A_648 = tpu.vector_load %arg9[%get3A_645, %get3A_646, %get3A_647] {strides = array<i32>} : memref<4x8x1024xf32, #tpu.memory_space<vmem>>, vector<1x1x16xf32>,
        %get3A_649 = vector.shape_cast %get3A_648 : vector<1x1x16xf32> to vector<16xf32>
        %get3A_650 = arith.constant 1 : i32
        %get3A_651 = arith.index_cast %get3A_650 : i32 to index
        %get3A_652 = arith.index_cast %select_n3A_625 : i32 to index
        %get3A_653 = arith.index_cast %mul3A_643 : i32 to index
        %get3A_654 = tpu.vector_load %arg10[%get3A_651, %get3A_652, %get3A_653] {strides = array<i32>} : memref<4x8x1024xf32, #tpu.memory_space<vmem>>, vector<1x1x16xf32>,
        %get3A_655 = vector.shape_cast %get3A_654 : vector<1x1x16xf32> to vector<16xf32>
        %add3A_656 = arith.addf %get3A_649, %get3A_655 : vector<16xf32>
        %swap3A_657 = arith.constant 1 : i32
        %swap3A_658 = arith.index_cast %swap3A_657 : i32 to index
        %swap3A_659 = arith.index_cast %select_n3A_625 : i32 to index
        %swap3A_660 = arith.index_cast %mul3A_643 : i32 to index
        %swap3A_661 = tpu.vector_load %arg11[%swap3A_658, %swap3A_659, %swap3A_660] {strides = array<i32>} : memref<4x8x1024xf32, #tpu.memory_space<vmem>>, vector<1x1x16xf32>,
        %swap3A_662 = vector.shape_cast %swap3A_661 : vector<1x1x16xf32> to vector<16xf32>
        %swap3A_663 = vector.shape_cast %add3A_656 : vector<16xf32> to vector<1x1x16xf32>
        tpu.vector_store %arg11[%swap3A_658, %swap3A_659, %swap3A_660], %swap3A_663 {strides = array<i32>} : memref<4x8x1024xf32, #tpu.memory_space<vmem>>, vector<1x1x16xf32>,
        %scan3A_664 = arith.constant 4 : i32
        %scan3A_665 = arith.addi %scan3A_404, %scan3A_664 : i32
        %mul3A_666 = arith.constant 1 : i32
        %mul3A_667 = arith.muli %scan3A_665, %mul3A_666 : i32
        %add3A_668 = arith.constant 0 : i32
        %add3A_669 = arith.addi %add3A_668, %mul3A_667 : i32
        %jit3A_670 = arith.constant 64 : i32
        %div3A_671 = arith.divsi %add3A_669, %jit3A_670 : i32
        %sign3A_672 = arith.constant 0 : i32
        %sign3A_673 = arith.cmpi sgt, %add3A_669, %sign3A_672 : i32
        %sign3A_674 = arith.extui %sign3A_673 : i1 to i32
        %sign3A_675 = arith.constant 0 : i32
        %sign3A_676 = arith.cmpi slt, %add3A_669, %sign3A_675 : i32
        %sign3A_677 = arith.extui %sign3A_676 : i1 to i32
        %sign3A_678 = arith.subi %sign3A_674, %sign3A_677 : i32
        %sign3A_679 = arith.constant 0 : i32
        %sign3A_680 = arith.cmpi sgt, %jit3A_670, %sign3A_679 : i32
        %sign3A_681 = arith.extui %sign3A_680 : i1 to i32
        %sign3A_682 = arith.constant 0 : i32
        %sign3A_683 = arith.cmpi slt, %jit3A_670, %sign3A_682 : i32
        %sign3A_684 = arith.extui %sign3A_683 : i1 to i32
        %sign3A_685 = arith.subi %sign3A_681, %sign3A_684 : i32
        %ne3A_686 = arith.cmpi ne, %sign3A_678, %sign3A_685 : i32
        %rem3A_687 = arith.remsi %add3A_669, %jit3A_670 : i32
        %ne3A_688 = arith.constant 0 : i32
        %ne3A_689 = arith.cmpi ne, %rem3A_687, %ne3A_688 : i32
        %and3A_690 = arith.andi %ne3A_686, %ne3A_689 : i1
        %sub3A_691 = arith.constant 1 : i32
        %sub3A_692 = arith.subi %div3A_671, %sub3A_691 : i32
        %select_n3A_693 = arith.select %and3A_690, %sub3A_692, %div3A_671 : i32
        %jit3A_694 = arith.constant 64 : i32
        %eq3A_695 = arith.constant 0 : i32
        %eq3A_696 = arith.cmpi eq, %jit3A_694, %eq3A_695 : i32
        %jit3A_697 = arith.constant 1 : i32
        %select_n3A_698 = arith.select %eq3A_696, %jit3A_697, %jit3A_694 : i32
        %rem3A_699 = arith.remsi %add3A_669, %select_n3A_698 : i32
        %ne3A_700 = arith.constant 0 : i32
        %ne3A_701 = arith.cmpi ne, %rem3A_699, %ne3A_700 : i32
        %lt3A_702 = arith.constant 0 : i32
        %lt3A_703 = arith.cmpi slt, %rem3A_699, %lt3A_702 : i32
        %lt3A_704 = arith.constant 0 : i32
        %lt3A_705 = arith.cmpi slt, %select_n3A_698, %lt3A_704 : i32
        %ne3A_706 = arith.xori %lt3A_703, %lt3A_705 : i1
        %and3A_707 = arith.andi %ne3A_706, %ne3A_701 : i1
        %add3A_708 = arith.addi %rem3A_699, %select_n3A_698 : i32
        %select_n3A_709 = arith.select %and3A_707, %add3A_708, %rem3A_699 : i32
        %mul3A_710 = arith.constant 16 : i32
        %mul3A_711 = arith.muli %select_n3A_709, %mul3A_710 : i32
        %get3A_712 = arith.constant 1 : i32
        %get3A_713 = arith.index_cast %get3A_712 : i32 to index
        %get3A_714 = arith.index_cast %select_n3A_693 : i32 to index
        %get3A_715 = arith.index_cast %mul3A_711 : i32 to index
        %get3A_716 = tpu.vector_load %arg9[%get3A_713, %get3A_714, %get3A_715] {strides = array<i32>} : memref<4x8x1024xf32, #tpu.memory_space<vmem>>, vector<1x1x16xf32>,
        %get3A_717 = vector.shape_cast %get3A_716 : vector<1x1x16xf32> to vector<16xf32>
        %get3A_718 = arith.constant 1 : i32
        %get3A_719 = arith.index_cast %get3A_718 : i32 to index
        %get3A_720 = arith.index_cast %select_n3A_693 : i32 to index
        %get3A_721 = arith.index_cast %mul3A_711 : i32 to index
        %get3A_722 = tpu.vector_load %arg10[%get3A_719, %get3A_720, %get3A_721] {strides = array<i32>} : memref<4x8x1024xf32, #tpu.memory_space<vmem>>, vector<1x1x16xf32>,
        %get3A_723 = vector.shape_cast %get3A_722 : vector<1x1x16xf32> to vector<16xf32>
        %add3A_724 = arith.addf %get3A_717, %get3A_723 : vector<16xf32>
        %swap3A_725 = arith.constant 1 : i32
        %swap3A_726 = arith.index_cast %swap3A_725 : i32 to index
        %swap3A_727 = arith.index_cast %select_n3A_693 : i32 to index
        %swap3A_728 = arith.index_cast %mul3A_711 : i32 to index
        %swap3A_729 = tpu.vector_load %arg11[%swap3A_726, %swap3A_727, %swap3A_728] {strides = array<i32>} : memref<4x8x1024xf32, #tpu.memory_space<vmem>>, vector<1x1x16xf32>,
        %swap3A_730 = vector.shape_cast %swap3A_729 : vector<1x1x16xf32> to vector<16xf32>
        %swap3A_731 = vector.shape_cast %add3A_724 : vector<16xf32> to vector<1x1x16xf32>
        tpu.vector_store %arg11[%swap3A_726, %swap3A_727, %swap3A_728], %swap3A_731 {strides = array<i32>} : memref<4x8x1024xf32, #tpu.memory_space<vmem>>, vector<1x1x16xf32>,
        %scan3A_732 = arith.constant 5 : i32
        %scan3A_733 = arith.addi %scan3A_404, %scan3A_732 : i32
        %mul3A_734 = arith.constant 1 : i32
        %mul3A_735 = arith.muli %scan3A_733, %mul3A_734 : i32
        %add3A_736 = arith.constant 0 : i32
        %add3A_737 = arith.addi %add3A_736, %mul3A_735 : i32
        %jit3A_738 = arith.constant 64 : i32
        %div3A_739 = arith.divsi %add3A_737, %jit3A_738 : i32
        %sign3A_740 = arith.constant 0 : i32
        %sign3A_741 = arith.cmpi sgt, %add3A_737, %sign3A_740 : i32
        %sign3A_742 = arith.extui %sign3A_741 : i1 to i32
        %sign3A_743 = arith.constant 0 : i32
        %sign3A_744 = arith.cmpi slt, %add3A_737, %sign3A_743 : i32
        %sign3A_745 = arith.extui %sign3A_744 : i1 to i32
        %sign3A_746 = arith.subi %sign3A_742, %sign3A_745 : i32
        %sign3A_747 = arith.constant 0 : i32
        %sign3A_748 = arith.cmpi sgt, %jit3A_738, %sign3A_747 : i32
        %sign3A_749 = arith.extui %sign3A_748 : i1 to i32
        %sign3A_750 = arith.constant 0 : i32
        %sign3A_751 = arith.cmpi slt, %jit3A_738, %sign3A_750 : i32
        %sign3A_752 = arith.extui %sign3A_751 : i1 to i32
        %sign3A_753 = arith.subi %sign3A_749, %sign3A_752 : i32
        %ne3A_754 = arith.cmpi ne, %sign3A_746, %sign3A_753 : i32
        %rem3A_755 = arith.remsi %add3A_737, %jit3A_738 : i32
        %ne3A_756 = arith.constant 0 : i32
        %ne3A_757 = arith.cmpi ne, %rem3A_755, %ne3A_756 : i32
        %and3A_758 = arith.andi %ne3A_754, %ne3A_757 : i1
        %sub3A_759 = arith.constant 1 : i32
        %sub3A_760 = arith.subi %div3A_739, %sub3A_759 : i32
        %select_n3A_761 = arith.select %and3A_758, %sub3A_760, %div3A_739 : i32
        %jit3A_762 = arith.constant 64 : i32
        %eq3A_763 = arith.constant 0 : i32
        %eq3A_764 = arith.cmpi eq, %jit3A_762, %eq3A_763 : i32
        %jit3A_765 = arith.constant 1 : i32
        %select_n3A_766 = arith.select %eq3A_764, %jit3A_765, %jit3A_762 : i32
        %rem3A_767 = arith.remsi %add3A_737, %select_n3A_766 : i32
        %ne3A_768 = arith.constant 0 : i32
        %ne3A_769 = arith.cmpi ne, %rem3A_767, %ne3A_768 : i32
        %lt3A_770 = arith.constant 0 : i32
        %lt3A_771 = arith.cmpi slt, %rem3A_767, %lt3A_770 : i32
        %lt3A_772 = arith.constant 0 : i32
        %lt3A_773 = arith.cmpi slt, %select_n3A_766, %lt3A_772 : i32
        %ne3A_774 = arith.xori %lt3A_771, %lt3A_773 : i1
        %and3A_775 = arith.andi %ne3A_774, %ne3A_769 : i1
        %add3A_776 = arith.addi %rem3A_767, %select_n3A_766 : i32
        %select_n3A_777 = arith.select %and3A_775, %add3A_776, %rem3A_767 : i32
        %mul3A_778 = arith.constant 16 : i32
        %mul3A_779 = arith.muli %select_n3A_777, %mul3A_778 : i32
        %get3A_780 = arith.constant 1 : i32
        %get3A_781 = arith.index_cast %get3A_780 : i32 to index
        %get3A_782 = arith.index_cast %select_n3A_761 : i32 to index
        %get3A_783 = arith.index_cast %mul3A_779 : i32 to index
        %get3A_784 = tpu.vector_load %arg9[%get3A_781, %get3A_782, %get3A_783] {strides = array<i32>} : memref<4x8x1024xf32, #tpu.memory_space<vmem>>, vector<1x1x16xf32>,
        %get3A_785 = vector.shape_cast %get3A_784 : vector<1x1x16xf32> to vector<16xf32>
        %get3A_786 = arith.constant 1 : i32
        %get3A_787 = arith.index_cast %get3A_786 : i32 to index
        %get3A_788 = arith.index_cast %select_n3A_761 : i32 to index
        %get3A_789 = arith.index_cast %mul3A_779 : i32 to index
        %get3A_790 = tpu.vector_load %arg10[%get3A_787, %get3A_788, %get3A_789] {strides = array<i32>} : memref<4x8x1024xf32, #tpu.memory_space<vmem>>, vector<1x1x16xf32>,
        %get3A_791 = vector.shape_cast %get3A_790 : vector<1x1x16xf32> to vector<16xf32>
        %add3A_792 = arith.addf %get3A_785, %get3A_791 : vector<16xf32>
        %swap3A_793 = arith.constant 1 : i32
        %swap3A_794 = arith.index_cast %swap3A_793 : i32 to index
        %swap3A_795 = arith.index_cast %select_n3A_761 : i32 to index
        %swap3A_796 = arith.index_cast %mul3A_779 : i32 to index
        %swap3A_797 = tpu.vector_load %arg11[%swap3A_794, %swap3A_795, %swap3A_796] {strides = array<i32>} : memref<4x8x1024xf32, #tpu.memory_space<vmem>>, vector<1x1x16xf32>,
        %swap3A_798 = vector.shape_cast %swap3A_797 : vector<1x1x16xf32> to vector<16xf32>
        %swap3A_799 = vector.shape_cast %add3A_792 : vector<16xf32> to vector<1x1x16xf32>
        tpu.vector_store %arg11[%swap3A_794, %swap3A_795, %swap3A_796], %swap3A_799 {strides = array<i32>} : memref<4x8x1024xf32, #tpu.memory_space<vmem>>, vector<1x1x16xf32>,
        %scan3A_800 = arith.constant 6 : i32
        %scan3A_801 = arith.addi %scan3A_404, %scan3A_800 : i32
        %mul3A_802 = arith.constant 1 : i32
        %mul3A_803 = arith.muli %scan3A_801, %mul3A_802 : i32
        %add3A_804 = arith.constant 0 : i32
        %add3A_805 = arith.addi %add3A_804, %mul3A_803 : i32
        %jit3A_806 = arith.constant 64 : i32
        %div3A_807 = arith.divsi %add3A_805, %jit3A_806 : i32
        %sign3A_808 = arith.constant 0 : i32
        %sign3A_809 = arith.cmpi sgt, %add3A_805, %sign3A_808 : i32
        %sign3A_810 = arith.extui %sign3A_809 : i1 to i32
        %sign3A_811 = arith.constant 0 : i32
        %sign3A_812 = arith.cmpi slt, %add3A_805, %sign3A_811 : i32
        %sign3A_813 = arith.extui %sign3A_812 : i1 to i32
        %sign3A_814 = arith.subi %sign3A_810, %sign3A_813 : i32
        %sign3A_815 = arith.constant 0 : i32
        %sign3A_816 = arith.cmpi sgt, %jit3A_806, %sign3A_815 : i32
        %sign3A_817 = arith.extui %sign3A_816 : i1 to i32
        %sign3A_818 = arith.constant 0 : i32
        %sign3A_819 = arith.cmpi slt, %jit3A_806, %sign3A_818 : i32
        %sign3A_820 = arith.extui %sign3A_819 : i1 to i32
        %sign3A_821 = arith.subi %sign3A_817, %sign3A_820 : i32
        %ne3A_822 = arith.cmpi ne, %sign3A_814, %sign3A_821 : i32
        %rem3A_823 = arith.remsi %add3A_805, %jit3A_806 : i32
        %ne3A_824 = arith.constant 0 : i32
        %ne3A_825 = arith.cmpi ne, %rem3A_823, %ne3A_824 : i32
        %and3A_826 = arith.andi %ne3A_822, %ne3A_825 : i1
        %sub3A_827 = arith.constant 1 : i32
        %sub3A_828 = arith.subi %div3A_807, %sub3A_827 : i32
        %select_n3A_829 = arith.select %and3A_826, %sub3A_828, %div3A_807 : i32
        %jit3A_830 = arith.constant 64 : i32
        %eq3A_831 = arith.constant 0 : i32
        %eq3A_832 = arith.cmpi eq, %jit3A_830, %eq3A_831 : i32
        %jit3A_833 = arith.constant 1 : i32
        %select_n3A_834 = arith.select %eq3A_832, %jit3A_833, %jit3A_830 : i32
        %rem3A_835 = arith.remsi %add3A_805, %select_n3A_834 : i32
        %ne3A_836 = arith.constant 0 : i32
        %ne3A_837 = arith.cmpi ne, %rem3A_835, %ne3A_836 : i32
        %lt3A_838 = arith.constant 0 : i32
        %lt3A_839 = arith.cmpi slt, %rem3A_835, %lt3A_838 : i32
        %lt3A_840 = arith.constant 0 : i32
        %lt3A_841 = arith.cmpi slt, %select_n3A_834, %lt3A_840 : i32
        %ne3A_842 = arith.xori %lt3A_839, %lt3A_841 : i1
        %and3A_843 = arith.andi %ne3A_842, %ne3A_837 : i1
        %add3A_844 = arith.addi %rem3A_835, %select_n3A_834 : i32
        %select_n3A_845 = arith.select %and3A_843, %add3A_844, %rem3A_835 : i32
        %mul3A_846 = arith.constant 16 : i32
        %mul3A_847 = arith.muli %select_n3A_845, %mul3A_846 : i32
        %get3A_848 = arith.constant 1 : i32
        %get3A_849 = arith.index_cast %get3A_848 : i32 to index
        %get3A_850 = arith.index_cast %select_n3A_829 : i32 to index
        %get3A_851 = arith.index_cast %mul3A_847 : i32 to index
        %get3A_852 = tpu.vector_load %arg9[%get3A_849, %get3A_850, %get3A_851] {strides = array<i32>} : memref<4x8x1024xf32, #tpu.memory_space<vmem>>, vector<1x1x16xf32>,
        %get3A_853 = vector.shape_cast %get3A_852 : vector<1x1x16xf32> to vector<16xf32>
        %get3A_854 = arith.constant 1 : i32
        %get3A_855 = arith.index_cast %get3A_854 : i32 to index
        %get3A_856 = arith.index_cast %select_n3A_829 : i32 to index
        %get3A_857 = arith.index_cast %mul3A_847 : i32 to index
        %get3A_858 = tpu.vector_load %arg10[%get3A_855, %get3A_856, %get3A_857] {strides = array<i32>} : memref<4x8x1024xf32, #tpu.memory_space<vmem>>, vector<1x1x16xf32>,
        %get3A_859 = vector.shape_cast %get3A_858 : vector<1x1x16xf32> to vector<16xf32>
        %add3A_860 = arith.addf %get3A_853, %get3A_859 : vector<16xf32>
        %swap3A_861 = arith.constant 1 : i32
        %swap3A_862 = arith.index_cast %swap3A_861 : i32 to index
        %swap3A_863 = arith.index_cast %select_n3A_829 : i32 to index
        %swap3A_864 = arith.index_cast %mul3A_847 : i32 to index
        %swap3A_865 = tpu.vector_load %arg11[%swap3A_862, %swap3A_863, %swap3A_864] {strides = array<i32>} : memref<4x8x1024xf32, #tpu.memory_space<vmem>>, vector<1x1x16xf32>,
        %swap3A_866 = vector.shape_cast %swap3A_865 : vector<1x1x16xf32> to vector<16xf32>
        %swap3A_867 = vector.shape_cast %add3A_860 : vector<16xf32> to vector<1x1x16xf32>
        tpu.vector_store %arg11[%swap3A_862, %swap3A_863, %swap3A_864], %swap3A_867 {strides = array<i32>} : memref<4x8x1024xf32, #tpu.memory_space<vmem>>, vector<1x1x16xf32>,
        %scan3A_868 = arith.constant 7 : i32
        %scan3A_869 = arith.addi %scan3A_404, %scan3A_868 : i32
        %mul3A_870 = arith.constant 1 : i32
        %mul3A_871 = arith.muli %scan3A_869, %mul3A_870 : i32
        %add3A_872 = arith.constant 0 : i32
        %add3A_873 = arith.addi %add3A_872, %mul3A_871 : i32
        %jit3A_874 = arith.constant 64 : i32
        %div3A_875 = arith.divsi %add3A_873, %jit3A_874 : i32
        %sign3A_876 = arith.constant 0 : i32
        %sign3A_877 = arith.cmpi sgt, %add3A_873, %sign3A_876 : i32
        %sign3A_878 = arith.extui %sign3A_877 : i1 to i32
        %sign3A_879 = arith.constant 0 : i32
        %sign3A_880 = arith.cmpi slt, %add3A_873, %sign3A_879 : i32
        %sign3A_881 = arith.extui %sign3A_880 : i1 to i32
        %sign3A_882 = arith.subi %sign3A_878, %sign3A_881 : i32
        %sign3A_883 = arith.constant 0 : i32
        %sign3A_884 = arith.cmpi sgt, %jit3A_874, %sign3A_883 : i32
        %sign3A_885 = arith.extui %sign3A_884 : i1 to i32
        %sign3A_886 = arith.constant 0 : i32
        %sign3A_887 = arith.cmpi slt, %jit3A_874, %sign3A_886 : i32
        %sign3A_888 = arith.extui %sign3A_887 : i1 to i32
        %sign3A_889 = arith.subi %sign3A_885, %sign3A_888 : i32
        %ne3A_890 = arith.cmpi ne, %sign3A_882, %sign3A_889 : i32
        %rem3A_891 = arith.remsi %add3A_873, %jit3A_874 : i32
        %ne3A_892 = arith.constant 0 : i32
        %ne3A_893 = arith.cmpi ne, %rem3A_891, %ne3A_892 : i32
        %and3A_894 = arith.andi %ne3A_890, %ne3A_893 : i1
        %sub3A_895 = arith.constant 1 : i32
        %sub3A_896 = arith.subi %div3A_875, %sub3A_895 : i32
        %select_n3A_897 = arith.select %and3A_894, %sub3A_896, %div3A_875 : i32
        %jit3A_898 = arith.constant 64 : i32
        %eq3A_899 = arith.constant 0 : i32
        %eq3A_900 = arith.cmpi eq, %jit3A_898, %eq3A_899 : i32
        %jit3A_901 = arith.constant 1 : i32
        %select_n3A_902 = arith.select %eq3A_900, %jit3A_901, %jit3A_898 : i32
        %rem3A_903 = arith.remsi %add3A_873, %select_n3A_902 : i32
        %ne3A_904 = arith.constant 0 : i32
        %ne3A_905 = arith.cmpi ne, %rem3A_903, %ne3A_904 : i32
        %lt3A_906 = arith.constant 0 : i32
        %lt3A_907 = arith.cmpi slt, %rem3A_903, %lt3A_906 : i32
        %lt3A_908 = arith.constant 0 : i32
        %lt3A_909 = arith.cmpi slt, %select_n3A_902, %lt3A_908 : i32
        %ne3A_910 = arith.xori %lt3A_907, %lt3A_909 : i1
        %and3A_911 = arith.andi %ne3A_910, %ne3A_905 : i1
        %add3A_912 = arith.addi %rem3A_903, %select_n3A_902 : i32
        %select_n3A_913 = arith.select %and3A_911, %add3A_912, %rem3A_903 : i32
        %mul3A_914 = arith.constant 16 : i32
        %mul3A_915 = arith.muli %select_n3A_913, %mul3A_914 : i32
        %get3A_916 = arith.constant 1 : i32
        %get3A_917 = arith.index_cast %get3A_916 : i32 to index
        %get3A_918 = arith.index_cast %select_n3A_897 : i32 to index
        %get3A_919 = arith.index_cast %mul3A_915 : i32 to index
        %get3A_920 = tpu.vector_load %arg9[%get3A_917, %get3A_918, %get3A_919] {strides = array<i32>} : memref<4x8x1024xf32, #tpu.memory_space<vmem>>, vector<1x1x16xf32>,
        %get3A_921 = vector.shape_cast %get3A_920 : vector<1x1x16xf32> to vector<16xf32>
        %get3A_922 = arith.constant 1 : i32
        %get3A_923 = arith.index_cast %get3A_922 : i32 to index
        %get3A_924 = arith.index_cast %select_n3A_897 : i32 to index
        %get3A_925 = arith.index_cast %mul3A_915 : i32 to index
        %get3A_926 = tpu.vector_load %arg10[%get3A_923, %get3A_924, %get3A_925] {strides = array<i32>} : memref<4x8x1024xf32, #tpu.memory_space<vmem>>, vector<1x1x16xf32>,
        %get3A_927 = vector.shape_cast %get3A_926 : vector<1x1x16xf32> to vector<16xf32>
        %add3A_928 = arith.addf %get3A_921, %get3A_927 : vector<16xf32>
        %swap3A_929 = arith.constant 1 : i32
        %swap3A_930 = arith.index_cast %swap3A_929 : i32 to index
        %swap3A_931 = arith.index_cast %select_n3A_897 : i32 to index
        %swap3A_932 = arith.index_cast %mul3A_915 : i32 to index
        %swap3A_933 = tpu.vector_load %arg11[%swap3A_930, %swap3A_931, %swap3A_932] {strides = array<i32>} : memref<4x8x1024xf32, #tpu.memory_space<vmem>>, vector<1x1x16xf32>,
        %swap3A_934 = vector.shape_cast %swap3A_933 : vector<1x1x16xf32> to vector<16xf32>
        %swap3A_935 = vector.shape_cast %add3A_928 : vector<16xf32> to vector<1x1x16xf32>
        tpu.vector_store %arg11[%swap3A_930, %swap3A_931, %swap3A_932], %swap3A_935 {strides = array<i32>} : memref<4x8x1024xf32, #tpu.memory_space<vmem>>, vector<1x1x16xf32>,
      }
      %scan3A_265 = arith.constant 512 : i32
      %lt3A_266 = arith.constant 31 : i32
      %lt3A_267 = arith.cmpi slt, %add3A_175, %lt3A_266 : i32
      %convert_element_type3A_268 = arith.extui %lt3A_267 : i1 to i32
      %cond3A_269 = arith.constant 0 : i32
      %cond3A_270 = arith.cmpi ne, %convert_element_type3A_268, %cond3A_269 : i32
      scf.if %cond3A_270 {
        %add3A_404 = arith.constant 4 : i32
        %add3A_405 = arith.addi %add3A_233, %add3A_404 : i32
        %dma_start3A_406 = arith.constant 1 : i32
        %dma_start3A_407 = arith.constant 0 : i32
        %dma_start3A_408 = arith.constant 0 : i32
        %dma_start3A_409 = tpu.memref_slice %arg9[%dma_start3A_406, %dma_start3A_407, %dma_start3A_408] : memref<4x8x1024xf32, #tpu.memory_space<vmem>> -> memref<1x8x1024xf32, #tpu.memory_space<vmem>>
        %dma_start3A_410 = tpu.memref_squeeze %dma_start3A_409 : memref<1x8x1024xf32, #tpu.memory_space<vmem>> -> memref<8x1024xf32, #tpu.memory_space<vmem>>
        %dma_start3A_411 = arith.constant 0 : i32
        %dma_start3A_412 = tpu.memref_slice %arg7[%add3A_405, %dma_start3A_411] : memref<128x8xi32, #tpu.memory_space<vmem>> -> memref<1x8xi32, #tpu.memory_space<vmem>>
        %dma_start3A_413 = tpu.memref_squeeze %dma_start3A_412 : memref<1x8xi32, #tpu.memory_space<vmem>> -> memref<8xi32, #tpu.memory_space<vmem>>
        %dma_start3A_414 = arith.constant 0 : i32
        %dma_start3A_415 = arith.constant 0 : i32
        %dma_start3A_416 = tpu.memref_slice %arg4[%dma_start3A_414, %dma_start3A_415] : memref<100000x1024xf32, #tpu.memory_space<hbm>> -> memref<100000x1024xf32, #tpu.memory_space<hbm>>
        tpu.enqueue_indirect_dma source(%dma_start3A_416 : memref<100000x1024xf32, #tpu.memory_space<hbm>>) target(%dma_start3A_410 : memref<8x1024xf32, #tpu.memory_space<vmem>>) offsets(%dma_start3A_413 : memref<8xi32, #tpu.memory_space<vmem>>) semaphore(%arg13 : memref<!tpu.dma_semaphore, #tpu.memory_space<semaphore_mem>>)
        %dma_start3A_417 = arith.constant 1 : i32
        %dma_start3A_418 = arith.constant 0 : i32
        %dma_start3A_419 = arith.constant 0 : i32
        %dma_start3A_420 = tpu.memref_slice %arg10[%dma_start3A_417, %dma_start3A_418, %dma_start3A_419] : memref<4x8x1024xf32, #tpu.memory_space<vmem>> -> memref<1x8x1024xf32, #tpu.memory_space<vmem>>
        %dma_start3A_421 = tpu.memref_squeeze %dma_start3A_420 : memref<1x8x1024xf32, #tpu.memory_space<vmem>> -> memref<8x1024xf32, #tpu.memory_space<vmem>>
        %dma_start3A_422 = arith.constant 0 : i32
        %dma_start3A_423 = tpu.memref_slice %arg8[%add3A_405, %dma_start3A_422] : memref<128x8xi32, #tpu.memory_space<vmem>> -> memref<1x8xi32, #tpu.memory_space<vmem>>
        %dma_start3A_424 = tpu.memref_squeeze %dma_start3A_423 : memref<1x8xi32, #tpu.memory_space<vmem>> -> memref<8xi32, #tpu.memory_space<vmem>>
        %dma_start3A_425 = arith.constant 0 : i32
        %dma_start3A_426 = arith.constant 0 : i32
        %dma_start3A_427 = tpu.memref_slice %arg5[%dma_start3A_425, %dma_start3A_426] : memref<8192x1024xf32, #tpu.memory_space<hbm>> -> memref<8192x1024xf32, #tpu.memory_space<hbm>>
        tpu.enqueue_indirect_dma source(%dma_start3A_427 : memref<8192x1024xf32, #tpu.memory_space<hbm>>) target(%dma_start3A_421 : memref<8x1024xf32, #tpu.memory_space<vmem>>) offsets(%dma_start3A_424 : memref<8xi32, #tpu.memory_space<vmem>>) semaphore(%arg17 : memref<!tpu.dma_semaphore, #tpu.memory_space<semaphore_mem>>)
      } else {
      }
      %dma_start3A_271 = arith.constant 1 : i32
      %dma_start3A_272 = arith.constant 0 : i32
      %dma_start3A_273 = arith.constant 0 : i32
      %dma_start3A_274 = tpu.memref_slice %arg11[%dma_start3A_271, %dma_start3A_272, %dma_start3A_273] : memref<4x8x1024xf32, #tpu.memory_space<vmem>> -> memref<1x8x1024xf32, #tpu.memory_space<vmem>>
      %dma_start3A_275 = tpu.memref_squeeze %dma_start3A_274 : memref<1x8x1024xf32, #tpu.memory_space<vmem>> -> memref<8x1024xf32, #tpu.memory_space<vmem>>
      %dma_start3A_276 = arith.constant 0 : i32
      %dma_start3A_277 = arith.constant 0 : i32
      %dma_start3A_278 = tpu.memref_slice %arg6[%add3A, %add3A_233, %dma_start3A_276, %dma_start3A_277] : memref<32x128x8x1024xf32, #tpu.memory_space<hbm>> -> memref<1x1x8x1024xf32, #tpu.memory_space<hbm>>
      %dma_start3A_279 = tpu.memref_squeeze %dma_start3A_278 : memref<1x1x8x1024xf32, #tpu.memory_space<hbm>> -> memref<8x1024xf32, #tpu.memory_space<hbm>>
      %dma_start3A_280 = arith.constant 0 : i32
      %dma_start3A_281 = arith.constant 0 : i32
      %dma_start3A_282 = tpu.memref_slice %arg6[%add3A, %add3A_233, %dma_start3A_280, %dma_start3A_281] : memref<32x128x8x1024xf32, #tpu.memory_space<hbm>> -> memref<1x1x8x1024xf32, #tpu.memory_space<hbm>>
      %dma_start3A_283 = tpu.memref_squeeze %dma_start3A_282 : memref<1x1x8x1024xf32, #tpu.memory_space<hbm>> -> memref<8x1024xf32, #tpu.memory_space<hbm>>
      %dma_start3A_284 = arith.constant 0 : i32
      %dma_start3A_285 = arith.constant 0 : i32
      %dma_start3A_286 = tpu.memref_slice %arg11[%dma_start3A_271, %dma_start3A_284, %dma_start3A_285] : memref<4x8x1024xf32, #tpu.memory_space<vmem>> -> memref<1x8x1024xf32, #tpu.memory_space<vmem>>
      %dma_start3A_287 = tpu.memref_squeeze %dma_start3A_286 : memref<1x8x1024xf32, #tpu.memory_space<vmem>> -> memref<8x1024xf32, #tpu.memory_space<vmem>>
      tpu.enqueue_dma source(%dma_start3A_287 : memref<8x1024xf32, #tpu.memory_space<vmem>>) target(%dma_start3A_283 : memref<8x1024xf32, #tpu.memory_space<hbm>>) target_semaphore(%arg21 : memref<!tpu.dma_semaphore, #tpu.memory_space<semaphore_mem>>)
      %mul3A_288 = arith.constant 4 : i32
      %mul3A_289 = arith.muli %add3A_175, %mul3A_288 : i32
      %add3A_290 = arith.constant 2 : i32
      %add3A_291 = arith.addi %mul3A_289, %add3A_290 : i32
      %dma_wait3A_292 = arith.constant 2 : i32
      %dma_wait3A_293 = arith.constant 0 : i32
      %dma_wait3A_294 = arith.constant 0 : i32
      %dma_wait3A_295 = tpu.memref_slice %arg9[%dma_wait3A_292, %dma_wait3A_293, %dma_wait3A_294] : memref<4x8x1024xf32, #tpu.memory_space<vmem>> -> memref<1x8x1024xf32, #tpu.memory_space<vmem>>
      %dma_wait3A_296 = tpu.memref_squeeze %dma_wait3A_295 : memref<1x8x1024xf32, #tpu.memory_space<vmem>> -> memref<8x1024xf32, #tpu.memory_space<vmem>>
      %dma_wait3A_297 = arith.constant 0 : i32
      %dma_wait3A_298 = tpu.memref_slice %arg7[%add3A_291, %dma_wait3A_297] : memref<128x8xi32, #tpu.memory_space<vmem>> -> memref<1x8xi32, #tpu.memory_space<vmem>>
      %dma_wait3A_299 = tpu.memref_squeeze %dma_wait3A_298 : memref<1x8xi32, #tpu.memory_space<vmem>> -> memref<8xi32, #tpu.memory_space<vmem>>
      %dma_wait3A_300 = arith.constant 0 : i32
      %dma_wait3A_301 = arith.constant 0 : i32
      %dma_wait3A_302 = tpu.memref_slice %arg4[%dma_wait3A_300, %dma_wait3A_301] : memref<100000x1024xf32, #tpu.memory_space<hbm>> -> memref<100000x1024xf32, #tpu.memory_space<hbm>>
      tpu.wait_indirect_dma semaphore(%arg14 : memref<!tpu.dma_semaphore, #tpu.memory_space<semaphore_mem>>) src(%dma_wait3A_302 : memref<100000x1024xf32, #tpu.memory_space<hbm>>) dst(%dma_wait3A_296 : memref<8x1024xf32, #tpu.memory_space<vmem>>)
      %dma_wait3A_303 = arith.constant 2 : i32
      %dma_wait3A_304 = arith.constant 0 : i32
      %dma_wait3A_305 = arith.constant 0 : i32
      %dma_wait3A_306 = tpu.memref_slice %arg10[%dma_wait3A_303, %dma_wait3A_304, %dma_wait3A_305] : memref<4x8x1024xf32, #tpu.memory_space<vmem>> -> memref<1x8x1024xf32, #tpu.memory_space<vmem>>
      %dma_wait3A_307 = tpu.memref_squeeze %dma_wait3A_306 : memref<1x8x1024xf32, #tpu.memory_space<vmem>> -> memref<8x1024xf32, #tpu.memory_space<vmem>>
      %dma_wait3A_308 = arith.constant 0 : i32
      %dma_wait3A_309 = tpu.memref_slice %arg8[%add3A_291, %dma_wait3A_308] : memref<128x8xi32, #tpu.memory_space<vmem>> -> memref<1x8xi32, #tpu.memory_space<vmem>>
      %dma_wait3A_310 = tpu.memref_squeeze %dma_wait3A_309 : memref<1x8xi32, #tpu.memory_space<vmem>> -> memref<8xi32, #tpu.memory_space<vmem>>
      %dma_wait3A_311 = arith.constant 0 : i32
      %dma_wait3A_312 = arith.constant 0 : i32
      %dma_wait3A_313 = tpu.memref_slice %arg5[%dma_wait3A_311, %dma_wait3A_312] : memref<8192x1024xf32, #tpu.memory_space<hbm>> -> memref<8192x1024xf32, #tpu.memory_space<hbm>>
      tpu.wait_indirect_dma semaphore(%arg18 : memref<!tpu.dma_semaphore, #tpu.memory_space<semaphore_mem>>) src(%dma_wait3A_313 : memref<8192x1024xf32, #tpu.memory_space<hbm>>) dst(%dma_wait3A_307 : memref<8x1024xf32, #tpu.memory_space<vmem>>)
      %ge3A_314 = arith.constant 1 : i32
      %ge3A_315 = arith.cmpi sge, %add3A_175, %ge3A_314 : i32
      %convert_element_type3A_316 = arith.extui %ge3A_315 : i1 to i32
      %cond3A_317 = arith.constant 0 : i32
      %cond3A_318 = arith.cmpi ne, %convert_element_type3A_316, %cond3A_317 : i32
      scf.if %cond3A_318 {
        %dma_wait3A_404 = arith.constant 2 : i32
        %dma_wait3A_405 = arith.constant 0 : i32
        %dma_wait3A_406 = arith.constant 0 : i32
        %dma_wait3A_407 = tpu.memref_slice %arg11[%dma_wait3A_404, %dma_wait3A_405, %dma_wait3A_406] : memref<4x8x1024xf32, #tpu.memory_space<vmem>> -> memref<1x8x1024xf32, #tpu.memory_space<vmem>>
        %dma_wait3A_408 = tpu.memref_squeeze %dma_wait3A_407 : memref<1x8x1024xf32, #tpu.memory_space<vmem>> -> memref<8x1024xf32, #tpu.memory_space<vmem>>
        %dma_wait3A_409 = arith.constant 0 : i32
        %dma_wait3A_410 = arith.constant 0 : i32
        %dma_wait3A_411 = tpu.memref_slice %arg6[%add3A, %add3A_291, %dma_wait3A_409, %dma_wait3A_410] : memref<32x128x8x1024xf32, #tpu.memory_space<hbm>> -> memref<1x1x8x1024xf32, #tpu.memory_space<hbm>>
        %dma_wait3A_412 = tpu.memref_squeeze %dma_wait3A_411 : memref<1x1x8x1024xf32, #tpu.memory_space<hbm>> -> memref<8x1024xf32, #tpu.memory_space<hbm>>
        %dma_wait3A_413 = arith.constant 0 : i32
        %dma_wait3A_414 = arith.constant 0 : i32
        %dma_wait3A_415 = tpu.memref_slice %arg6[%add3A, %add3A_291, %dma_wait3A_413, %dma_wait3A_414] : memref<32x128x8x1024xf32, #tpu.memory_space<hbm>> -> memref<1x1x8x1024xf32, #tpu.memory_space<hbm>>
        %dma_wait3A_416 = tpu.memref_squeeze %dma_wait3A_415 : memref<1x1x8x1024xf32, #tpu.memory_space<hbm>> -> memref<8x1024xf32, #tpu.memory_space<hbm>>
        %dma_wait3A_417 = arith.constant 0 : i32
        %dma_wait3A_418 = arith.constant 0 : i32
        %dma_wait3A_419 = tpu.memref_slice %arg11[%dma_wait3A_404, %dma_wait3A_417, %dma_wait3A_418] : memref<4x8x1024xf32, #tpu.memory_space<vmem>> -> memref<1x8x1024xf32, #tpu.memory_space<vmem>>
        %dma_wait3A_420 = tpu.memref_squeeze %dma_wait3A_419 : memref<1x8x1024xf32, #tpu.memory_space<vmem>> -> memref<8x1024xf32, #tpu.memory_space<vmem>>
        tpu.wait_dma2 semaphore(%arg22 : memref<!tpu.dma_semaphore, #tpu.memory_space<semaphore_mem>>) src(%dma_wait3A_420 : memref<8x1024xf32, #tpu.memory_space<vmem>>) dst(%dma_wait3A_416 : memref<8x1024xf32, #tpu.memory_space<hbm>>)
      } else {
      }
      %scan3A_319 = arith.constant 0 : i32
      %scan3A_320 = arith.constant 512 : i32
      %scan3A_321 = arith.addi %scan3A_319, %scan3A_320 : i32
      %scan3A_322 = arith.constant 8 : i32
      scf.for %scan3A_404 = %scan3A_319 to %scan3A_321 step %scan3A_322  : i32 {
        %mul3A_405 = arith.constant 1 : i32
        %mul3A_406 = arith.muli %scan3A_404, %mul3A_405 : i32
        %add3A_407 = arith.constant 0 : i32
        %add3A_408 = arith.addi %add3A_407, %mul3A_406 : i32
        %jit3A = arith.constant 64 : i32
        %div3A = arith.divsi %add3A_408, %jit3A : i32
        %sign3A = arith.constant 0 : i32
        %sign3A_409 = arith.cmpi sgt, %add3A_408, %sign3A : i32
        %sign3A_410 = arith.extui %sign3A_409 : i1 to i32
        %sign3A_411 = arith.constant 0 : i32
        %sign3A_412 = arith.cmpi slt, %add3A_408, %sign3A_411 : i32
        %sign3A_413 = arith.extui %sign3A_412 : i1 to i32
        %sign3A_414 = arith.subi %sign3A_410, %sign3A_413 : i32
        %sign3A_415 = arith.constant 0 : i32
        %sign3A_416 = arith.cmpi sgt, %jit3A, %sign3A_415 : i32
        %sign3A_417 = arith.extui %sign3A_416 : i1 to i32
        %sign3A_418 = arith.constant 0 : i32
        %sign3A_419 = arith.cmpi slt, %jit3A, %sign3A_418 : i32
        %sign3A_420 = arith.extui %sign3A_419 : i1 to i32
        %sign3A_421 = arith.subi %sign3A_417, %sign3A_420 : i32
        %ne3A = arith.cmpi ne, %sign3A_414, %sign3A_421 : i32
        %rem3A = arith.remsi %add3A_408, %jit3A : i32
        %ne3A_422 = arith.constant 0 : i32
        %ne3A_423 = arith.cmpi ne, %rem3A, %ne3A_422 : i32
        %and3A = arith.andi %ne3A, %ne3A_423 : i1
        %sub3A = arith.constant 1 : i32
        %sub3A_424 = arith.subi %div3A, %sub3A : i32
        %select_n3A = arith.select %and3A, %sub3A_424, %div3A : i32
        %jit3A_425 = arith.constant 64 : i32
        %eq3A = arith.constant 0 : i32
        %eq3A_426 = arith.cmpi eq, %jit3A_425, %eq3A : i32
        %jit3A_427 = arith.constant 1 : i32
        %select_n3A_428 = arith.select %eq3A_426, %jit3A_427, %jit3A_425 : i32
        %rem3A_429 = arith.remsi %add3A_408, %select_n3A_428 : i32
        %ne3A_430 = arith.constant 0 : i32
        %ne3A_431 = arith.cmpi ne, %rem3A_429, %ne3A_430 : i32
        %lt3A_432 = arith.constant 0 : i32
        %lt3A_433 = arith.cmpi slt, %rem3A_429, %lt3A_432 : i32
        %lt3A_434 = arith.constant 0 : i32
        %lt3A_435 = arith.cmpi slt, %select_n3A_428, %lt3A_434 : i32
        %ne3A_436 = arith.xori %lt3A_433, %lt3A_435 : i1
        %and3A_437 = arith.andi %ne3A_436, %ne3A_431 : i1
        %add3A_438 = arith.addi %rem3A_429, %select_n3A_428 : i32
        %select_n3A_439 = arith.select %and3A_437, %add3A_438, %rem3A_429 : i32
        %mul3A_440 = arith.constant 16 : i32
        %mul3A_441 = arith.muli %select_n3A_439, %mul3A_440 : i32
        %get3A = arith.constant 2 : i32
        %get3A_442 = arith.index_cast %get3A : i32 to index
        %get3A_443 = arith.index_cast %select_n3A : i32 to index
        %get3A_444 = arith.index_cast %mul3A_441 : i32 to index
        %get3A_445 = tpu.vector_load %arg9[%get3A_442, %get3A_443, %get3A_444] {strides = array<i32>} : memref<4x8x1024xf32, #tpu.memory_space<vmem>>, vector<1x1x16xf32>,
        %get3A_446 = vector.shape_cast %get3A_445 : vector<1x1x16xf32> to vector<16xf32>
        %get3A_447 = arith.constant 2 : i32
        %get3A_448 = arith.index_cast %get3A_447 : i32 to index
        %get3A_449 = arith.index_cast %select_n3A : i32 to index
        %get3A_450 = arith.index_cast %mul3A_441 : i32 to index
        %get3A_451 = tpu.vector_load %arg10[%get3A_448, %get3A_449, %get3A_450] {strides = array<i32>} : memref<4x8x1024xf32, #tpu.memory_space<vmem>>, vector<1x1x16xf32>,
        %get3A_452 = vector.shape_cast %get3A_451 : vector<1x1x16xf32> to vector<16xf32>
        %add3A_453 = arith.addf %get3A_446, %get3A_452 : vector<16xf32>
        %swap3A = arith.constant 2 : i32
        %swap3A_454 = arith.index_cast %swap3A : i32 to index
        %swap3A_455 = arith.index_cast %select_n3A : i32 to index
        %swap3A_456 = arith.index_cast %mul3A_441 : i32 to index
        %swap3A_457 = tpu.vector_load %arg11[%swap3A_454, %swap3A_455, %swap3A_456] {strides = array<i32>} : memref<4x8x1024xf32, #tpu.memory_space<vmem>>, vector<1x1x16xf32>,
        %swap3A_458 = vector.shape_cast %swap3A_457 : vector<1x1x16xf32> to vector<16xf32>
        %swap3A_459 = vector.shape_cast %add3A_453 : vector<16xf32> to vector<1x1x16xf32>
        tpu.vector_store %arg11[%swap3A_454, %swap3A_455, %swap3A_456], %swap3A_459 {strides = array<i32>} : memref<4x8x1024xf32, #tpu.memory_space<vmem>>, vector<1x1x16xf32>,
        %scan3A_460 = arith.constant 1 : i32
        %scan3A_461 = arith.addi %scan3A_404, %scan3A_460 : i32
        %mul3A_462 = arith.constant 1 : i32
        %mul3A_463 = arith.muli %scan3A_461, %mul3A_462 : i32
        %add3A_464 = arith.constant 0 : i32
        %add3A_465 = arith.addi %add3A_464, %mul3A_463 : i32
        %jit3A_466 = arith.constant 64 : i32
        %div3A_467 = arith.divsi %add3A_465, %jit3A_466 : i32
        %sign3A_468 = arith.constant 0 : i32
        %sign3A_469 = arith.cmpi sgt, %add3A_465, %sign3A_468 : i32
        %sign3A_470 = arith.extui %sign3A_469 : i1 to i32
        %sign3A_471 = arith.constant 0 : i32
        %sign3A_472 = arith.cmpi slt, %add3A_465, %sign3A_471 : i32
        %sign3A_473 = arith.extui %sign3A_472 : i1 to i32
        %sign3A_474 = arith.subi %sign3A_470, %sign3A_473 : i32
        %sign3A_475 = arith.constant 0 : i32
        %sign3A_476 = arith.cmpi sgt, %jit3A_466, %sign3A_475 : i32
        %sign3A_477 = arith.extui %sign3A_476 : i1 to i32
        %sign3A_478 = arith.constant 0 : i32
        %sign3A_479 = arith.cmpi slt, %jit3A_466, %sign3A_478 : i32
        %sign3A_480 = arith.extui %sign3A_479 : i1 to i32
        %sign3A_481 = arith.subi %sign3A_477, %sign3A_480 : i32
        %ne3A_482 = arith.cmpi ne, %sign3A_474, %sign3A_481 : i32
        %rem3A_483 = arith.remsi %add3A_465, %jit3A_466 : i32
        %ne3A_484 = arith.constant 0 : i32
        %ne3A_485 = arith.cmpi ne, %rem3A_483, %ne3A_484 : i32
        %and3A_486 = arith.andi %ne3A_482, %ne3A_485 : i1
        %sub3A_487 = arith.constant 1 : i32
        %sub3A_488 = arith.subi %div3A_467, %sub3A_487 : i32
        %select_n3A_489 = arith.select %and3A_486, %sub3A_488, %div3A_467 : i32
        %jit3A_490 = arith.constant 64 : i32
        %eq3A_491 = arith.constant 0 : i32
        %eq3A_492 = arith.cmpi eq, %jit3A_490, %eq3A_491 : i32
        %jit3A_493 = arith.constant 1 : i32
        %select_n3A_494 = arith.select %eq3A_492, %jit3A_493, %jit3A_490 : i32
        %rem3A_495 = arith.remsi %add3A_465, %select_n3A_494 : i32
        %ne3A_496 = arith.constant 0 : i32
        %ne3A_497 = arith.cmpi ne, %rem3A_495, %ne3A_496 : i32
        %lt3A_498 = arith.constant 0 : i32
        %lt3A_499 = arith.cmpi slt, %rem3A_495, %lt3A_498 : i32
        %lt3A_500 = arith.constant 0 : i32
        %lt3A_501 = arith.cmpi slt, %select_n3A_494, %lt3A_500 : i32
        %ne3A_502 = arith.xori %lt3A_499, %lt3A_501 : i1
        %and3A_503 = arith.andi %ne3A_502, %ne3A_497 : i1
        %add3A_504 = arith.addi %rem3A_495, %select_n3A_494 : i32
        %select_n3A_505 = arith.select %and3A_503, %add3A_504, %rem3A_495 : i32
        %mul3A_506 = arith.constant 16 : i32
        %mul3A_507 = arith.muli %select_n3A_505, %mul3A_506 : i32
        %get3A_508 = arith.constant 2 : i32
        %get3A_509 = arith.index_cast %get3A_508 : i32 to index
        %get3A_510 = arith.index_cast %select_n3A_489 : i32 to index
        %get3A_511 = arith.index_cast %mul3A_507 : i32 to index
        %get3A_512 = tpu.vector_load %arg9[%get3A_509, %get3A_510, %get3A_511] {strides = array<i32>} : memref<4x8x1024xf32, #tpu.memory_space<vmem>>, vector<1x1x16xf32>,
        %get3A_513 = vector.shape_cast %get3A_512 : vector<1x1x16xf32> to vector<16xf32>
        %get3A_514 = arith.constant 2 : i32
        %get3A_515 = arith.index_cast %get3A_514 : i32 to index
        %get3A_516 = arith.index_cast %select_n3A_489 : i32 to index
        %get3A_517 = arith.index_cast %mul3A_507 : i32 to index
        %get3A_518 = tpu.vector_load %arg10[%get3A_515, %get3A_516, %get3A_517] {strides = array<i32>} : memref<4x8x1024xf32, #tpu.memory_space<vmem>>, vector<1x1x16xf32>,
        %get3A_519 = vector.shape_cast %get3A_518 : vector<1x1x16xf32> to vector<16xf32>
        %add3A_520 = arith.addf %get3A_513, %get3A_519 : vector<16xf32>
        %swap3A_521 = arith.constant 2 : i32
        %swap3A_522 = arith.index_cast %swap3A_521 : i32 to index
        %swap3A_523 = arith.index_cast %select_n3A_489 : i32 to index
        %swap3A_524 = arith.index_cast %mul3A_507 : i32 to index
        %swap3A_525 = tpu.vector_load %arg11[%swap3A_522, %swap3A_523, %swap3A_524] {strides = array<i32>} : memref<4x8x1024xf32, #tpu.memory_space<vmem>>, vector<1x1x16xf32>,
        %swap3A_526 = vector.shape_cast %swap3A_525 : vector<1x1x16xf32> to vector<16xf32>
        %swap3A_527 = vector.shape_cast %add3A_520 : vector<16xf32> to vector<1x1x16xf32>
        tpu.vector_store %arg11[%swap3A_522, %swap3A_523, %swap3A_524], %swap3A_527 {strides = array<i32>} : memref<4x8x1024xf32, #tpu.memory_space<vmem>>, vector<1x1x16xf32>,
        %scan3A_528 = arith.constant 2 : i32
        %scan3A_529 = arith.addi %scan3A_404, %scan3A_528 : i32
        %mul3A_530 = arith.constant 1 : i32
        %mul3A_531 = arith.muli %scan3A_529, %mul3A_530 : i32
        %add3A_532 = arith.constant 0 : i32
        %add3A_533 = arith.addi %add3A_532, %mul3A_531 : i32
        %jit3A_534 = arith.constant 64 : i32
        %div3A_535 = arith.divsi %add3A_533, %jit3A_534 : i32
        %sign3A_536 = arith.constant 0 : i32
        %sign3A_537 = arith.cmpi sgt, %add3A_533, %sign3A_536 : i32
        %sign3A_538 = arith.extui %sign3A_537 : i1 to i32
        %sign3A_539 = arith.constant 0 : i32
        %sign3A_540 = arith.cmpi slt, %add3A_533, %sign3A_539 : i32
        %sign3A_541 = arith.extui %sign3A_540 : i1 to i32
        %sign3A_542 = arith.subi %sign3A_538, %sign3A_541 : i32
        %sign3A_543 = arith.constant 0 : i32
        %sign3A_544 = arith.cmpi sgt, %jit3A_534, %sign3A_543 : i32
        %sign3A_545 = arith.extui %sign3A_544 : i1 to i32
        %sign3A_546 = arith.constant 0 : i32
        %sign3A_547 = arith.cmpi slt, %jit3A_534, %sign3A_546 : i32
        %sign3A_548 = arith.extui %sign3A_547 : i1 to i32
        %sign3A_549 = arith.subi %sign3A_545, %sign3A_548 : i32
        %ne3A_550 = arith.cmpi ne, %sign3A_542, %sign3A_549 : i32
        %rem3A_551 = arith.remsi %add3A_533, %jit3A_534 : i32
        %ne3A_552 = arith.constant 0 : i32
        %ne3A_553 = arith.cmpi ne, %rem3A_551, %ne3A_552 : i32
        %and3A_554 = arith.andi %ne3A_550, %ne3A_553 : i1
        %sub3A_555 = arith.constant 1 : i32
        %sub3A_556 = arith.subi %div3A_535, %sub3A_555 : i32
        %select_n3A_557 = arith.select %and3A_554, %sub3A_556, %div3A_535 : i32
        %jit3A_558 = arith.constant 64 : i32
        %eq3A_559 = arith.constant 0 : i32
        %eq3A_560 = arith.cmpi eq, %jit3A_558, %eq3A_559 : i32
        %jit3A_561 = arith.constant 1 : i32
        %select_n3A_562 = arith.select %eq3A_560, %jit3A_561, %jit3A_558 : i32
        %rem3A_563 = arith.remsi %add3A_533, %select_n3A_562 : i32
        %ne3A_564 = arith.constant 0 : i32
        %ne3A_565 = arith.cmpi ne, %rem3A_563, %ne3A_564 : i32
        %lt3A_566 = arith.constant 0 : i32
        %lt3A_567 = arith.cmpi slt, %rem3A_563, %lt3A_566 : i32
        %lt3A_568 = arith.constant 0 : i32
        %lt3A_569 = arith.cmpi slt, %select_n3A_562, %lt3A_568 : i32
        %ne3A_570 = arith.xori %lt3A_567, %lt3A_569 : i1
        %and3A_571 = arith.andi %ne3A_570, %ne3A_565 : i1
        %add3A_572 = arith.addi %rem3A_563, %select_n3A_562 : i32
        %select_n3A_573 = arith.select %and3A_571, %add3A_572, %rem3A_563 : i32
        %mul3A_574 = arith.constant 16 : i32
        %mul3A_575 = arith.muli %select_n3A_573, %mul3A_574 : i32
        %get3A_576 = arith.constant 2 : i32
        %get3A_577 = arith.index_cast %get3A_576 : i32 to index
        %get3A_578 = arith.index_cast %select_n3A_557 : i32 to index
        %get3A_579 = arith.index_cast %mul3A_575 : i32 to index
        %get3A_580 = tpu.vector_load %arg9[%get3A_577, %get3A_578, %get3A_579] {strides = array<i32>} : memref<4x8x1024xf32, #tpu.memory_space<vmem>>, vector<1x1x16xf32>,
        %get3A_581 = vector.shape_cast %get3A_580 : vector<1x1x16xf32> to vector<16xf32>
        %get3A_582 = arith.constant 2 : i32
        %get3A_583 = arith.index_cast %get3A_582 : i32 to index
        %get3A_584 = arith.index_cast %select_n3A_557 : i32 to index
        %get3A_585 = arith.index_cast %mul3A_575 : i32 to index
        %get3A_586 = tpu.vector_load %arg10[%get3A_583, %get3A_584, %get3A_585] {strides = array<i32>} : memref<4x8x1024xf32, #tpu.memory_space<vmem>>, vector<1x1x16xf32>,
        %get3A_587 = vector.shape_cast %get3A_586 : vector<1x1x16xf32> to vector<16xf32>
        %add3A_588 = arith.addf %get3A_581, %get3A_587 : vector<16xf32>
        %swap3A_589 = arith.constant 2 : i32
        %swap3A_590 = arith.index_cast %swap3A_589 : i32 to index
        %swap3A_591 = arith.index_cast %select_n3A_557 : i32 to index
        %swap3A_592 = arith.index_cast %mul3A_575 : i32 to index
        %swap3A_593 = tpu.vector_load %arg11[%swap3A_590, %swap3A_591, %swap3A_592] {strides = array<i32>} : memref<4x8x1024xf32, #tpu.memory_space<vmem>>, vector<1x1x16xf32>,
        %swap3A_594 = vector.shape_cast %swap3A_593 : vector<1x1x16xf32> to vector<16xf32>
        %swap3A_595 = vector.shape_cast %add3A_588 : vector<16xf32> to vector<1x1x16xf32>
        tpu.vector_store %arg11[%swap3A_590, %swap3A_591, %swap3A_592], %swap3A_595 {strides = array<i32>} : memref<4x8x1024xf32, #tpu.memory_space<vmem>>, vector<1x1x16xf32>,
        %scan3A_596 = arith.constant 3 : i32
        %scan3A_597 = arith.addi %scan3A_404, %scan3A_596 : i32
        %mul3A_598 = arith.constant 1 : i32
        %mul3A_599 = arith.muli %scan3A_597, %mul3A_598 : i32
        %add3A_600 = arith.constant 0 : i32
        %add3A_601 = arith.addi %add3A_600, %mul3A_599 : i32
        %jit3A_602 = arith.constant 64 : i32
        %div3A_603 = arith.divsi %add3A_601, %jit3A_602 : i32
        %sign3A_604 = arith.constant 0 : i32
        %sign3A_605 = arith.cmpi sgt, %add3A_601, %sign3A_604 : i32
        %sign3A_606 = arith.extui %sign3A_605 : i1 to i32
        %sign3A_607 = arith.constant 0 : i32
        %sign3A_608 = arith.cmpi slt, %add3A_601, %sign3A_607 : i32
        %sign3A_609 = arith.extui %sign3A_608 : i1 to i32
        %sign3A_610 = arith.subi %sign3A_606, %sign3A_609 : i32
        %sign3A_611 = arith.constant 0 : i32
        %sign3A_612 = arith.cmpi sgt, %jit3A_602, %sign3A_611 : i32
        %sign3A_613 = arith.extui %sign3A_612 : i1 to i32
        %sign3A_614 = arith.constant 0 : i32
        %sign3A_615 = arith.cmpi slt, %jit3A_602, %sign3A_614 : i32
        %sign3A_616 = arith.extui %sign3A_615 : i1 to i32
        %sign3A_617 = arith.subi %sign3A_613, %sign3A_616 : i32
        %ne3A_618 = arith.cmpi ne, %sign3A_610, %sign3A_617 : i32
        %rem3A_619 = arith.remsi %add3A_601, %jit3A_602 : i32
        %ne3A_620 = arith.constant 0 : i32
        %ne3A_621 = arith.cmpi ne, %rem3A_619, %ne3A_620 : i32
        %and3A_622 = arith.andi %ne3A_618, %ne3A_621 : i1
        %sub3A_623 = arith.constant 1 : i32
        %sub3A_624 = arith.subi %div3A_603, %sub3A_623 : i32
        %select_n3A_625 = arith.select %and3A_622, %sub3A_624, %div3A_603 : i32
        %jit3A_626 = arith.constant 64 : i32
        %eq3A_627 = arith.constant 0 : i32
        %eq3A_628 = arith.cmpi eq, %jit3A_626, %eq3A_627 : i32
        %jit3A_629 = arith.constant 1 : i32
        %select_n3A_630 = arith.select %eq3A_628, %jit3A_629, %jit3A_626 : i32
        %rem3A_631 = arith.remsi %add3A_601, %select_n3A_630 : i32
        %ne3A_632 = arith.constant 0 : i32
        %ne3A_633 = arith.cmpi ne, %rem3A_631, %ne3A_632 : i32
        %lt3A_634 = arith.constant 0 : i32
        %lt3A_635 = arith.cmpi slt, %rem3A_631, %lt3A_634 : i32
        %lt3A_636 = arith.constant 0 : i32
        %lt3A_637 = arith.cmpi slt, %select_n3A_630, %lt3A_636 : i32
        %ne3A_638 = arith.xori %lt3A_635, %lt3A_637 : i1
        %and3A_639 = arith.andi %ne3A_638, %ne3A_633 : i1
        %add3A_640 = arith.addi %rem3A_631, %select_n3A_630 : i32
        %select_n3A_641 = arith.select %and3A_639, %add3A_640, %rem3A_631 : i32
        %mul3A_642 = arith.constant 16 : i32
        %mul3A_643 = arith.muli %select_n3A_641, %mul3A_642 : i32
        %get3A_644 = arith.constant 2 : i32
        %get3A_645 = arith.index_cast %get3A_644 : i32 to index
        %get3A_646 = arith.index_cast %select_n3A_625 : i32 to index
        %get3A_647 = arith.index_cast %mul3A_643 : i32 to index
        %get3A_648 = tpu.vector_load %arg9[%get3A_645, %get3A_646, %get3A_647] {strides = array<i32>} : memref<4x8x1024xf32, #tpu.memory_space<vmem>>, vector<1x1x16xf32>,
        %get3A_649 = vector.shape_cast %get3A_648 : vector<1x1x16xf32> to vector<16xf32>
        %get3A_650 = arith.constant 2 : i32
        %get3A_651 = arith.index_cast %get3A_650 : i32 to index
        %get3A_652 = arith.index_cast %select_n3A_625 : i32 to index
        %get3A_653 = arith.index_cast %mul3A_643 : i32 to index
        %get3A_654 = tpu.vector_load %arg10[%get3A_651, %get3A_652, %get3A_653] {strides = array<i32>} : memref<4x8x1024xf32, #tpu.memory_space<vmem>>, vector<1x1x16xf32>,
        %get3A_655 = vector.shape_cast %get3A_654 : vector<1x1x16xf32> to vector<16xf32>
        %add3A_656 = arith.addf %get3A_649, %get3A_655 : vector<16xf32>
        %swap3A_657 = arith.constant 2 : i32
        %swap3A_658 = arith.index_cast %swap3A_657 : i32 to index
        %swap3A_659 = arith.index_cast %select_n3A_625 : i32 to index
        %swap3A_660 = arith.index_cast %mul3A_643 : i32 to index
        %swap3A_661 = tpu.vector_load %arg11[%swap3A_658, %swap3A_659, %swap3A_660] {strides = array<i32>} : memref<4x8x1024xf32, #tpu.memory_space<vmem>>, vector<1x1x16xf32>,
        %swap3A_662 = vector.shape_cast %swap3A_661 : vector<1x1x16xf32> to vector<16xf32>
        %swap3A_663 = vector.shape_cast %add3A_656 : vector<16xf32> to vector<1x1x16xf32>
        tpu.vector_store %arg11[%swap3A_658, %swap3A_659, %swap3A_660], %swap3A_663 {strides = array<i32>} : memref<4x8x1024xf32, #tpu.memory_space<vmem>>, vector<1x1x16xf32>,
        %scan3A_664 = arith.constant 4 : i32
        %scan3A_665 = arith.addi %scan3A_404, %scan3A_664 : i32
        %mul3A_666 = arith.constant 1 : i32
        %mul3A_667 = arith.muli %scan3A_665, %mul3A_666 : i32
        %add3A_668 = arith.constant 0 : i32
        %add3A_669 = arith.addi %add3A_668, %mul3A_667 : i32
        %jit3A_670 = arith.constant 64 : i32
        %div3A_671 = arith.divsi %add3A_669, %jit3A_670 : i32
        %sign3A_672 = arith.constant 0 : i32
        %sign3A_673 = arith.cmpi sgt, %add3A_669, %sign3A_672 : i32
        %sign3A_674 = arith.extui %sign3A_673 : i1 to i32
        %sign3A_675 = arith.constant 0 : i32
        %sign3A_676 = arith.cmpi slt, %add3A_669, %sign3A_675 : i32
        %sign3A_677 = arith.extui %sign3A_676 : i1 to i32
        %sign3A_678 = arith.subi %sign3A_674, %sign3A_677 : i32
        %sign3A_679 = arith.constant 0 : i32
        %sign3A_680 = arith.cmpi sgt, %jit3A_670, %sign3A_679 : i32
        %sign3A_681 = arith.extui %sign3A_680 : i1 to i32
        %sign3A_682 = arith.constant 0 : i32
        %sign3A_683 = arith.cmpi slt, %jit3A_670, %sign3A_682 : i32
        %sign3A_684 = arith.extui %sign3A_683 : i1 to i32
        %sign3A_685 = arith.subi %sign3A_681, %sign3A_684 : i32
        %ne3A_686 = arith.cmpi ne, %sign3A_678, %sign3A_685 : i32
        %rem3A_687 = arith.remsi %add3A_669, %jit3A_670 : i32
        %ne3A_688 = arith.constant 0 : i32
        %ne3A_689 = arith.cmpi ne, %rem3A_687, %ne3A_688 : i32
        %and3A_690 = arith.andi %ne3A_686, %ne3A_689 : i1
        %sub3A_691 = arith.constant 1 : i32
        %sub3A_692 = arith.subi %div3A_671, %sub3A_691 : i32
        %select_n3A_693 = arith.select %and3A_690, %sub3A_692, %div3A_671 : i32
        %jit3A_694 = arith.constant 64 : i32
        %eq3A_695 = arith.constant 0 : i32
        %eq3A_696 = arith.cmpi eq, %jit3A_694, %eq3A_695 : i32
        %jit3A_697 = arith.constant 1 : i32
        %select_n3A_698 = arith.select %eq3A_696, %jit3A_697, %jit3A_694 : i32
        %rem3A_699 = arith.remsi %add3A_669, %select_n3A_698 : i32
        %ne3A_700 = arith.constant 0 : i32
        %ne3A_701 = arith.cmpi ne, %rem3A_699, %ne3A_700 : i32
        %lt3A_702 = arith.constant 0 : i32
        %lt3A_703 = arith.cmpi slt, %rem3A_699, %lt3A_702 : i32
        %lt3A_704 = arith.constant 0 : i32
        %lt3A_705 = arith.cmpi slt, %select_n3A_698, %lt3A_704 : i32
        %ne3A_706 = arith.xori %lt3A_703, %lt3A_705 : i1
        %and3A_707 = arith.andi %ne3A_706, %ne3A_701 : i1
        %add3A_708 = arith.addi %rem3A_699, %select_n3A_698 : i32
        %select_n3A_709 = arith.select %and3A_707, %add3A_708, %rem3A_699 : i32
        %mul3A_710 = arith.constant 16 : i32
        %mul3A_711 = arith.muli %select_n3A_709, %mul3A_710 : i32
        %get3A_712 = arith.constant 2 : i32
        %get3A_713 = arith.index_cast %get3A_712 : i32 to index
        %get3A_714 = arith.index_cast %select_n3A_693 : i32 to index
        %get3A_715 = arith.index_cast %mul3A_711 : i32 to index
        %get3A_716 = tpu.vector_load %arg9[%get3A_713, %get3A_714, %get3A_715] {strides = array<i32>} : memref<4x8x1024xf32, #tpu.memory_space<vmem>>, vector<1x1x16xf32>,
        %get3A_717 = vector.shape_cast %get3A_716 : vector<1x1x16xf32> to vector<16xf32>
        %get3A_718 = arith.constant 2 : i32
        %get3A_719 = arith.index_cast %get3A_718 : i32 to index
        %get3A_720 = arith.index_cast %select_n3A_693 : i32 to index
        %get3A_721 = arith.index_cast %mul3A_711 : i32 to index
        %get3A_722 = tpu.vector_load %arg10[%get3A_719, %get3A_720, %get3A_721] {strides = array<i32>} : memref<4x8x1024xf32, #tpu.memory_space<vmem>>, vector<1x1x16xf32>,
        %get3A_723 = vector.shape_cast %get3A_722 : vector<1x1x16xf32> to vector<16xf32>
        %add3A_724 = arith.addf %get3A_717, %get3A_723 : vector<16xf32>
        %swap3A_725 = arith.constant 2 : i32
        %swap3A_726 = arith.index_cast %swap3A_725 : i32 to index
        %swap3A_727 = arith.index_cast %select_n3A_693 : i32 to index
        %swap3A_728 = arith.index_cast %mul3A_711 : i32 to index
        %swap3A_729 = tpu.vector_load %arg11[%swap3A_726, %swap3A_727, %swap3A_728] {strides = array<i32>} : memref<4x8x1024xf32, #tpu.memory_space<vmem>>, vector<1x1x16xf32>,
        %swap3A_730 = vector.shape_cast %swap3A_729 : vector<1x1x16xf32> to vector<16xf32>
        %swap3A_731 = vector.shape_cast %add3A_724 : vector<16xf32> to vector<1x1x16xf32>
        tpu.vector_store %arg11[%swap3A_726, %swap3A_727, %swap3A_728], %swap3A_731 {strides = array<i32>} : memref<4x8x1024xf32, #tpu.memory_space<vmem>>, vector<1x1x16xf32>,
        %scan3A_732 = arith.constant 5 : i32
        %scan3A_733 = arith.addi %scan3A_404, %scan3A_732 : i32
        %mul3A_734 = arith.constant 1 : i32
        %mul3A_735 = arith.muli %scan3A_733, %mul3A_734 : i32
        %add3A_736 = arith.constant 0 : i32
        %add3A_737 = arith.addi %add3A_736, %mul3A_735 : i32
        %jit3A_738 = arith.constant 64 : i32
        %div3A_739 = arith.divsi %add3A_737, %jit3A_738 : i32
        %sign3A_740 = arith.constant 0 : i32
        %sign3A_741 = arith.cmpi sgt, %add3A_737, %sign3A_740 : i32
        %sign3A_742 = arith.extui %sign3A_741 : i1 to i32
        %sign3A_743 = arith.constant 0 : i32
        %sign3A_744 = arith.cmpi slt, %add3A_737, %sign3A_743 : i32
        %sign3A_745 = arith.extui %sign3A_744 : i1 to i32
        %sign3A_746 = arith.subi %sign3A_742, %sign3A_745 : i32
        %sign3A_747 = arith.constant 0 : i32
        %sign3A_748 = arith.cmpi sgt, %jit3A_738, %sign3A_747 : i32
        %sign3A_749 = arith.extui %sign3A_748 : i1 to i32
        %sign3A_750 = arith.constant 0 : i32
        %sign3A_751 = arith.cmpi slt, %jit3A_738, %sign3A_750 : i32
        %sign3A_752 = arith.extui %sign3A_751 : i1 to i32
        %sign3A_753 = arith.subi %sign3A_749, %sign3A_752 : i32
        %ne3A_754 = arith.cmpi ne, %sign3A_746, %sign3A_753 : i32
        %rem3A_755 = arith.remsi %add3A_737, %jit3A_738 : i32
        %ne3A_756 = arith.constant 0 : i32
        %ne3A_757 = arith.cmpi ne, %rem3A_755, %ne3A_756 : i32
        %and3A_758 = arith.andi %ne3A_754, %ne3A_757 : i1
        %sub3A_759 = arith.constant 1 : i32
        %sub3A_760 = arith.subi %div3A_739, %sub3A_759 : i32
        %select_n3A_761 = arith.select %and3A_758, %sub3A_760, %div3A_739 : i32
        %jit3A_762 = arith.constant 64 : i32
        %eq3A_763 = arith.constant 0 : i32
        %eq3A_764 = arith.cmpi eq, %jit3A_762, %eq3A_763 : i32
        %jit3A_765 = arith.constant 1 : i32
        %select_n3A_766 = arith.select %eq3A_764, %jit3A_765, %jit3A_762 : i32
        %rem3A_767 = arith.remsi %add3A_737, %select_n3A_766 : i32
        %ne3A_768 = arith.constant 0 : i32
        %ne3A_769 = arith.cmpi ne, %rem3A_767, %ne3A_768 : i32
        %lt3A_770 = arith.constant 0 : i32
        %lt3A_771 = arith.cmpi slt, %rem3A_767, %lt3A_770 : i32
        %lt3A_772 = arith.constant 0 : i32
        %lt3A_773 = arith.cmpi slt, %select_n3A_766, %lt3A_772 : i32
        %ne3A_774 = arith.xori %lt3A_771, %lt3A_773 : i1
        %and3A_775 = arith.andi %ne3A_774, %ne3A_769 : i1
        %add3A_776 = arith.addi %rem3A_767, %select_n3A_766 : i32
        %select_n3A_777 = arith.select %and3A_775, %add3A_776, %rem3A_767 : i32
        %mul3A_778 = arith.constant 16 : i32
        %mul3A_779 = arith.muli %select_n3A_777, %mul3A_778 : i32
        %get3A_780 = arith.constant 2 : i32
        %get3A_781 = arith.index_cast %get3A_780 : i32 to index
        %get3A_782 = arith.index_cast %select_n3A_761 : i32 to index
        %get3A_783 = arith.index_cast %mul3A_779 : i32 to index
        %get3A_784 = tpu.vector_load %arg9[%get3A_781, %get3A_782, %get3A_783] {strides = array<i32>} : memref<4x8x1024xf32, #tpu.memory_space<vmem>>, vector<1x1x16xf32>,
        %get3A_785 = vector.shape_cast %get3A_784 : vector<1x1x16xf32> to vector<16xf32>
        %get3A_786 = arith.constant 2 : i32
        %get3A_787 = arith.index_cast %get3A_786 : i32 to index
        %get3A_788 = arith.index_cast %select_n3A_761 : i32 to index
        %get3A_789 = arith.index_cast %mul3A_779 : i32 to index
        %get3A_790 = tpu.vector_load %arg10[%get3A_787, %get3A_788, %get3A_789] {strides = array<i32>} : memref<4x8x1024xf32, #tpu.memory_space<vmem>>, vector<1x1x16xf32>,
        %get3A_791 = vector.shape_cast %get3A_790 : vector<1x1x16xf32> to vector<16xf32>
        %add3A_792 = arith.addf %get3A_785, %get3A_791 : vector<16xf32>
        %swap3A_793 = arith.constant 2 : i32
        %swap3A_794 = arith.index_cast %swap3A_793 : i32 to index
        %swap3A_795 = arith.index_cast %select_n3A_761 : i32 to index
        %swap3A_796 = arith.index_cast %mul3A_779 : i32 to index
        %swap3A_797 = tpu.vector_load %arg11[%swap3A_794, %swap3A_795, %swap3A_796] {strides = array<i32>} : memref<4x8x1024xf32, #tpu.memory_space<vmem>>, vector<1x1x16xf32>,
        %swap3A_798 = vector.shape_cast %swap3A_797 : vector<1x1x16xf32> to vector<16xf32>
        %swap3A_799 = vector.shape_cast %add3A_792 : vector<16xf32> to vector<1x1x16xf32>
        tpu.vector_store %arg11[%swap3A_794, %swap3A_795, %swap3A_796], %swap3A_799 {strides = array<i32>} : memref<4x8x1024xf32, #tpu.memory_space<vmem>>, vector<1x1x16xf32>,
        %scan3A_800 = arith.constant 6 : i32
        %scan3A_801 = arith.addi %scan3A_404, %scan3A_800 : i32
        %mul3A_802 = arith.constant 1 : i32
        %mul3A_803 = arith.muli %scan3A_801, %mul3A_802 : i32
        %add3A_804 = arith.constant 0 : i32
        %add3A_805 = arith.addi %add3A_804, %mul3A_803 : i32
        %jit3A_806 = arith.constant 64 : i32
        %div3A_807 = arith.divsi %add3A_805, %jit3A_806 : i32
        %sign3A_808 = arith.constant 0 : i32
        %sign3A_809 = arith.cmpi sgt, %add3A_805, %sign3A_808 : i32
        %sign3A_810 = arith.extui %sign3A_809 : i1 to i32
        %sign3A_811 = arith.constant 0 : i32
        %sign3A_812 = arith.cmpi slt, %add3A_805, %sign3A_811 : i32
        %sign3A_813 = arith.extui %sign3A_812 : i1 to i32
        %sign3A_814 = arith.subi %sign3A_810, %sign3A_813 : i32
        %sign3A_815 = arith.constant 0 : i32
        %sign3A_816 = arith.cmpi sgt, %jit3A_806, %sign3A_815 : i32
        %sign3A_817 = arith.extui %sign3A_816 : i1 to i32
        %sign3A_818 = arith.constant 0 : i32
        %sign3A_819 = arith.cmpi slt, %jit3A_806, %sign3A_818 : i32
        %sign3A_820 = arith.extui %sign3A_819 : i1 to i32
        %sign3A_821 = arith.subi %sign3A_817, %sign3A_820 : i32
        %ne3A_822 = arith.cmpi ne, %sign3A_814, %sign3A_821 : i32
        %rem3A_823 = arith.remsi %add3A_805, %jit3A_806 : i32
        %ne3A_824 = arith.constant 0 : i32
        %ne3A_825 = arith.cmpi ne, %rem3A_823, %ne3A_824 : i32
        %and3A_826 = arith.andi %ne3A_822, %ne3A_825 : i1
        %sub3A_827 = arith.constant 1 : i32
        %sub3A_828 = arith.subi %div3A_807, %sub3A_827 : i32
        %select_n3A_829 = arith.select %and3A_826, %sub3A_828, %div3A_807 : i32
        %jit3A_830 = arith.constant 64 : i32
        %eq3A_831 = arith.constant 0 : i32
        %eq3A_832 = arith.cmpi eq, %jit3A_830, %eq3A_831 : i32
        %jit3A_833 = arith.constant 1 : i32
        %select_n3A_834 = arith.select %eq3A_832, %jit3A_833, %jit3A_830 : i32
        %rem3A_835 = arith.remsi %add3A_805, %select_n3A_834 : i32
        %ne3A_836 = arith.constant 0 : i32
        %ne3A_837 = arith.cmpi ne, %rem3A_835, %ne3A_836 : i32
        %lt3A_838 = arith.constant 0 : i32
        %lt3A_839 = arith.cmpi slt, %rem3A_835, %lt3A_838 : i32
        %lt3A_840 = arith.constant 0 : i32
        %lt3A_841 = arith.cmpi slt, %select_n3A_834, %lt3A_840 : i32
        %ne3A_842 = arith.xori %lt3A_839, %lt3A_841 : i1
        %and3A_843 = arith.andi %ne3A_842, %ne3A_837 : i1
        %add3A_844 = arith.addi %rem3A_835, %select_n3A_834 : i32
        %select_n3A_845 = arith.select %and3A_843, %add3A_844, %rem3A_835 : i32
        %mul3A_846 = arith.constant 16 : i32
        %mul3A_847 = arith.muli %select_n3A_845, %mul3A_846 : i32
        %get3A_848 = arith.constant 2 : i32
        %get3A_849 = arith.index_cast %get3A_848 : i32 to index
        %get3A_850 = arith.index_cast %select_n3A_829 : i32 to index
        %get3A_851 = arith.index_cast %mul3A_847 : i32 to index
        %get3A_852 = tpu.vector_load %arg9[%get3A_849, %get3A_850, %get3A_851] {strides = array<i32>} : memref<4x8x1024xf32, #tpu.memory_space<vmem>>, vector<1x1x16xf32>,
        %get3A_853 = vector.shape_cast %get3A_852 : vector<1x1x16xf32> to vector<16xf32>
        %get3A_854 = arith.constant 2 : i32
        %get3A_855 = arith.index_cast %get3A_854 : i32 to index
        %get3A_856 = arith.index_cast %select_n3A_829 : i32 to index
        %get3A_857 = arith.index_cast %mul3A_847 : i32 to index
        %get3A_858 = tpu.vector_load %arg10[%get3A_855, %get3A_856, %get3A_857] {strides = array<i32>} : memref<4x8x1024xf32, #tpu.memory_space<vmem>>, vector<1x1x16xf32>,
        %get3A_859 = vector.shape_cast %get3A_858 : vector<1x1x16xf32> to vector<16xf32>
        %add3A_860 = arith.addf %get3A_853, %get3A_859 : vector<16xf32>
        %swap3A_861 = arith.constant 2 : i32
        %swap3A_862 = arith.index_cast %swap3A_861 : i32 to index
        %swap3A_863 = arith.index_cast %select_n3A_829 : i32 to index
        %swap3A_864 = arith.index_cast %mul3A_847 : i32 to index
        %swap3A_865 = tpu.vector_load %arg11[%swap3A_862, %swap3A_863, %swap3A_864] {strides = array<i32>} : memref<4x8x1024xf32, #tpu.memory_space<vmem>>, vector<1x1x16xf32>,
        %swap3A_866 = vector.shape_cast %swap3A_865 : vector<1x1x16xf32> to vector<16xf32>
        %swap3A_867 = vector.shape_cast %add3A_860 : vector<16xf32> to vector<1x1x16xf32>
        tpu.vector_store %arg11[%swap3A_862, %swap3A_863, %swap3A_864], %swap3A_867 {strides = array<i32>} : memref<4x8x1024xf32, #tpu.memory_space<vmem>>, vector<1x1x16xf32>,
        %scan3A_868 = arith.constant 7 : i32
        %scan3A_869 = arith.addi %scan3A_404, %scan3A_868 : i32
        %mul3A_870 = arith.constant 1 : i32
        %mul3A_871 = arith.muli %scan3A_869, %mul3A_870 : i32
        %add3A_872 = arith.constant 0 : i32
        %add3A_873 = arith.addi %add3A_872, %mul3A_871 : i32
        %jit3A_874 = arith.constant 64 : i32
        %div3A_875 = arith.divsi %add3A_873, %jit3A_874 : i32
        %sign3A_876 = arith.constant 0 : i32
        %sign3A_877 = arith.cmpi sgt, %add3A_873, %sign3A_876 : i32
        %sign3A_878 = arith.extui %sign3A_877 : i1 to i32
        %sign3A_879 = arith.constant 0 : i32
        %sign3A_880 = arith.cmpi slt, %add3A_873, %sign3A_879 : i32
        %sign3A_881 = arith.extui %sign3A_880 : i1 to i32
        %sign3A_882 = arith.subi %sign3A_878, %sign3A_881 : i32
        %sign3A_883 = arith.constant 0 : i32
        %sign3A_884 = arith.cmpi sgt, %jit3A_874, %sign3A_883 : i32
        %sign3A_885 = arith.extui %sign3A_884 : i1 to i32
        %sign3A_886 = arith.constant 0 : i32
        %sign3A_887 = arith.cmpi slt, %jit3A_874, %sign3A_886 : i32
        %sign3A_888 = arith.extui %sign3A_887 : i1 to i32
        %sign3A_889 = arith.subi %sign3A_885, %sign3A_888 : i32
        %ne3A_890 = arith.cmpi ne, %sign3A_882, %sign3A_889 : i32
        %rem3A_891 = arith.remsi %add3A_873, %jit3A_874 : i32
        %ne3A_892 = arith.constant 0 : i32
        %ne3A_893 = arith.cmpi ne, %rem3A_891, %ne3A_892 : i32
        %and3A_894 = arith.andi %ne3A_890, %ne3A_893 : i1
        %sub3A_895 = arith.constant 1 : i32
        %sub3A_896 = arith.subi %div3A_875, %sub3A_895 : i32
        %select_n3A_897 = arith.select %and3A_894, %sub3A_896, %div3A_875 : i32
        %jit3A_898 = arith.constant 64 : i32
        %eq3A_899 = arith.constant 0 : i32
        %eq3A_900 = arith.cmpi eq, %jit3A_898, %eq3A_899 : i32
        %jit3A_901 = arith.constant 1 : i32
        %select_n3A_902 = arith.select %eq3A_900, %jit3A_901, %jit3A_898 : i32
        %rem3A_903 = arith.remsi %add3A_873, %select_n3A_902 : i32
        %ne3A_904 = arith.constant 0 : i32
        %ne3A_905 = arith.cmpi ne, %rem3A_903, %ne3A_904 : i32
        %lt3A_906 = arith.constant 0 : i32
        %lt3A_907 = arith.cmpi slt, %rem3A_903, %lt3A_906 : i32
        %lt3A_908 = arith.constant 0 : i32
        %lt3A_909 = arith.cmpi slt, %select_n3A_902, %lt3A_908 : i32
        %ne3A_910 = arith.xori %lt3A_907, %lt3A_909 : i1
        %and3A_911 = arith.andi %ne3A_910, %ne3A_905 : i1
        %add3A_912 = arith.addi %rem3A_903, %select_n3A_902 : i32
        %select_n3A_913 = arith.select %and3A_911, %add3A_912, %rem3A_903 : i32
        %mul3A_914 = arith.constant 16 : i32
        %mul3A_915 = arith.muli %select_n3A_913, %mul3A_914 : i32
        %get3A_916 = arith.constant 2 : i32
        %get3A_917 = arith.index_cast %get3A_916 : i32 to index
        %get3A_918 = arith.index_cast %select_n3A_897 : i32 to index
        %get3A_919 = arith.index_cast %mul3A_915 : i32 to index
        %get3A_920 = tpu.vector_load %arg9[%get3A_917, %get3A_918, %get3A_919] {strides = array<i32>} : memref<4x8x1024xf32, #tpu.memory_space<vmem>>, vector<1x1x16xf32>,
        %get3A_921 = vector.shape_cast %get3A_920 : vector<1x1x16xf32> to vector<16xf32>
        %get3A_922 = arith.constant 2 : i32
        %get3A_923 = arith.index_cast %get3A_922 : i32 to index
        %get3A_924 = arith.index_cast %select_n3A_897 : i32 to index
        %get3A_925 = arith.index_cast %mul3A_915 : i32 to index
        %get3A_926 = tpu.vector_load %arg10[%get3A_923, %get3A_924, %get3A_925] {strides = array<i32>} : memref<4x8x1024xf32, #tpu.memory_space<vmem>>, vector<1x1x16xf32>,
        %get3A_927 = vector.shape_cast %get3A_926 : vector<1x1x16xf32> to vector<16xf32>
        %add3A_928 = arith.addf %get3A_921, %get3A_927 : vector<16xf32>
        %swap3A_929 = arith.constant 2 : i32
        %swap3A_930 = arith.index_cast %swap3A_929 : i32 to index
        %swap3A_931 = arith.index_cast %select_n3A_897 : i32 to index
        %swap3A_932 = arith.index_cast %mul3A_915 : i32 to index
        %swap3A_933 = tpu.vector_load %arg11[%swap3A_930, %swap3A_931, %swap3A_932] {strides = array<i32>} : memref<4x8x1024xf32, #tpu.memory_space<vmem>>, vector<1x1x16xf32>,
        %swap3A_934 = vector.shape_cast %swap3A_933 : vector<1x1x16xf32> to vector<16xf32>
        %swap3A_935 = vector.shape_cast %add3A_928 : vector<16xf32> to vector<1x1x16xf32>
        tpu.vector_store %arg11[%swap3A_930, %swap3A_931, %swap3A_932], %swap3A_935 {strides = array<i32>} : memref<4x8x1024xf32, #tpu.memory_space<vmem>>, vector<1x1x16xf32>,
      }
      %scan3A_323 = arith.constant 512 : i32
      %lt3A_324 = arith.constant 31 : i32
      %lt3A_325 = arith.cmpi slt, %add3A_175, %lt3A_324 : i32
      %convert_element_type3A_326 = arith.extui %lt3A_325 : i1 to i32
      %cond3A_327 = arith.constant 0 : i32
      %cond3A_328 = arith.cmpi ne, %convert_element_type3A_326, %cond3A_327 : i32
      scf.if %cond3A_328 {
        %add3A_404 = arith.constant 4 : i32
        %add3A_405 = arith.addi %add3A_291, %add3A_404 : i32
        %dma_start3A_406 = arith.constant 2 : i32
        %dma_start3A_407 = arith.constant 0 : i32
        %dma_start3A_408 = arith.constant 0 : i32
        %dma_start3A_409 = tpu.memref_slice %arg9[%dma_start3A_406, %dma_start3A_407, %dma_start3A_408] : memref<4x8x1024xf32, #tpu.memory_space<vmem>> -> memref<1x8x1024xf32, #tpu.memory_space<vmem>>
        %dma_start3A_410 = tpu.memref_squeeze %dma_start3A_409 : memref<1x8x1024xf32, #tpu.memory_space<vmem>> -> memref<8x1024xf32, #tpu.memory_space<vmem>>
        %dma_start3A_411 = arith.constant 0 : i32
        %dma_start3A_412 = tpu.memref_slice %arg7[%add3A_405, %dma_start3A_411] : memref<128x8xi32, #tpu.memory_space<vmem>> -> memref<1x8xi32, #tpu.memory_space<vmem>>
        %dma_start3A_413 = tpu.memref_squeeze %dma_start3A_412 : memref<1x8xi32, #tpu.memory_space<vmem>> -> memref<8xi32, #tpu.memory_space<vmem>>
        %dma_start3A_414 = arith.constant 0 : i32
        %dma_start3A_415 = arith.constant 0 : i32
        %dma_start3A_416 = tpu.memref_slice %arg4[%dma_start3A_414, %dma_start3A_415] : memref<100000x1024xf32, #tpu.memory_space<hbm>> -> memref<100000x1024xf32, #tpu.memory_space<hbm>>
        tpu.enqueue_indirect_dma source(%dma_start3A_416 : memref<100000x1024xf32, #tpu.memory_space<hbm>>) target(%dma_start3A_410 : memref<8x1024xf32, #tpu.memory_space<vmem>>) offsets(%dma_start3A_413 : memref<8xi32, #tpu.memory_space<vmem>>) semaphore(%arg14 : memref<!tpu.dma_semaphore, #tpu.memory_space<semaphore_mem>>)
        %dma_start3A_417 = arith.constant 2 : i32
        %dma_start3A_418 = arith.constant 0 : i32
        %dma_start3A_419 = arith.constant 0 : i32
        %dma_start3A_420 = tpu.memref_slice %arg10[%dma_start3A_417, %dma_start3A_418, %dma_start3A_419] : memref<4x8x1024xf32, #tpu.memory_space<vmem>> -> memref<1x8x1024xf32, #tpu.memory_space<vmem>>
        %dma_start3A_421 = tpu.memref_squeeze %dma_start3A_420 : memref<1x8x1024xf32, #tpu.memory_space<vmem>> -> memref<8x1024xf32, #tpu.memory_space<vmem>>
        %dma_start3A_422 = arith.constant 0 : i32
        %dma_start3A_423 = tpu.memref_slice %arg8[%add3A_405, %dma_start3A_422] : memref<128x8xi32, #tpu.memory_space<vmem>> -> memref<1x8xi32, #tpu.memory_space<vmem>>
        %dma_start3A_424 = tpu.memref_squeeze %dma_start3A_423 : memref<1x8xi32, #tpu.memory_space<vmem>> -> memref<8xi32, #tpu.memory_space<vmem>>
        %dma_start3A_425 = arith.constant 0 : i32
        %dma_start3A_426 = arith.constant 0 : i32
        %dma_start3A_427 = tpu.memref_slice %arg5[%dma_start3A_425, %dma_start3A_426] : memref<8192x1024xf32, #tpu.memory_space<hbm>> -> memref<8192x1024xf32, #tpu.memory_space<hbm>>
        tpu.enqueue_indirect_dma source(%dma_start3A_427 : memref<8192x1024xf32, #tpu.memory_space<hbm>>) target(%dma_start3A_421 : memref<8x1024xf32, #tpu.memory_space<vmem>>) offsets(%dma_start3A_424 : memref<8xi32, #tpu.memory_space<vmem>>) semaphore(%arg18 : memref<!tpu.dma_semaphore, #tpu.memory_space<semaphore_mem>>)
      } else {
      }
      %dma_start3A_329 = arith.constant 2 : i32
      %dma_start3A_330 = arith.constant 0 : i32
      %dma_start3A_331 = arith.constant 0 : i32
      %dma_start3A_332 = tpu.memref_slice %arg11[%dma_start3A_329, %dma_start3A_330, %dma_start3A_331] : memref<4x8x1024xf32, #tpu.memory_space<vmem>> -> memref<1x8x1024xf32, #tpu.memory_space<vmem>>
      %dma_start3A_333 = tpu.memref_squeeze %dma_start3A_332 : memref<1x8x1024xf32, #tpu.memory_space<vmem>> -> memref<8x1024xf32, #tpu.memory_space<vmem>>
      %dma_start3A_334 = arith.constant 0 : i32
      %dma_start3A_335 = arith.constant 0 : i32
      %dma_start3A_336 = tpu.memref_slice %arg6[%add3A, %add3A_291, %dma_start3A_334, %dma_start3A_335] : memref<32x128x8x1024xf32, #tpu.memory_space<hbm>> -> memref<1x1x8x1024xf32, #tpu.memory_space<hbm>>
      %dma_start3A_337 = tpu.memref_squeeze %dma_start3A_336 : memref<1x1x8x1024xf32, #tpu.memory_space<hbm>> -> memref<8x1024xf32, #tpu.memory_space<hbm>>
      %dma_start3A_338 = arith.constant 0 : i32
      %dma_start3A_339 = arith.constant 0 : i32
      %dma_start3A_340 = tpu.memref_slice %arg6[%add3A, %add3A_291, %dma_start3A_338, %dma_start3A_339] : memref<32x128x8x1024xf32, #tpu.memory_space<hbm>> -> memref<1x1x8x1024xf32, #tpu.memory_space<hbm>>
      %dma_start3A_341 = tpu.memref_squeeze %dma_start3A_340 : memref<1x1x8x1024xf32, #tpu.memory_space<hbm>> -> memref<8x1024xf32, #tpu.memory_space<hbm>>
      %dma_start3A_342 = arith.constant 0 : i32
      %dma_start3A_343 = arith.constant 0 : i32
      %dma_start3A_344 = tpu.memref_slice %arg11[%dma_start3A_329, %dma_start3A_342, %dma_start3A_343] : memref<4x8x1024xf32, #tpu.memory_space<vmem>> -> memref<1x8x1024xf32, #tpu.memory_space<vmem>>
      %dma_start3A_345 = tpu.memref_squeeze %dma_start3A_344 : memref<1x8x1024xf32, #tpu.memory_space<vmem>> -> memref<8x1024xf32, #tpu.memory_space<vmem>>
      tpu.enqueue_dma source(%dma_start3A_345 : memref<8x1024xf32, #tpu.memory_space<vmem>>) target(%dma_start3A_341 : memref<8x1024xf32, #tpu.memory_space<hbm>>) target_semaphore(%arg22 : memref<!tpu.dma_semaphore, #tpu.memory_space<semaphore_mem>>)
      %mul3A_346 = arith.constant 4 : i32
      %mul3A_347 = arith.muli %add3A_175, %mul3A_346 : i32
      %add3A_348 = arith.constant 3 : i32
      %add3A_349 = arith.addi %mul3A_347, %add3A_348 : i32
      %dma_wait3A_350 = arith.constant 3 : i32
      %dma_wait3A_351 = arith.constant 0 : i32
      %dma_wait3A_352 = arith.constant 0 : i32
      %dma_wait3A_353 = tpu.memref_slice %arg9[%dma_wait3A_350, %dma_wait3A_351, %dma_wait3A_352] : memref<4x8x1024xf32, #tpu.memory_space<vmem>> -> memref<1x8x1024xf32, #tpu.memory_space<vmem>>
      %dma_wait3A_354 = tpu.memref_squeeze %dma_wait3A_353 : memref<1x8x1024xf32, #tpu.memory_space<vmem>> -> memref<8x1024xf32, #tpu.memory_space<vmem>>
      %dma_wait3A_355 = arith.constant 0 : i32
      %dma_wait3A_356 = tpu.memref_slice %arg7[%add3A_349, %dma_wait3A_355] : memref<128x8xi32, #tpu.memory_space<vmem>> -> memref<1x8xi32, #tpu.memory_space<vmem>>
      %dma_wait3A_357 = tpu.memref_squeeze %dma_wait3A_356 : memref<1x8xi32, #tpu.memory_space<vmem>> -> memref<8xi32, #tpu.memory_space<vmem>>
      %dma_wait3A_358 = arith.constant 0 : i32
      %dma_wait3A_359 = arith.constant 0 : i32
      %dma_wait3A_360 = tpu.memref_slice %arg4[%dma_wait3A_358, %dma_wait3A_359] : memref<100000x1024xf32, #tpu.memory_space<hbm>> -> memref<100000x1024xf32, #tpu.memory_space<hbm>>
      tpu.wait_indirect_dma semaphore(%arg15 : memref<!tpu.dma_semaphore, #tpu.memory_space<semaphore_mem>>) src(%dma_wait3A_360 : memref<100000x1024xf32, #tpu.memory_space<hbm>>) dst(%dma_wait3A_354 : memref<8x1024xf32, #tpu.memory_space<vmem>>)
      %dma_wait3A_361 = arith.constant 3 : i32
      %dma_wait3A_362 = arith.constant 0 : i32
      %dma_wait3A_363 = arith.constant 0 : i32
      %dma_wait3A_364 = tpu.memref_slice %arg10[%dma_wait3A_361, %dma_wait3A_362, %dma_wait3A_363] : memref<4x8x1024xf32, #tpu.memory_space<vmem>> -> memref<1x8x1024xf32, #tpu.memory_space<vmem>>
      %dma_wait3A_365 = tpu.memref_squeeze %dma_wait3A_364 : memref<1x8x1024xf32, #tpu.memory_space<vmem>> -> memref<8x1024xf32, #tpu.memory_space<vmem>>
      %dma_wait3A_366 = arith.constant 0 : i32
      %dma_wait3A_367 = tpu.memref_slice %arg8[%add3A_349, %dma_wait3A_366] : memref<128x8xi32, #tpu.memory_space<vmem>> -> memref<1x8xi32, #tpu.memory_space<vmem>>
      %dma_wait3A_368 = tpu.memref_squeeze %dma_wait3A_367 : memref<1x8xi32, #tpu.memory_space<vmem>> -> memref<8xi32, #tpu.memory_space<vmem>>
      %dma_wait3A_369 = arith.constant 0 : i32
      %dma_wait3A_370 = arith.constant 0 : i32
      %dma_wait3A_371 = tpu.memref_slice %arg5[%dma_wait3A_369, %dma_wait3A_370] : memref<8192x1024xf32, #tpu.memory_space<hbm>> -> memref<8192x1024xf32, #tpu.memory_space<hbm>>
      tpu.wait_indirect_dma semaphore(%arg19 : memref<!tpu.dma_semaphore, #tpu.memory_space<semaphore_mem>>) src(%dma_wait3A_371 : memref<8192x1024xf32, #tpu.memory_space<hbm>>) dst(%dma_wait3A_365 : memref<8x1024xf32, #tpu.memory_space<vmem>>)
      %ge3A_372 = arith.constant 1 : i32
      %ge3A_373 = arith.cmpi sge, %add3A_175, %ge3A_372 : i32
      %convert_element_type3A_374 = arith.extui %ge3A_373 : i1 to i32
      %cond3A_375 = arith.constant 0 : i32
      %cond3A_376 = arith.cmpi ne, %convert_element_type3A_374, %cond3A_375 : i32
      scf.if %cond3A_376 {
        %dma_wait3A_404 = arith.constant 3 : i32
        %dma_wait3A_405 = arith.constant 0 : i32
        %dma_wait3A_406 = arith.constant 0 : i32
        %dma_wait3A_407 = tpu.memref_slice %arg11[%dma_wait3A_404, %dma_wait3A_405, %dma_wait3A_406] : memref<4x8x1024xf32, #tpu.memory_space<vmem>> -> memref<1x8x1024xf32, #tpu.memory_space<vmem>>
        %dma_wait3A_408 = tpu.memref_squeeze %dma_wait3A_407 : memref<1x8x1024xf32, #tpu.memory_space<vmem>> -> memref<8x1024xf32, #tpu.memory_space<vmem>>
        %dma_wait3A_409 = arith.constant 0 : i32
        %dma_wait3A_410 = arith.constant 0 : i32
        %dma_wait3A_411 = tpu.memref_slice %arg6[%add3A, %add3A_349, %dma_wait3A_409, %dma_wait3A_410] : memref<32x128x8x1024xf32, #tpu.memory_space<hbm>> -> memref<1x1x8x1024xf32, #tpu.memory_space<hbm>>
        %dma_wait3A_412 = tpu.memref_squeeze %dma_wait3A_411 : memref<1x1x8x1024xf32, #tpu.memory_space<hbm>> -> memref<8x1024xf32, #tpu.memory_space<hbm>>
        %dma_wait3A_413 = arith.constant 0 : i32
        %dma_wait3A_414 = arith.constant 0 : i32
        %dma_wait3A_415 = tpu.memref_slice %arg6[%add3A, %add3A_349, %dma_wait3A_413, %dma_wait3A_414] : memref<32x128x8x1024xf32, #tpu.memory_space<hbm>> -> memref<1x1x8x1024xf32, #tpu.memory_space<hbm>>
        %dma_wait3A_416 = tpu.memref_squeeze %dma_wait3A_415 : memref<1x1x8x1024xf32, #tpu.memory_space<hbm>> -> memref<8x1024xf32, #tpu.memory_space<hbm>>
        %dma_wait3A_417 = arith.constant 0 : i32
        %dma_wait3A_418 = arith.constant 0 : i32
        %dma_wait3A_419 = tpu.memref_slice %arg11[%dma_wait3A_404, %dma_wait3A_417, %dma_wait3A_418] : memref<4x8x1024xf32, #tpu.memory_space<vmem>> -> memref<1x8x1024xf32, #tpu.memory_space<vmem>>
        %dma_wait3A_420 = tpu.memref_squeeze %dma_wait3A_419 : memref<1x8x1024xf32, #tpu.memory_space<vmem>> -> memref<8x1024xf32, #tpu.memory_space<vmem>>
        tpu.wait_dma2 semaphore(%arg23 : memref<!tpu.dma_semaphore, #tpu.memory_space<semaphore_mem>>) src(%dma_wait3A_420 : memref<8x1024xf32, #tpu.memory_space<vmem>>) dst(%dma_wait3A_416 : memref<8x1024xf32, #tpu.memory_space<hbm>>)
      } else {
      }
      %scan3A_377 = arith.constant 0 : i32
      %scan3A_378 = arith.constant 512 : i32
      %scan3A_379 = arith.addi %scan3A_377, %scan3A_378 : i32
      %scan3A_380 = arith.constant 8 : i32
      scf.for %scan3A_404 = %scan3A_377 to %scan3A_379 step %scan3A_380  : i32 {
        %mul3A_405 = arith.constant 1 : i32
        %mul3A_406 = arith.muli %scan3A_404, %mul3A_405 : i32
        %add3A_407 = arith.constant 0 : i32
        %add3A_408 = arith.addi %add3A_407, %mul3A_406 : i32
        %jit3A = arith.constant 64 : i32
        %div3A = arith.divsi %add3A_408, %jit3A : i32
        %sign3A = arith.constant 0 : i32
        %sign3A_409 = arith.cmpi sgt, %add3A_408, %sign3A : i32
        %sign3A_410 = arith.extui %sign3A_409 : i1 to i32
        %sign3A_411 = arith.constant 0 : i32
        %sign3A_412 = arith.cmpi slt, %add3A_408, %sign3A_411 : i32
        %sign3A_413 = arith.extui %sign3A_412 : i1 to i32
        %sign3A_414 = arith.subi %sign3A_410, %sign3A_413 : i32
        %sign3A_415 = arith.constant 0 : i32
        %sign3A_416 = arith.cmpi sgt, %jit3A, %sign3A_415 : i32
        %sign3A_417 = arith.extui %sign3A_416 : i1 to i32
        %sign3A_418 = arith.constant 0 : i32
        %sign3A_419 = arith.cmpi slt, %jit3A, %sign3A_418 : i32
        %sign3A_420 = arith.extui %sign3A_419 : i1 to i32
        %sign3A_421 = arith.subi %sign3A_417, %sign3A_420 : i32
        %ne3A = arith.cmpi ne, %sign3A_414, %sign3A_421 : i32
        %rem3A = arith.remsi %add3A_408, %jit3A : i32
        %ne3A_422 = arith.constant 0 : i32
        %ne3A_423 = arith.cmpi ne, %rem3A, %ne3A_422 : i32
        %and3A = arith.andi %ne3A, %ne3A_423 : i1
        %sub3A = arith.constant 1 : i32
        %sub3A_424 = arith.subi %div3A, %sub3A : i32
        %select_n3A = arith.select %and3A, %sub3A_424, %div3A : i32
        %jit3A_425 = arith.constant 64 : i32
        %eq3A = arith.constant 0 : i32
        %eq3A_426 = arith.cmpi eq, %jit3A_425, %eq3A : i32
        %jit3A_427 = arith.constant 1 : i32
        %select_n3A_428 = arith.select %eq3A_426, %jit3A_427, %jit3A_425 : i32
        %rem3A_429 = arith.remsi %add3A_408, %select_n3A_428 : i32
        %ne3A_430 = arith.constant 0 : i32
        %ne3A_431 = arith.cmpi ne, %rem3A_429, %ne3A_430 : i32
        %lt3A_432 = arith.constant 0 : i32
        %lt3A_433 = arith.cmpi slt, %rem3A_429, %lt3A_432 : i32
        %lt3A_434 = arith.constant 0 : i32
        %lt3A_435 = arith.cmpi slt, %select_n3A_428, %lt3A_434 : i32
        %ne3A_436 = arith.xori %lt3A_433, %lt3A_435 : i1
        %and3A_437 = arith.andi %ne3A_436, %ne3A_431 : i1
        %add3A_438 = arith.addi %rem3A_429, %select_n3A_428 : i32
        %select_n3A_439 = arith.select %and3A_437, %add3A_438, %rem3A_429 : i32
        %mul3A_440 = arith.constant 16 : i32
        %mul3A_441 = arith.muli %select_n3A_439, %mul3A_440 : i32
        %get3A = arith.constant 3 : i32
        %get3A_442 = arith.index_cast %get3A : i32 to index
        %get3A_443 = arith.index_cast %select_n3A : i32 to index
        %get3A_444 = arith.index_cast %mul3A_441 : i32 to index
        %get3A_445 = tpu.vector_load %arg9[%get3A_442, %get3A_443, %get3A_444] {strides = array<i32>} : memref<4x8x1024xf32, #tpu.memory_space<vmem>>, vector<1x1x16xf32>,
        %get3A_446 = vector.shape_cast %get3A_445 : vector<1x1x16xf32> to vector<16xf32>
        %get3A_447 = arith.constant 3 : i32
        %get3A_448 = arith.index_cast %get3A_447 : i32 to index
        %get3A_449 = arith.index_cast %select_n3A : i32 to index
        %get3A_450 = arith.index_cast %mul3A_441 : i32 to index
        %get3A_451 = tpu.vector_load %arg10[%get3A_448, %get3A_449, %get3A_450] {strides = array<i32>} : memref<4x8x1024xf32, #tpu.memory_space<vmem>>, vector<1x1x16xf32>,
        %get3A_452 = vector.shape_cast %get3A_451 : vector<1x1x16xf32> to vector<16xf32>
        %add3A_453 = arith.addf %get3A_446, %get3A_452 : vector<16xf32>
        %swap3A = arith.constant 3 : i32
        %swap3A_454 = arith.index_cast %swap3A : i32 to index
        %swap3A_455 = arith.index_cast %select_n3A : i32 to index
        %swap3A_456 = arith.index_cast %mul3A_441 : i32 to index
        %swap3A_457 = tpu.vector_load %arg11[%swap3A_454, %swap3A_455, %swap3A_456] {strides = array<i32>} : memref<4x8x1024xf32, #tpu.memory_space<vmem>>, vector<1x1x16xf32>,
        %swap3A_458 = vector.shape_cast %swap3A_457 : vector<1x1x16xf32> to vector<16xf32>
        %swap3A_459 = vector.shape_cast %add3A_453 : vector<16xf32> to vector<1x1x16xf32>
        tpu.vector_store %arg11[%swap3A_454, %swap3A_455, %swap3A_456], %swap3A_459 {strides = array<i32>} : memref<4x8x1024xf32, #tpu.memory_space<vmem>>, vector<1x1x16xf32>,
        %scan3A_460 = arith.constant 1 : i32
        %scan3A_461 = arith.addi %scan3A_404, %scan3A_460 : i32
        %mul3A_462 = arith.constant 1 : i32
        %mul3A_463 = arith.muli %scan3A_461, %mul3A_462 : i32
        %add3A_464 = arith.constant 0 : i32
        %add3A_465 = arith.addi %add3A_464, %mul3A_463 : i32
        %jit3A_466 = arith.constant 64 : i32
        %div3A_467 = arith.divsi %add3A_465, %jit3A_466 : i32
        %sign3A_468 = arith.constant 0 : i32
        %sign3A_469 = arith.cmpi sgt, %add3A_465, %sign3A_468 : i32
        %sign3A_470 = arith.extui %sign3A_469 : i1 to i32
        %sign3A_471 = arith.constant 0 : i32
        %sign3A_472 = arith.cmpi slt, %add3A_465, %sign3A_471 : i32
        %sign3A_473 = arith.extui %sign3A_472 : i1 to i32
        %sign3A_474 = arith.subi %sign3A_470, %sign3A_473 : i32
        %sign3A_475 = arith.constant 0 : i32
        %sign3A_476 = arith.cmpi sgt, %jit3A_466, %sign3A_475 : i32
        %sign3A_477 = arith.extui %sign3A_476 : i1 to i32
        %sign3A_478 = arith.constant 0 : i32
        %sign3A_479 = arith.cmpi slt, %jit3A_466, %sign3A_478 : i32
        %sign3A_480 = arith.extui %sign3A_479 : i1 to i32
        %sign3A_481 = arith.subi %sign3A_477, %sign3A_480 : i32
        %ne3A_482 = arith.cmpi ne, %sign3A_474, %sign3A_481 : i32
        %rem3A_483 = arith.remsi %add3A_465, %jit3A_466 : i32
        %ne3A_484 = arith.constant 0 : i32
        %ne3A_485 = arith.cmpi ne, %rem3A_483, %ne3A_484 : i32
        %and3A_486 = arith.andi %ne3A_482, %ne3A_485 : i1
        %sub3A_487 = arith.constant 1 : i32
        %sub3A_488 = arith.subi %div3A_467, %sub3A_487 : i32
        %select_n3A_489 = arith.select %and3A_486, %sub3A_488, %div3A_467 : i32
        %jit3A_490 = arith.constant 64 : i32
        %eq3A_491 = arith.constant 0 : i32
        %eq3A_492 = arith.cmpi eq, %jit3A_490, %eq3A_491 : i32
        %jit3A_493 = arith.constant 1 : i32
        %select_n3A_494 = arith.select %eq3A_492, %jit3A_493, %jit3A_490 : i32
        %rem3A_495 = arith.remsi %add3A_465, %select_n3A_494 : i32
        %ne3A_496 = arith.constant 0 : i32
        %ne3A_497 = arith.cmpi ne, %rem3A_495, %ne3A_496 : i32
        %lt3A_498 = arith.constant 0 : i32
        %lt3A_499 = arith.cmpi slt, %rem3A_495, %lt3A_498 : i32
        %lt3A_500 = arith.constant 0 : i32
        %lt3A_501 = arith.cmpi slt, %select_n3A_494, %lt3A_500 : i32
        %ne3A_502 = arith.xori %lt3A_499, %lt3A_501 : i1
        %and3A_503 = arith.andi %ne3A_502, %ne3A_497 : i1
        %add3A_504 = arith.addi %rem3A_495, %select_n3A_494 : i32
        %select_n3A_505 = arith.select %and3A_503, %add3A_504, %rem3A_495 : i32
        %mul3A_506 = arith.constant 16 : i32
        %mul3A_507 = arith.muli %select_n3A_505, %mul3A_506 : i32
        %get3A_508 = arith.constant 3 : i32
        %get3A_509 = arith.index_cast %get3A_508 : i32 to index
        %get3A_510 = arith.index_cast %select_n3A_489 : i32 to index
        %get3A_511 = arith.index_cast %mul3A_507 : i32 to index
        %get3A_512 = tpu.vector_load %arg9[%get3A_509, %get3A_510, %get3A_511] {strides = array<i32>} : memref<4x8x1024xf32, #tpu.memory_space<vmem>>, vector<1x1x16xf32>,
        %get3A_513 = vector.shape_cast %get3A_512 : vector<1x1x16xf32> to vector<16xf32>
        %get3A_514 = arith.constant 3 : i32
        %get3A_515 = arith.index_cast %get3A_514 : i32 to index
        %get3A_516 = arith.index_cast %select_n3A_489 : i32 to index
        %get3A_517 = arith.index_cast %mul3A_507 : i32 to index
        %get3A_518 = tpu.vector_load %arg10[%get3A_515, %get3A_516, %get3A_517] {strides = array<i32>} : memref<4x8x1024xf32, #tpu.memory_space<vmem>>, vector<1x1x16xf32>,
        %get3A_519 = vector.shape_cast %get3A_518 : vector<1x1x16xf32> to vector<16xf32>
        %add3A_520 = arith.addf %get3A_513, %get3A_519 : vector<16xf32>
        %swap3A_521 = arith.constant 3 : i32
        %swap3A_522 = arith.index_cast %swap3A_521 : i32 to index
        %swap3A_523 = arith.index_cast %select_n3A_489 : i32 to index
        %swap3A_524 = arith.index_cast %mul3A_507 : i32 to index
        %swap3A_525 = tpu.vector_load %arg11[%swap3A_522, %swap3A_523, %swap3A_524] {strides = array<i32>} : memref<4x8x1024xf32, #tpu.memory_space<vmem>>, vector<1x1x16xf32>,
        %swap3A_526 = vector.shape_cast %swap3A_525 : vector<1x1x16xf32> to vector<16xf32>
        %swap3A_527 = vector.shape_cast %add3A_520 : vector<16xf32> to vector<1x1x16xf32>
        tpu.vector_store %arg11[%swap3A_522, %swap3A_523, %swap3A_524], %swap3A_527 {strides = array<i32>} : memref<4x8x1024xf32, #tpu.memory_space<vmem>>, vector<1x1x16xf32>,
        %scan3A_528 = arith.constant 2 : i32
        %scan3A_529 = arith.addi %scan3A_404, %scan3A_528 : i32
        %mul3A_530 = arith.constant 1 : i32
        %mul3A_531 = arith.muli %scan3A_529, %mul3A_530 : i32
        %add3A_532 = arith.constant 0 : i32
        %add3A_533 = arith.addi %add3A_532, %mul3A_531 : i32
        %jit3A_534 = arith.constant 64 : i32
        %div3A_535 = arith.divsi %add3A_533, %jit3A_534 : i32
        %sign3A_536 = arith.constant 0 : i32
        %sign3A_537 = arith.cmpi sgt, %add3A_533, %sign3A_536 : i32
        %sign3A_538 = arith.extui %sign3A_537 : i1 to i32
        %sign3A_539 = arith.constant 0 : i32
        %sign3A_540 = arith.cmpi slt, %add3A_533, %sign3A_539 : i32
        %sign3A_541 = arith.extui %sign3A_540 : i1 to i32
        %sign3A_542 = arith.subi %sign3A_538, %sign3A_541 : i32
        %sign3A_543 = arith.constant 0 : i32
        %sign3A_544 = arith.cmpi sgt, %jit3A_534, %sign3A_543 : i32
        %sign3A_545 = arith.extui %sign3A_544 : i1 to i32
        %sign3A_546 = arith.constant 0 : i32
        %sign3A_547 = arith.cmpi slt, %jit3A_534, %sign3A_546 : i32
        %sign3A_548 = arith.extui %sign3A_547 : i1 to i32
        %sign3A_549 = arith.subi %sign3A_545, %sign3A_548 : i32
        %ne3A_550 = arith.cmpi ne, %sign3A_542, %sign3A_549 : i32
        %rem3A_551 = arith.remsi %add3A_533, %jit3A_534 : i32
        %ne3A_552 = arith.constant 0 : i32
        %ne3A_553 = arith.cmpi ne, %rem3A_551, %ne3A_552 : i32
        %and3A_554 = arith.andi %ne3A_550, %ne3A_553 : i1
        %sub3A_555 = arith.constant 1 : i32
        %sub3A_556 = arith.subi %div3A_535, %sub3A_555 : i32
        %select_n3A_557 = arith.select %and3A_554, %sub3A_556, %div3A_535 : i32
        %jit3A_558 = arith.constant 64 : i32
        %eq3A_559 = arith.constant 0 : i32
        %eq3A_560 = arith.cmpi eq, %jit3A_558, %eq3A_559 : i32
        %jit3A_561 = arith.constant 1 : i32
        %select_n3A_562 = arith.select %eq3A_560, %jit3A_561, %jit3A_558 : i32
        %rem3A_563 = arith.remsi %add3A_533, %select_n3A_562 : i32
        %ne3A_564 = arith.constant 0 : i32
        %ne3A_565 = arith.cmpi ne, %rem3A_563, %ne3A_564 : i32
        %lt3A_566 = arith.constant 0 : i32
        %lt3A_567 = arith.cmpi slt, %rem3A_563, %lt3A_566 : i32
        %lt3A_568 = arith.constant 0 : i32
        %lt3A_569 = arith.cmpi slt, %select_n3A_562, %lt3A_568 : i32
        %ne3A_570 = arith.xori %lt3A_567, %lt3A_569 : i1
        %and3A_571 = arith.andi %ne3A_570, %ne3A_565 : i1
        %add3A_572 = arith.addi %rem3A_563, %select_n3A_562 : i32
        %select_n3A_573 = arith.select %and3A_571, %add3A_572, %rem3A_563 : i32
        %mul3A_574 = arith.constant 16 : i32
        %mul3A_575 = arith.muli %select_n3A_573, %mul3A_574 : i32
        %get3A_576 = arith.constant 3 : i32
        %get3A_577 = arith.index_cast %get3A_576 : i32 to index
        %get3A_578 = arith.index_cast %select_n3A_557 : i32 to index
        %get3A_579 = arith.index_cast %mul3A_575 : i32 to index
        %get3A_580 = tpu.vector_load %arg9[%get3A_577, %get3A_578, %get3A_579] {strides = array<i32>} : memref<4x8x1024xf32, #tpu.memory_space<vmem>>, vector<1x1x16xf32>,
        %get3A_581 = vector.shape_cast %get3A_580 : vector<1x1x16xf32> to vector<16xf32>
        %get3A_582 = arith.constant 3 : i32
        %get3A_583 = arith.index_cast %get3A_582 : i32 to index
        %get3A_584 = arith.index_cast %select_n3A_557 : i32 to index
        %get3A_585 = arith.index_cast %mul3A_575 : i32 to index
        %get3A_586 = tpu.vector_load %arg10[%get3A_583, %get3A_584, %get3A_585] {strides = array<i32>} : memref<4x8x1024xf32, #tpu.memory_space<vmem>>, vector<1x1x16xf32>,
        %get3A_587 = vector.shape_cast %get3A_586 : vector<1x1x16xf32> to vector<16xf32>
        %add3A_588 = arith.addf %get3A_581, %get3A_587 : vector<16xf32>
        %swap3A_589 = arith.constant 3 : i32
        %swap3A_590 = arith.index_cast %swap3A_589 : i32 to index
        %swap3A_591 = arith.index_cast %select_n3A_557 : i32 to index
        %swap3A_592 = arith.index_cast %mul3A_575 : i32 to index
        %swap3A_593 = tpu.vector_load %arg11[%swap3A_590, %swap3A_591, %swap3A_592] {strides = array<i32>} : memref<4x8x1024xf32, #tpu.memory_space<vmem>>, vector<1x1x16xf32>,
        %swap3A_594 = vector.shape_cast %swap3A_593 : vector<1x1x16xf32> to vector<16xf32>
        %swap3A_595 = vector.shape_cast %add3A_588 : vector<16xf32> to vector<1x1x16xf32>
        tpu.vector_store %arg11[%swap3A_590, %swap3A_591, %swap3A_592], %swap3A_595 {strides = array<i32>} : memref<4x8x1024xf32, #tpu.memory_space<vmem>>, vector<1x1x16xf32>,
        %scan3A_596 = arith.constant 3 : i32
        %scan3A_597 = arith.addi %scan3A_404, %scan3A_596 : i32
        %mul3A_598 = arith.constant 1 : i32
        %mul3A_599 = arith.muli %scan3A_597, %mul3A_598 : i32
        %add3A_600 = arith.constant 0 : i32
        %add3A_601 = arith.addi %add3A_600, %mul3A_599 : i32
        %jit3A_602 = arith.constant 64 : i32
        %div3A_603 = arith.divsi %add3A_601, %jit3A_602 : i32
        %sign3A_604 = arith.constant 0 : i32
        %sign3A_605 = arith.cmpi sgt, %add3A_601, %sign3A_604 : i32
        %sign3A_606 = arith.extui %sign3A_605 : i1 to i32
        %sign3A_607 = arith.constant 0 : i32
        %sign3A_608 = arith.cmpi slt, %add3A_601, %sign3A_607 : i32
        %sign3A_609 = arith.extui %sign3A_608 : i1 to i32
        %sign3A_610 = arith.subi %sign3A_606, %sign3A_609 : i32
        %sign3A_611 = arith.constant 0 : i32
        %sign3A_612 = arith.cmpi sgt, %jit3A_602, %sign3A_611 : i32
        %sign3A_613 = arith.extui %sign3A_612 : i1 to i32
        %sign3A_614 = arith.constant 0 : i32
        %sign3A_615 = arith.cmpi slt, %jit3A_602, %sign3A_614 : i32
        %sign3A_616 = arith.extui %sign3A_615 : i1 to i32
        %sign3A_617 = arith.subi %sign3A_613, %sign3A_616 : i32
        %ne3A_618 = arith.cmpi ne, %sign3A_610, %sign3A_617 : i32
        %rem3A_619 = arith.remsi %add3A_601, %jit3A_602 : i32
        %ne3A_620 = arith.constant 0 : i32
        %ne3A_621 = arith.cmpi ne, %rem3A_619, %ne3A_620 : i32
        %and3A_622 = arith.andi %ne3A_618, %ne3A_621 : i1
        %sub3A_623 = arith.constant 1 : i32
        %sub3A_624 = arith.subi %div3A_603, %sub3A_623 : i32
        %select_n3A_625 = arith.select %and3A_622, %sub3A_624, %div3A_603 : i32
        %jit3A_626 = arith.constant 64 : i32
        %eq3A_627 = arith.constant 0 : i32
        %eq3A_628 = arith.cmpi eq, %jit3A_626, %eq3A_627 : i32
        %jit3A_629 = arith.constant 1 : i32
        %select_n3A_630 = arith.select %eq3A_628, %jit3A_629, %jit3A_626 : i32
        %rem3A_631 = arith.remsi %add3A_601, %select_n3A_630 : i32
        %ne3A_632 = arith.constant 0 : i32
        %ne3A_633 = arith.cmpi ne, %rem3A_631, %ne3A_632 : i32
        %lt3A_634 = arith.constant 0 : i32
        %lt3A_635 = arith.cmpi slt, %rem3A_631, %lt3A_634 : i32
        %lt3A_636 = arith.constant 0 : i32
        %lt3A_637 = arith.cmpi slt, %select_n3A_630, %lt3A_636 : i32
        %ne3A_638 = arith.xori %lt3A_635, %lt3A_637 : i1
        %and3A_639 = arith.andi %ne3A_638, %ne3A_633 : i1
        %add3A_640 = arith.addi %rem3A_631, %select_n3A_630 : i32
        %select_n3A_641 = arith.select %and3A_639, %add3A_640, %rem3A_631 : i32
        %mul3A_642 = arith.constant 16 : i32
        %mul3A_643 = arith.muli %select_n3A_641, %mul3A_642 : i32
        %get3A_644 = arith.constant 3 : i32
        %get3A_645 = arith.index_cast %get3A_644 : i32 to index
        %get3A_646 = arith.index_cast %select_n3A_625 : i32 to index
        %get3A_647 = arith.index_cast %mul3A_643 : i32 to index
        %get3A_648 = tpu.vector_load %arg9[%get3A_645, %get3A_646, %get3A_647] {strides = array<i32>} : memref<4x8x1024xf32, #tpu.memory_space<vmem>>, vector<1x1x16xf32>,
        %get3A_649 = vector.shape_cast %get3A_648 : vector<1x1x16xf32> to vector<16xf32>
        %get3A_650 = arith.constant 3 : i32
        %get3A_651 = arith.index_cast %get3A_650 : i32 to index
        %get3A_652 = arith.index_cast %select_n3A_625 : i32 to index
        %get3A_653 = arith.index_cast %mul3A_643 : i32 to index
        %get3A_654 = tpu.vector_load %arg10[%get3A_651, %get3A_652, %get3A_653] {strides = array<i32>} : memref<4x8x1024xf32, #tpu.memory_space<vmem>>, vector<1x1x16xf32>,
        %get3A_655 = vector.shape_cast %get3A_654 : vector<1x1x16xf32> to vector<16xf32>
        %add3A_656 = arith.addf %get3A_649, %get3A_655 : vector<16xf32>
        %swap3A_657 = arith.constant 3 : i32
        %swap3A_658 = arith.index_cast %swap3A_657 : i32 to index
        %swap3A_659 = arith.index_cast %select_n3A_625 : i32 to index
        %swap3A_660 = arith.index_cast %mul3A_643 : i32 to index
        %swap3A_661 = tpu.vector_load %arg11[%swap3A_658, %swap3A_659, %swap3A_660] {strides = array<i32>} : memref<4x8x1024xf32, #tpu.memory_space<vmem>>, vector<1x1x16xf32>,
        %swap3A_662 = vector.shape_cast %swap3A_661 : vector<1x1x16xf32> to vector<16xf32>
        %swap3A_663 = vector.shape_cast %add3A_656 : vector<16xf32> to vector<1x1x16xf32>
        tpu.vector_store %arg11[%swap3A_658, %swap3A_659, %swap3A_660], %swap3A_663 {strides = array<i32>} : memref<4x8x1024xf32, #tpu.memory_space<vmem>>, vector<1x1x16xf32>,
        %scan3A_664 = arith.constant 4 : i32
        %scan3A_665 = arith.addi %scan3A_404, %scan3A_664 : i32
        %mul3A_666 = arith.constant 1 : i32
        %mul3A_667 = arith.muli %scan3A_665, %mul3A_666 : i32
        %add3A_668 = arith.constant 0 : i32
        %add3A_669 = arith.addi %add3A_668, %mul3A_667 : i32
        %jit3A_670 = arith.constant 64 : i32
        %div3A_671 = arith.divsi %add3A_669, %jit3A_670 : i32
        %sign3A_672 = arith.constant 0 : i32
        %sign3A_673 = arith.cmpi sgt, %add3A_669, %sign3A_672 : i32
        %sign3A_674 = arith.extui %sign3A_673 : i1 to i32
        %sign3A_675 = arith.constant 0 : i32
        %sign3A_676 = arith.cmpi slt, %add3A_669, %sign3A_675 : i32
        %sign3A_677 = arith.extui %sign3A_676 : i1 to i32
        %sign3A_678 = arith.subi %sign3A_674, %sign3A_677 : i32
        %sign3A_679 = arith.constant 0 : i32
        %sign3A_680 = arith.cmpi sgt, %jit3A_670, %sign3A_679 : i32
        %sign3A_681 = arith.extui %sign3A_680 : i1 to i32
        %sign3A_682 = arith.constant 0 : i32
        %sign3A_683 = arith.cmpi slt, %jit3A_670, %sign3A_682 : i32
        %sign3A_684 = arith.extui %sign3A_683 : i1 to i32
        %sign3A_685 = arith.subi %sign3A_681, %sign3A_684 : i32
        %ne3A_686 = arith.cmpi ne, %sign3A_678, %sign3A_685 : i32
        %rem3A_687 = arith.remsi %add3A_669, %jit3A_670 : i32
        %ne3A_688 = arith.constant 0 : i32
        %ne3A_689 = arith.cmpi ne, %rem3A_687, %ne3A_688 : i32
        %and3A_690 = arith.andi %ne3A_686, %ne3A_689 : i1
        %sub3A_691 = arith.constant 1 : i32
        %sub3A_692 = arith.subi %div3A_671, %sub3A_691 : i32
        %select_n3A_693 = arith.select %and3A_690, %sub3A_692, %div3A_671 : i32
        %jit3A_694 = arith.constant 64 : i32
        %eq3A_695 = arith.constant 0 : i32
        %eq3A_696 = arith.cmpi eq, %jit3A_694, %eq3A_695 : i32
        %jit3A_697 = arith.constant 1 : i32
        %select_n3A_698 = arith.select %eq3A_696, %jit3A_697, %jit3A_694 : i32
        %rem3A_699 = arith.remsi %add3A_669, %select_n3A_698 : i32
        %ne3A_700 = arith.constant 0 : i32
        %ne3A_701 = arith.cmpi ne, %rem3A_699, %ne3A_700 : i32
        %lt3A_702 = arith.constant 0 : i32
        %lt3A_703 = arith.cmpi slt, %rem3A_699, %lt3A_702 : i32
        %lt3A_704 = arith.constant 0 : i32
        %lt3A_705 = arith.cmpi slt, %select_n3A_698, %lt3A_704 : i32
        %ne3A_706 = arith.xori %lt3A_703, %lt3A_705 : i1
        %and3A_707 = arith.andi %ne3A_706, %ne3A_701 : i1
        %add3A_708 = arith.addi %rem3A_699, %select_n3A_698 : i32
        %select_n3A_709 = arith.select %and3A_707, %add3A_708, %rem3A_699 : i32
        %mul3A_710 = arith.constant 16 : i32
        %mul3A_711 = arith.muli %select_n3A_709, %mul3A_710 : i32
        %get3A_712 = arith.constant 3 : i32
        %get3A_713 = arith.index_cast %get3A_712 : i32 to index
        %get3A_714 = arith.index_cast %select_n3A_693 : i32 to index
        %get3A_715 = arith.index_cast %mul3A_711 : i32 to index
        %get3A_716 = tpu.vector_load %arg9[%get3A_713, %get3A_714, %get3A_715] {strides = array<i32>} : memref<4x8x1024xf32, #tpu.memory_space<vmem>>, vector<1x1x16xf32>,
        %get3A_717 = vector.shape_cast %get3A_716 : vector<1x1x16xf32> to vector<16xf32>
        %get3A_718 = arith.constant 3 : i32
        %get3A_719 = arith.index_cast %get3A_718 : i32 to index
        %get3A_720 = arith.index_cast %select_n3A_693 : i32 to index
        %get3A_721 = arith.index_cast %mul3A_711 : i32 to index
        %get3A_722 = tpu.vector_load %arg10[%get3A_719, %get3A_720, %get3A_721] {strides = array<i32>} : memref<4x8x1024xf32, #tpu.memory_space<vmem>>, vector<1x1x16xf32>,
        %get3A_723 = vector.shape_cast %get3A_722 : vector<1x1x16xf32> to vector<16xf32>
        %add3A_724 = arith.addf %get3A_717, %get3A_723 : vector<16xf32>
        %swap3A_725 = arith.constant 3 : i32
        %swap3A_726 = arith.index_cast %swap3A_725 : i32 to index
        %swap3A_727 = arith.index_cast %select_n3A_693 : i32 to index
        %swap3A_728 = arith.index_cast %mul3A_711 : i32 to index
        %swap3A_729 = tpu.vector_load %arg11[%swap3A_726, %swap3A_727, %swap3A_728] {strides = array<i32>} : memref<4x8x1024xf32, #tpu.memory_space<vmem>>, vector<1x1x16xf32>,
        %swap3A_730 = vector.shape_cast %swap3A_729 : vector<1x1x16xf32> to vector<16xf32>
        %swap3A_731 = vector.shape_cast %add3A_724 : vector<16xf32> to vector<1x1x16xf32>
        tpu.vector_store %arg11[%swap3A_726, %swap3A_727, %swap3A_728], %swap3A_731 {strides = array<i32>} : memref<4x8x1024xf32, #tpu.memory_space<vmem>>, vector<1x1x16xf32>,
        %scan3A_732 = arith.constant 5 : i32
        %scan3A_733 = arith.addi %scan3A_404, %scan3A_732 : i32
        %mul3A_734 = arith.constant 1 : i32
        %mul3A_735 = arith.muli %scan3A_733, %mul3A_734 : i32
        %add3A_736 = arith.constant 0 : i32
        %add3A_737 = arith.addi %add3A_736, %mul3A_735 : i32
        %jit3A_738 = arith.constant 64 : i32
        %div3A_739 = arith.divsi %add3A_737, %jit3A_738 : i32
        %sign3A_740 = arith.constant 0 : i32
        %sign3A_741 = arith.cmpi sgt, %add3A_737, %sign3A_740 : i32
        %sign3A_742 = arith.extui %sign3A_741 : i1 to i32
        %sign3A_743 = arith.constant 0 : i32
        %sign3A_744 = arith.cmpi slt, %add3A_737, %sign3A_743 : i32
        %sign3A_745 = arith.extui %sign3A_744 : i1 to i32
        %sign3A_746 = arith.subi %sign3A_742, %sign3A_745 : i32
        %sign3A_747 = arith.constant 0 : i32
        %sign3A_748 = arith.cmpi sgt, %jit3A_738, %sign3A_747 : i32
        %sign3A_749 = arith.extui %sign3A_748 : i1 to i32
        %sign3A_750 = arith.constant 0 : i32
        %sign3A_751 = arith.cmpi slt, %jit3A_738, %sign3A_750 : i32
        %sign3A_752 = arith.extui %sign3A_751 : i1 to i32
        %sign3A_753 = arith.subi %sign3A_749, %sign3A_752 : i32
        %ne3A_754 = arith.cmpi ne, %sign3A_746, %sign3A_753 : i32
        %rem3A_755 = arith.remsi %add3A_737, %jit3A_738 : i32
        %ne3A_756 = arith.constant 0 : i32
        %ne3A_757 = arith.cmpi ne, %rem3A_755, %ne3A_756 : i32
        %and3A_758 = arith.andi %ne3A_754, %ne3A_757 : i1
        %sub3A_759 = arith.constant 1 : i32
        %sub3A_760 = arith.subi %div3A_739, %sub3A_759 : i32
        %select_n3A_761 = arith.select %and3A_758, %sub3A_760, %div3A_739 : i32
        %jit3A_762 = arith.constant 64 : i32
        %eq3A_763 = arith.constant 0 : i32
        %eq3A_764 = arith.cmpi eq, %jit3A_762, %eq3A_763 : i32
        %jit3A_765 = arith.constant 1 : i32
        %select_n3A_766 = arith.select %eq3A_764, %jit3A_765, %jit3A_762 : i32
        %rem3A_767 = arith.remsi %add3A_737, %select_n3A_766 : i32
        %ne3A_768 = arith.constant 0 : i32
        %ne3A_769 = arith.cmpi ne, %rem3A_767, %ne3A_768 : i32
        %lt3A_770 = arith.constant 0 : i32
        %lt3A_771 = arith.cmpi slt, %rem3A_767, %lt3A_770 : i32
        %lt3A_772 = arith.constant 0 : i32
        %lt3A_773 = arith.cmpi slt, %select_n3A_766, %lt3A_772 : i32
        %ne3A_774 = arith.xori %lt3A_771, %lt3A_773 : i1
        %and3A_775 = arith.andi %ne3A_774, %ne3A_769 : i1
        %add3A_776 = arith.addi %rem3A_767, %select_n3A_766 : i32
        %select_n3A_777 = arith.select %and3A_775, %add3A_776, %rem3A_767 : i32
        %mul3A_778 = arith.constant 16 : i32
        %mul3A_779 = arith.muli %select_n3A_777, %mul3A_778 : i32
        %get3A_780 = arith.constant 3 : i32
        %get3A_781 = arith.index_cast %get3A_780 : i32 to index
        %get3A_782 = arith.index_cast %select_n3A_761 : i32 to index
        %get3A_783 = arith.index_cast %mul3A_779 : i32 to index
        %get3A_784 = tpu.vector_load %arg9[%get3A_781, %get3A_782, %get3A_783] {strides = array<i32>} : memref<4x8x1024xf32, #tpu.memory_space<vmem>>, vector<1x1x16xf32>,
        %get3A_785 = vector.shape_cast %get3A_784 : vector<1x1x16xf32> to vector<16xf32>
        %get3A_786 = arith.constant 3 : i32
        %get3A_787 = arith.index_cast %get3A_786 : i32 to index
        %get3A_788 = arith.index_cast %select_n3A_761 : i32 to index
        %get3A_789 = arith.index_cast %mul3A_779 : i32 to index
        %get3A_790 = tpu.vector_load %arg10[%get3A_787, %get3A_788, %get3A_789] {strides = array<i32>} : memref<4x8x1024xf32, #tpu.memory_space<vmem>>, vector<1x1x16xf32>,
        %get3A_791 = vector.shape_cast %get3A_790 : vector<1x1x16xf32> to vector<16xf32>
        %add3A_792 = arith.addf %get3A_785, %get3A_791 : vector<16xf32>
        %swap3A_793 = arith.constant 3 : i32
        %swap3A_794 = arith.index_cast %swap3A_793 : i32 to index
        %swap3A_795 = arith.index_cast %select_n3A_761 : i32 to index
        %swap3A_796 = arith.index_cast %mul3A_779 : i32 to index
        %swap3A_797 = tpu.vector_load %arg11[%swap3A_794, %swap3A_795, %swap3A_796] {strides = array<i32>} : memref<4x8x1024xf32, #tpu.memory_space<vmem>>, vector<1x1x16xf32>,
        %swap3A_798 = vector.shape_cast %swap3A_797 : vector<1x1x16xf32> to vector<16xf32>
        %swap3A_799 = vector.shape_cast %add3A_792 : vector<16xf32> to vector<1x1x16xf32>
        tpu.vector_store %arg11[%swap3A_794, %swap3A_795, %swap3A_796], %swap3A_799 {strides = array<i32>} : memref<4x8x1024xf32, #tpu.memory_space<vmem>>, vector<1x1x16xf32>,
        %scan3A_800 = arith.constant 6 : i32
        %scan3A_801 = arith.addi %scan3A_404, %scan3A_800 : i32
        %mul3A_802 = arith.constant 1 : i32
        %mul3A_803 = arith.muli %scan3A_801, %mul3A_802 : i32
        %add3A_804 = arith.constant 0 : i32
        %add3A_805 = arith.addi %add3A_804, %mul3A_803 : i32
        %jit3A_806 = arith.constant 64 : i32
        %div3A_807 = arith.divsi %add3A_805, %jit3A_806 : i32
        %sign3A_808 = arith.constant 0 : i32
        %sign3A_809 = arith.cmpi sgt, %add3A_805, %sign3A_808 : i32
        %sign3A_810 = arith.extui %sign3A_809 : i1 to i32
        %sign3A_811 = arith.constant 0 : i32
        %sign3A_812 = arith.cmpi slt, %add3A_805, %sign3A_811 : i32
        %sign3A_813 = arith.extui %sign3A_812 : i1 to i32
        %sign3A_814 = arith.subi %sign3A_810, %sign3A_813 : i32
        %sign3A_815 = arith.constant 0 : i32
        %sign3A_816 = arith.cmpi sgt, %jit3A_806, %sign3A_815 : i32
        %sign3A_817 = arith.extui %sign3A_816 : i1 to i32
        %sign3A_818 = arith.constant 0 : i32
        %sign3A_819 = arith.cmpi slt, %jit3A_806, %sign3A_818 : i32
        %sign3A_820 = arith.extui %sign3A_819 : i1 to i32
        %sign3A_821 = arith.subi %sign3A_817, %sign3A_820 : i32
        %ne3A_822 = arith.cmpi ne, %sign3A_814, %sign3A_821 : i32
        %rem3A_823 = arith.remsi %add3A_805, %jit3A_806 : i32
        %ne3A_824 = arith.constant 0 : i32
        %ne3A_825 = arith.cmpi ne, %rem3A_823, %ne3A_824 : i32
        %and3A_826 = arith.andi %ne3A_822, %ne3A_825 : i1
        %sub3A_827 = arith.constant 1 : i32
        %sub3A_828 = arith.subi %div3A_807, %sub3A_827 : i32
        %select_n3A_829 = arith.select %and3A_826, %sub3A_828, %div3A_807 : i32
        %jit3A_830 = arith.constant 64 : i32
        %eq3A_831 = arith.constant 0 : i32
        %eq3A_832 = arith.cmpi eq, %jit3A_830, %eq3A_831 : i32
        %jit3A_833 = arith.constant 1 : i32
        %select_n3A_834 = arith.select %eq3A_832, %jit3A_833, %jit3A_830 : i32
        %rem3A_835 = arith.remsi %add3A_805, %select_n3A_834 : i32
        %ne3A_836 = arith.constant 0 : i32
        %ne3A_837 = arith.cmpi ne, %rem3A_835, %ne3A_836 : i32
        %lt3A_838 = arith.constant 0 : i32
        %lt3A_839 = arith.cmpi slt, %rem3A_835, %lt3A_838 : i32
        %lt3A_840 = arith.constant 0 : i32
        %lt3A_841 = arith.cmpi slt, %select_n3A_834, %lt3A_840 : i32
        %ne3A_842 = arith.xori %lt3A_839, %lt3A_841 : i1
        %and3A_843 = arith.andi %ne3A_842, %ne3A_837 : i1
        %add3A_844 = arith.addi %rem3A_835, %select_n3A_834 : i32
        %select_n3A_845 = arith.select %and3A_843, %add3A_844, %rem3A_835 : i32
        %mul3A_846 = arith.constant 16 : i32
        %mul3A_847 = arith.muli %select_n3A_845, %mul3A_846 : i32
        %get3A_848 = arith.constant 3 : i32
        %get3A_849 = arith.index_cast %get3A_848 : i32 to index
        %get3A_850 = arith.index_cast %select_n3A_829 : i32 to index
        %get3A_851 = arith.index_cast %mul3A_847 : i32 to index
        %get3A_852 = tpu.vector_load %arg9[%get3A_849, %get3A_850, %get3A_851] {strides = array<i32>} : memref<4x8x1024xf32, #tpu.memory_space<vmem>>, vector<1x1x16xf32>,
        %get3A_853 = vector.shape_cast %get3A_852 : vector<1x1x16xf32> to vector<16xf32>
        %get3A_854 = arith.constant 3 : i32
        %get3A_855 = arith.index_cast %get3A_854 : i32 to index
        %get3A_856 = arith.index_cast %select_n3A_829 : i32 to index
        %get3A_857 = arith.index_cast %mul3A_847 : i32 to index
        %get3A_858 = tpu.vector_load %arg10[%get3A_855, %get3A_856, %get3A_857] {strides = array<i32>} : memref<4x8x1024xf32, #tpu.memory_space<vmem>>, vector<1x1x16xf32>,
        %get3A_859 = vector.shape_cast %get3A_858 : vector<1x1x16xf32> to vector<16xf32>
        %add3A_860 = arith.addf %get3A_853, %get3A_859 : vector<16xf32>
        %swap3A_861 = arith.constant 3 : i32
        %swap3A_862 = arith.index_cast %swap3A_861 : i32 to index
        %swap3A_863 = arith.index_cast %select_n3A_829 : i32 to index
        %swap3A_864 = arith.index_cast %mul3A_847 : i32 to index
        %swap3A_865 = tpu.vector_load %arg11[%swap3A_862, %swap3A_863, %swap3A_864] {strides = array<i32>} : memref<4x8x1024xf32, #tpu.memory_space<vmem>>, vector<1x1x16xf32>,
        %swap3A_866 = vector.shape_cast %swap3A_865 : vector<1x1x16xf32> to vector<16xf32>
        %swap3A_867 = vector.shape_cast %add3A_860 : vector<16xf32> to vector<1x1x16xf32>
        tpu.vector_store %arg11[%swap3A_862, %swap3A_863, %swap3A_864], %swap3A_867 {strides = array<i32>} : memref<4x8x1024xf32, #tpu.memory_space<vmem>>, vector<1x1x16xf32>,
        %scan3A_868 = arith.constant 7 : i32
        %scan3A_869 = arith.addi %scan3A_404, %scan3A_868 : i32
        %mul3A_870 = arith.constant 1 : i32
        %mul3A_871 = arith.muli %scan3A_869, %mul3A_870 : i32
        %add3A_872 = arith.constant 0 : i32
        %add3A_873 = arith.addi %add3A_872, %mul3A_871 : i32
        %jit3A_874 = arith.constant 64 : i32
        %div3A_875 = arith.divsi %add3A_873, %jit3A_874 : i32
        %sign3A_876 = arith.constant 0 : i32
        %sign3A_877 = arith.cmpi sgt, %add3A_873, %sign3A_876 : i32
        %sign3A_878 = arith.extui %sign3A_877 : i1 to i32
        %sign3A_879 = arith.constant 0 : i32
        %sign3A_880 = arith.cmpi slt, %add3A_873, %sign3A_879 : i32
        %sign3A_881 = arith.extui %sign3A_880 : i1 to i32
        %sign3A_882 = arith.subi %sign3A_878, %sign3A_881 : i32
        %sign3A_883 = arith.constant 0 : i32
        %sign3A_884 = arith.cmpi sgt, %jit3A_874, %sign3A_883 : i32
        %sign3A_885 = arith.extui %sign3A_884 : i1 to i32
        %sign3A_886 = arith.constant 0 : i32
        %sign3A_887 = arith.cmpi slt, %jit3A_874, %sign3A_886 : i32
        %sign3A_888 = arith.extui %sign3A_887 : i1 to i32
        %sign3A_889 = arith.subi %sign3A_885, %sign3A_888 : i32
        %ne3A_890 = arith.cmpi ne, %sign3A_882, %sign3A_889 : i32
        %rem3A_891 = arith.remsi %add3A_873, %jit3A_874 : i32
        %ne3A_892 = arith.constant 0 : i32
        %ne3A_893 = arith.cmpi ne, %rem3A_891, %ne3A_892 : i32
        %and3A_894 = arith.andi %ne3A_890, %ne3A_893 : i1
        %sub3A_895 = arith.constant 1 : i32
        %sub3A_896 = arith.subi %div3A_875, %sub3A_895 : i32
        %select_n3A_897 = arith.select %and3A_894, %sub3A_896, %div3A_875 : i32
        %jit3A_898 = arith.constant 64 : i32
        %eq3A_899 = arith.constant 0 : i32
        %eq3A_900 = arith.cmpi eq, %jit3A_898, %eq3A_899 : i32
        %jit3A_901 = arith.constant 1 : i32
        %select_n3A_902 = arith.select %eq3A_900, %jit3A_901, %jit3A_898 : i32
        %rem3A_903 = arith.remsi %add3A_873, %select_n3A_902 : i32
        %ne3A_904 = arith.constant 0 : i32
        %ne3A_905 = arith.cmpi ne, %rem3A_903, %ne3A_904 : i32
        %lt3A_906 = arith.constant 0 : i32
        %lt3A_907 = arith.cmpi slt, %rem3A_903, %lt3A_906 : i32
        %lt3A_908 = arith.constant 0 : i32
        %lt3A_909 = arith.cmpi slt, %select_n3A_902, %lt3A_908 : i32
        %ne3A_910 = arith.xori %lt3A_907, %lt3A_909 : i1
        %and3A_911 = arith.andi %ne3A_910, %ne3A_905 : i1
        %add3A_912 = arith.addi %rem3A_903, %select_n3A_902 : i32
        %select_n3A_913 = arith.select %and3A_911, %add3A_912, %rem3A_903 : i32
        %mul3A_914 = arith.constant 16 : i32
        %mul3A_915 = arith.muli %select_n3A_913, %mul3A_914 : i32
        %get3A_916 = arith.constant 3 : i32
        %get3A_917 = arith.index_cast %get3A_916 : i32 to index
        %get3A_918 = arith.index_cast %select_n3A_897 : i32 to index
        %get3A_919 = arith.index_cast %mul3A_915 : i32 to index
        %get3A_920 = tpu.vector_load %arg9[%get3A_917, %get3A_918, %get3A_919] {strides = array<i32>} : memref<4x8x1024xf32, #tpu.memory_space<vmem>>, vector<1x1x16xf32>,
        %get3A_921 = vector.shape_cast %get3A_920 : vector<1x1x16xf32> to vector<16xf32>
        %get3A_922 = arith.constant 3 : i32
        %get3A_923 = arith.index_cast %get3A_922 : i32 to index
        %get3A_924 = arith.index_cast %select_n3A_897 : i32 to index
        %get3A_925 = arith.index_cast %mul3A_915 : i32 to index
        %get3A_926 = tpu.vector_load %arg10[%get3A_923, %get3A_924, %get3A_925] {strides = array<i32>} : memref<4x8x1024xf32, #tpu.memory_space<vmem>>, vector<1x1x16xf32>,
        %get3A_927 = vector.shape_cast %get3A_926 : vector<1x1x16xf32> to vector<16xf32>
        %add3A_928 = arith.addf %get3A_921, %get3A_927 : vector<16xf32>
        %swap3A_929 = arith.constant 3 : i32
        %swap3A_930 = arith.index_cast %swap3A_929 : i32 to index
        %swap3A_931 = arith.index_cast %select_n3A_897 : i32 to index
        %swap3A_932 = arith.index_cast %mul3A_915 : i32 to index
        %swap3A_933 = tpu.vector_load %arg11[%swap3A_930, %swap3A_931, %swap3A_932] {strides = array<i32>} : memref<4x8x1024xf32, #tpu.memory_space<vmem>>, vector<1x1x16xf32>,
        %swap3A_934 = vector.shape_cast %swap3A_933 : vector<1x1x16xf32> to vector<16xf32>
        %swap3A_935 = vector.shape_cast %add3A_928 : vector<16xf32> to vector<1x1x16xf32>
        tpu.vector_store %arg11[%swap3A_930, %swap3A_931, %swap3A_932], %swap3A_935 {strides = array<i32>} : memref<4x8x1024xf32, #tpu.memory_space<vmem>>, vector<1x1x16xf32>,
      }
      %scan3A_381 = arith.constant 512 : i32
      %lt3A_382 = arith.constant 31 : i32
      %lt3A_383 = arith.cmpi slt, %add3A_175, %lt3A_382 : i32
      %convert_element_type3A_384 = arith.extui %lt3A_383 : i1 to i32
      %cond3A_385 = arith.constant 0 : i32
      %cond3A_386 = arith.cmpi ne, %convert_element_type3A_384, %cond3A_385 : i32
      scf.if %cond3A_386 {
        %add3A_404 = arith.constant 4 : i32
        %add3A_405 = arith.addi %add3A_349, %add3A_404 : i32
        %dma_start3A_406 = arith.constant 3 : i32
        %dma_start3A_407 = arith.constant 0 : i32
        %dma_start3A_408 = arith.constant 0 : i32
        %dma_start3A_409 = tpu.memref_slice %arg9[%dma_start3A_406, %dma_start3A_407, %dma_start3A_408] : memref<4x8x1024xf32, #tpu.memory_space<vmem>> -> memref<1x8x1024xf32, #tpu.memory_space<vmem>>
        %dma_start3A_410 = tpu.memref_squeeze %dma_start3A_409 : memref<1x8x1024xf32, #tpu.memory_space<vmem>> -> memref<8x1024xf32, #tpu.memory_space<vmem>>
        %dma_start3A_411 = arith.constant 0 : i32
        %dma_start3A_412 = tpu.memref_slice %arg7[%add3A_405, %dma_start3A_411] : memref<128x8xi32, #tpu.memory_space<vmem>> -> memref<1x8xi32, #tpu.memory_space<vmem>>
        %dma_start3A_413 = tpu.memref_squeeze %dma_start3A_412 : memref<1x8xi32, #tpu.memory_space<vmem>> -> memref<8xi32, #tpu.memory_space<vmem>>
        %dma_start3A_414 = arith.constant 0 : i32
        %dma_start3A_415 = arith.constant 0 : i32
        %dma_start3A_416 = tpu.memref_slice %arg4[%dma_start3A_414, %dma_start3A_415] : memref<100000x1024xf32, #tpu.memory_space<hbm>> -> memref<100000x1024xf32, #tpu.memory_space<hbm>>
        tpu.enqueue_indirect_dma source(%dma_start3A_416 : memref<100000x1024xf32, #tpu.memory_space<hbm>>) target(%dma_start3A_410 : memref<8x1024xf32, #tpu.memory_space<vmem>>) offsets(%dma_start3A_413 : memref<8xi32, #tpu.memory_space<vmem>>) semaphore(%arg15 : memref<!tpu.dma_semaphore, #tpu.memory_space<semaphore_mem>>)
        %dma_start3A_417 = arith.constant 3 : i32
        %dma_start3A_418 = arith.constant 0 : i32
        %dma_start3A_419 = arith.constant 0 : i32
        %dma_start3A_420 = tpu.memref_slice %arg10[%dma_start3A_417, %dma_start3A_418, %dma_start3A_419] : memref<4x8x1024xf32, #tpu.memory_space<vmem>> -> memref<1x8x1024xf32, #tpu.memory_space<vmem>>
        %dma_start3A_421 = tpu.memref_squeeze %dma_start3A_420 : memref<1x8x1024xf32, #tpu.memory_space<vmem>> -> memref<8x1024xf32, #tpu.memory_space<vmem>>
        %dma_start3A_422 = arith.constant 0 : i32
        %dma_start3A_423 = tpu.memref_slice %arg8[%add3A_405, %dma_start3A_422] : memref<128x8xi32, #tpu.memory_space<vmem>> -> memref<1x8xi32, #tpu.memory_space<vmem>>
        %dma_start3A_424 = tpu.memref_squeeze %dma_start3A_423 : memref<1x8xi32, #tpu.memory_space<vmem>> -> memref<8xi32, #tpu.memory_space<vmem>>
        %dma_start3A_425 = arith.constant 0 : i32
        %dma_start3A_426 = arith.constant 0 : i32
        %dma_start3A_427 = tpu.memref_slice %arg5[%dma_start3A_425, %dma_start3A_426] : memref<8192x1024xf32, #tpu.memory_space<hbm>> -> memref<8192x1024xf32, #tpu.memory_space<hbm>>
        tpu.enqueue_indirect_dma source(%dma_start3A_427 : memref<8192x1024xf32, #tpu.memory_space<hbm>>) target(%dma_start3A_421 : memref<8x1024xf32, #tpu.memory_space<vmem>>) offsets(%dma_start3A_424 : memref<8xi32, #tpu.memory_space<vmem>>) semaphore(%arg19 : memref<!tpu.dma_semaphore, #tpu.memory_space<semaphore_mem>>)
      } else {
      }
      %dma_start3A_387 = arith.constant 3 : i32
      %dma_start3A_388 = arith.constant 0 : i32
      %dma_start3A_389 = arith.constant 0 : i32
      %dma_start3A_390 = tpu.memref_slice %arg11[%dma_start3A_387, %dma_start3A_388, %dma_start3A_389] : memref<4x8x1024xf32, #tpu.memory_space<vmem>> -> memref<1x8x1024xf32, #tpu.memory_space<vmem>>
      %dma_start3A_391 = tpu.memref_squeeze %dma_start3A_390 : memref<1x8x1024xf32, #tpu.memory_space<vmem>> -> memref<8x1024xf32, #tpu.memory_space<vmem>>
      %dma_start3A_392 = arith.constant 0 : i32
      %dma_start3A_393 = arith.constant 0 : i32
      %dma_start3A_394 = tpu.memref_slice %arg6[%add3A, %add3A_349, %dma_start3A_392, %dma_start3A_393] : memref<32x128x8x1024xf32, #tpu.memory_space<hbm>> -> memref<1x1x8x1024xf32, #tpu.memory_space<hbm>>
      %dma_start3A_395 = tpu.memref_squeeze %dma_start3A_394 : memref<1x1x8x1024xf32, #tpu.memory_space<hbm>> -> memref<8x1024xf32, #tpu.memory_space<hbm>>
      %dma_start3A_396 = arith.constant 0 : i32
      %dma_start3A_397 = arith.constant 0 : i32
      %dma_start3A_398 = tpu.memref_slice %arg6[%add3A, %add3A_349, %dma_start3A_396, %dma_start3A_397] : memref<32x128x8x1024xf32, #tpu.memory_space<hbm>> -> memref<1x1x8x1024xf32, #tpu.memory_space<hbm>>
      %dma_start3A_399 = tpu.memref_squeeze %dma_start3A_398 : memref<1x1x8x1024xf32, #tpu.memory_space<hbm>> -> memref<8x1024xf32, #tpu.memory_space<hbm>>
      %dma_start3A_400 = arith.constant 0 : i32
      %dma_start3A_401 = arith.constant 0 : i32
      %dma_start3A_402 = tpu.memref_slice %arg11[%dma_start3A_387, %dma_start3A_400, %dma_start3A_401] : memref<4x8x1024xf32, #tpu.memory_space<vmem>> -> memref<1x8x1024xf32, #tpu.memory_space<vmem>>
      %dma_start3A_403 = tpu.memref_squeeze %dma_start3A_402 : memref<1x8x1024xf32, #tpu.memory_space<vmem>> -> memref<8x1024xf32, #tpu.memory_space<vmem>>
      tpu.enqueue_dma source(%dma_start3A_403 : memref<8x1024xf32, #tpu.memory_space<vmem>>) target(%dma_start3A_399 : memref<8x1024xf32, #tpu.memory_space<hbm>>) target_semaphore(%arg23 : memref<!tpu.dma_semaphore, #tpu.memory_space<semaphore_mem>>)
    }
    %scan3A_99 = arith.constant 32 : i32
    %dma_wait3A = arith.constant 0 : i32
    %dma_wait3A_100 = arith.constant 124 : i32
    %dma_wait3A_101 = arith.constant 0 : i32
    %dma_wait3A_102 = arith.constant 0 : i32
    %dma_wait3A_103 = tpu.memref_slice %arg11[%dma_wait3A, %dma_wait3A_101, %dma_wait3A_102] : memref<4x8x1024xf32, #tpu.memory_space<vmem>> -> memref<1x8x1024xf32, #tpu.memory_space<vmem>>
    %dma_wait3A_104 = tpu.memref_squeeze %dma_wait3A_103 : memref<1x8x1024xf32, #tpu.memory_space<vmem>> -> memref<8x1024xf32, #tpu.memory_space<vmem>>
    %dma_wait3A_105 = arith.constant 0 : i32
    %dma_wait3A_106 = arith.constant 0 : i32
    %dma_wait3A_107 = tpu.memref_slice %arg6[%add3A, %dma_wait3A_100, %dma_wait3A_105, %dma_wait3A_106] : memref<32x128x8x1024xf32, #tpu.memory_space<hbm>> -> memref<1x1x8x1024xf32, #tpu.memory_space<hbm>>
    %dma_wait3A_108 = tpu.memref_squeeze %dma_wait3A_107 : memref<1x1x8x1024xf32, #tpu.memory_space<hbm>> -> memref<8x1024xf32, #tpu.memory_space<hbm>>
    %dma_wait3A_109 = arith.constant 0 : i32
    %dma_wait3A_110 = arith.constant 0 : i32
    %dma_wait3A_111 = tpu.memref_slice %arg6[%add3A, %dma_wait3A_100, %dma_wait3A_109, %dma_wait3A_110] : memref<32x128x8x1024xf32, #tpu.memory_space<hbm>> -> memref<1x1x8x1024xf32, #tpu.memory_space<hbm>>
    %dma_wait3A_112 = tpu.memref_squeeze %dma_wait3A_111 : memref<1x1x8x1024xf32, #tpu.memory_space<hbm>> -> memref<8x1024xf32, #tpu.memory_space<hbm>>
    %dma_wait3A_113 = arith.constant 0 : i32
    %dma_wait3A_114 = arith.constant 0 : i32
    %dma_wait3A_115 = tpu.memref_slice %arg11[%dma_wait3A, %dma_wait3A_113, %dma_wait3A_114] : memref<4x8x1024xf32, #tpu.memory_space<vmem>> -> memref<1x8x1024xf32, #tpu.memory_space<vmem>>
    %dma_wait3A_116 = tpu.memref_squeeze %dma_wait3A_115 : memref<1x8x1024xf32, #tpu.memory_space<vmem>> -> memref<8x1024xf32, #tpu.memory_space<vmem>>
    tpu.wait_dma2 semaphore(%arg20 : memref<!tpu.dma_semaphore, #tpu.memory_space<semaphore_mem>>) src(%dma_wait3A_116 : memref<8x1024xf32, #tpu.memory_space<vmem>>) dst(%dma_wait3A_112 : memref<8x1024xf32, #tpu.memory_space<hbm>>)
    %dma_wait3A_117 = arith.constant 1 : i32
    %dma_wait3A_118 = arith.constant 125 : i32
    %dma_wait3A_119 = arith.constant 0 : i32
    %dma_wait3A_120 = arith.constant 0 : i32
    %dma_wait3A_121 = tpu.memref_slice %arg11[%dma_wait3A_117, %dma_wait3A_119, %dma_wait3A_120] : memref<4x8x1024xf32, #tpu.memory_space<vmem>> -> memref<1x8x1024xf32, #tpu.memory_space<vmem>>
    %dma_wait3A_122 = tpu.memref_squeeze %dma_wait3A_121 : memref<1x8x1024xf32, #tpu.memory_space<vmem>> -> memref<8x1024xf32, #tpu.memory_space<vmem>>
    %dma_wait3A_123 = arith.constant 0 : i32
    %dma_wait3A_124 = arith.constant 0 : i32
    %dma_wait3A_125 = tpu.memref_slice %arg6[%add3A, %dma_wait3A_118, %dma_wait3A_123, %dma_wait3A_124] : memref<32x128x8x1024xf32, #tpu.memory_space<hbm>> -> memref<1x1x8x1024xf32, #tpu.memory_space<hbm>>
    %dma_wait3A_126 = tpu.memref_squeeze %dma_wait3A_125 : memref<1x1x8x1024xf32, #tpu.memory_space<hbm>> -> memref<8x1024xf32, #tpu.memory_space<hbm>>
    %dma_wait3A_127 = arith.constant 0 : i32
    %dma_wait3A_128 = arith.constant 0 : i32
    %dma_wait3A_129 = tpu.memref_slice %arg6[%add3A, %dma_wait3A_118, %dma_wait3A_127, %dma_wait3A_128] : memref<32x128x8x1024xf32, #tpu.memory_space<hbm>> -> memref<1x1x8x1024xf32, #tpu.memory_space<hbm>>
    %dma_wait3A_130 = tpu.memref_squeeze %dma_wait3A_129 : memref<1x1x8x1024xf32, #tpu.memory_space<hbm>> -> memref<8x1024xf32, #tpu.memory_space<hbm>>
    %dma_wait3A_131 = arith.constant 0 : i32
    %dma_wait3A_132 = arith.constant 0 : i32
    %dma_wait3A_133 = tpu.memref_slice %arg11[%dma_wait3A_117, %dma_wait3A_131, %dma_wait3A_132] : memref<4x8x1024xf32, #tpu.memory_space<vmem>> -> memref<1x8x1024xf32, #tpu.memory_space<vmem>>
    %dma_wait3A_134 = tpu.memref_squeeze %dma_wait3A_133 : memref<1x8x1024xf32, #tpu.memory_space<vmem>> -> memref<8x1024xf32, #tpu.memory_space<vmem>>
    tpu.wait_dma2 semaphore(%arg21 : memref<!tpu.dma_semaphore, #tpu.memory_space<semaphore_mem>>) src(%dma_wait3A_134 : memref<8x1024xf32, #tpu.memory_space<vmem>>) dst(%dma_wait3A_130 : memref<8x1024xf32, #tpu.memory_space<hbm>>)
    %dma_wait3A_135 = arith.constant 2 : i32
    %dma_wait3A_136 = arith.constant 126 : i32
    %dma_wait3A_137 = arith.constant 0 : i32
    %dma_wait3A_138 = arith.constant 0 : i32
    %dma_wait3A_139 = tpu.memref_slice %arg11[%dma_wait3A_135, %dma_wait3A_137, %dma_wait3A_138] : memref<4x8x1024xf32, #tpu.memory_space<vmem>> -> memref<1x8x1024xf32, #tpu.memory_space<vmem>>
    %dma_wait3A_140 = tpu.memref_squeeze %dma_wait3A_139 : memref<1x8x1024xf32, #tpu.memory_space<vmem>> -> memref<8x1024xf32, #tpu.memory_space<vmem>>
    %dma_wait3A_141 = arith.constant 0 : i32
    %dma_wait3A_142 = arith.constant 0 : i32
    %dma_wait3A_143 = tpu.memref_slice %arg6[%add3A, %dma_wait3A_136, %dma_wait3A_141, %dma_wait3A_142] : memref<32x128x8x1024xf32, #tpu.memory_space<hbm>> -> memref<1x1x8x1024xf32, #tpu.memory_space<hbm>>
    %dma_wait3A_144 = tpu.memref_squeeze %dma_wait3A_143 : memref<1x1x8x1024xf32, #tpu.memory_space<hbm>> -> memref<8x1024xf32, #tpu.memory_space<hbm>>
    %dma_wait3A_145 = arith.constant 0 : i32
    %dma_wait3A_146 = arith.constant 0 : i32
    %dma_wait3A_147 = tpu.memref_slice %arg6[%add3A, %dma_wait3A_136, %dma_wait3A_145, %dma_wait3A_146] : memref<32x128x8x1024xf32, #tpu.memory_space<hbm>> -> memref<1x1x8x1024xf32, #tpu.memory_space<hbm>>
    %dma_wait3A_148 = tpu.memref_squeeze %dma_wait3A_147 : memref<1x1x8x1024xf32, #tpu.memory_space<hbm>> -> memref<8x1024xf32, #tpu.memory_space<hbm>>
    %dma_wait3A_149 = arith.constant 0 : i32
    %dma_wait3A_150 = arith.constant 0 : i32
    %dma_wait3A_151 = tpu.memref_slice %arg11[%dma_wait3A_135, %dma_wait3A_149, %dma_wait3A_150] : memref<4x8x1024xf32, #tpu.memory_space<vmem>> -> memref<1x8x1024xf32, #tpu.memory_space<vmem>>
    %dma_wait3A_152 = tpu.memref_squeeze %dma_wait3A_151 : memref<1x8x1024xf32, #tpu.memory_space<vmem>> -> memref<8x1024xf32, #tpu.memory_space<vmem>>
    tpu.wait_dma2 semaphore(%arg22 : memref<!tpu.dma_semaphore, #tpu.memory_space<semaphore_mem>>) src(%dma_wait3A_152 : memref<8x1024xf32, #tpu.memory_space<vmem>>) dst(%dma_wait3A_148 : memref<8x1024xf32, #tpu.memory_space<hbm>>)
    %dma_wait3A_153 = arith.constant 3 : i32
    %dma_wait3A_154 = arith.constant 127 : i32
    %dma_wait3A_155 = arith.constant 0 : i32
    %dma_wait3A_156 = arith.constant 0 : i32
    %dma_wait3A_157 = tpu.memref_slice %arg11[%dma_wait3A_153, %dma_wait3A_155, %dma_wait3A_156] : memref<4x8x1024xf32, #tpu.memory_space<vmem>> -> memref<1x8x1024xf32, #tpu.memory_space<vmem>>
    %dma_wait3A_158 = tpu.memref_squeeze %dma_wait3A_157 : memref<1x8x1024xf32, #tpu.memory_space<vmem>> -> memref<8x1024xf32, #tpu.memory_space<vmem>>
    %dma_wait3A_159 = arith.constant 0 : i32
    %dma_wait3A_160 = arith.constant 0 : i32
    %dma_wait3A_161 = tpu.memref_slice %arg6[%add3A, %dma_wait3A_154, %dma_wait3A_159, %dma_wait3A_160] : memref<32x128x8x1024xf32, #tpu.memory_space<hbm>> -> memref<1x1x8x1024xf32, #tpu.memory_space<hbm>>
    %dma_wait3A_162 = tpu.memref_squeeze %dma_wait3A_161 : memref<1x1x8x1024xf32, #tpu.memory_space<hbm>> -> memref<8x1024xf32, #tpu.memory_space<hbm>>
    %dma_wait3A_163 = arith.constant 0 : i32
    %dma_wait3A_164 = arith.constant 0 : i32
    %dma_wait3A_165 = tpu.memref_slice %arg6[%add3A, %dma_wait3A_154, %dma_wait3A_163, %dma_wait3A_164] : memref<32x128x8x1024xf32, #tpu.memory_space<hbm>> -> memref<1x1x8x1024xf32, #tpu.memory_space<hbm>>
    %dma_wait3A_166 = tpu.memref_squeeze %dma_wait3A_165 : memref<1x1x8x1024xf32, #tpu.memory_space<hbm>> -> memref<8x1024xf32, #tpu.memory_space<hbm>>
    %dma_wait3A_167 = arith.constant 0 : i32
    %dma_wait3A_168 = arith.constant 0 : i32
    %dma_wait3A_169 = tpu.memref_slice %arg11[%dma_wait3A_153, %dma_wait3A_167, %dma_wait3A_168] : memref<4x8x1024xf32, #tpu.memory_space<vmem>> -> memref<1x8x1024xf32, #tpu.memory_space<vmem>>
    %dma_wait3A_170 = tpu.memref_squeeze %dma_wait3A_169 : memref<1x8x1024xf32, #tpu.memory_space<vmem>> -> memref<8x1024xf32, #tpu.memory_space<vmem>>
    tpu.wait_dma2 semaphore(%arg23 : memref<!tpu.dma_semaphore, #tpu.memory_space<semaphore_mem>>) src(%dma_wait3A_170 : memref<8x1024xf32, #tpu.memory_space<vmem>>) dst(%dma_wait3A_166 : memref<8x1024xf32, #tpu.memory_space<hbm>>)
    return
  }
}

</mosaic_0001>

<sc_bundles>
// kernel: kernel.3.cloned.1.call-start
scs
__scs_entry_jumppad:
0x0: {  	(pc) =	sbr.rel $0x88, $3  }
0x1: {  	(tag) =	ssettag $0x0;
	lr =	simm.s32 $0x1  }
0x2: {  	[smem:$0x3F9D] =	sst lr;
	_ =	strace $0xD0000000  }
0x3: {  	_ = 	snop  }
0x4: {  	_ = 	snop  }
0x5: {  	_ = 	snop  }
0x6: {  	_ = 	snop  }
0x7: {  	_ = 	snop  }
__scs_overlays_trampoline_lowered:
0x8: {  	[smem:$0x3FAC] =	sst s0  }
0x9: {  	[smem:$0x3FAD] =	sst s1  }
0xa: {  	[smem:$0x3FAE] =	sst s2  }
0xb: {  	[smem:$0x3FAF] =	sst s3  }
0xc: {  	[smem:$0x3FB0] =	sst s4  }
0xd: {  	[smem:$0x3FB1] =	sst s5  }
0xe: {  	[smem:$0x3FB2] =	sst s6  }
0xf: {  	[smem:$0x3FB3] =	sst s7  }
0x10: {  	[smem:$0x3FB4] =	sst s8  }
0x11: {  	[smem:$0x3FB5] =	sst s9;
	s0 =	simm.s32 @!p0 $0x0  }
0x12: {  	s1 =	sld [smem:$0x3F9B];
	s0 =	simm.s32 @p0 $0x1  }
0x13: {  	[smem:$0x3FB6] =	sst s0;
	s0 =	simm.s32 @!p1 $0x0  }
0x14: {  	s2 =	sld [smem:$0x3F9A];
	s0 =	simm.s32 @p1 $0x1  }
0x15: {  	[smem:$0x3FB7] =	sst s0;
	s0 =	simm.s32 @!p2 $0x0  }
0x16: {  	s3 =	sld [smem:$0x3FDB];
	s0 =	simm.s32 @p2 $0x1  }
0x17: {  	s4 =	simm.s32 $0x1BF5;
	[smem:$0x3FB9] =	sst s0  }
0x18: {  	s0 =	sld [smem:$0x3F9C];
	_ =	swait.ge [sflag:s4], $0x0  }
0x19: {  	s7 =	sld [smem:$0x3F9D]  }
0x1a: {  	s8 =	sadd.s32 $0xFFFFE003, lr  }
0x1b: {  	s9 =	sadd.s32 $0xFFFFFEF7, lr;
	s5 =	simm.s32 $0xFFFFFFFF;
	p2 =	slt.u32 s8, $0xFFFFF086  }
0x1c: {  	p1 =	slt.u32 s9, $0xF7A;
	s5 =	simm.s32 @!p2 $0x0  }
0x1d: {  	s5 =	simm.s32 @p1 $0x1;
	p0 =	seq.s32 s7, s2  }
0x1e: {  	s7 =	smul.u32 @!p0 $0xF7A, s2;
	p2 =	seq.s32 @!p0 s5, $0x0  }
0x1f: {  	s9 =	smul.u32 $0xF7A, s1;
	s8 =	simm.s32 @!p0 $0x1BF5;
	p2 =	por !p2, p0  }
0x20: {  	[sflag:s8] =	ssyncset.s32 @!p0 $0xFFFFF086;
	s6 =	sadd.s32 @!p0 s3, s7;
	s7 =	simm.s32 @!p0 $0x108  }
0x21: {  	s3 =	sadd.s32 s3, s9;
	s6 =	sadd.s32 @!p0 $0x88, s6;
	s7 =	simm.s32 @p2 $0x1082  }
0x22: {  	[simem:s7], [sflag:s8] =	dma.local @!p0 [hbm:s6], $0xF7A  }
0x23: {  	s9 =	sor.u32 $0xD0000000, s2;
	s6 =	simm.s32 $0x108;
	_ =	swait.ge @!p0 [sflag:s8], $0x0  }
0x24: {  	s3 =	sadd.s32 $0x88, s3;
	s6 =	simm.s32 @!p1 $0x1082;
	[sflag:s4] =	ssyncset.s32 $0xFFFFF086  }
0x25: {  	[simem:s6], [sflag:s4] =	dma.local [hbm:s3], $0xF7A  }
0x26: {  	[smem:$0x3F9D] =	sst s1;
	(tag) =	ssettag s2;
	_ =	strace s9  }
0x27: {  	s1 =	sld [smem:$0x3FAD]  }
0x28: {  	s2 =	sld [smem:$0x3FAE]  }
0x29: {  	s4 =	sld [smem:$0x3FB0]  }
0x2a: {  	p0 =	seq.s32 s5, $0x0;
	s5 =	sld [smem:$0x3FB1]  }
0x2b: {  	s6 =	sld [smem:$0x3FB2]  }
0x2c: {  	s7 =	sld [smem:$0x3FB3]  }
0x2d: {  	s3 =	simm.s32 $0x108;
	s8 =	sld [smem:$0x3FB4]  }
0x2e: {  	s3 =	simm.s32 @!p0 $0x1082;
	s9 =	sld [smem:$0x3FB5]  }
0x2f: {  	lr =	sadd.s32 s0, s3;
	s0 =	sld [smem:$0x3FAC]  }
0x30: {  	s3 =	sld [smem:$0x3FAF]  }
0x31: {  	[smem:$0x3FB8] =	sst s10  }
0x32: {  	s10 =	sld [smem:$0x3FB6];
	_ =	sdelay $0x3  }
0x33: {  	p0 =	seq.s32 s10, $0x1;
	s10 =	sld [smem:$0x3FB8];
	_ =	sdelay $0x3  }
0x34: {  	[smem:$0x3FB8] =	sst s10  }
0x35: {  	s10 =	sld [smem:$0x3FB7];
	_ =	sdelay $0x3  }
0x36: {  	p1 =	seq.s32 s10, $0x1;
	s10 =	sld [smem:$0x3FB8];
	_ =	sdelay $0x3  }
0x37: {  	[smem:$0x3FB8] =	sst s10  }
0x38: {  	s10 =	sld [smem:$0x3FB9]  }
0x39: {  	_ = 	snop;
	(pc) =	sbr.ind lr, $3  }
0x3a: {  	_ = 	snop  }
0x3b: {  	_ = 	snop  }
0x3c: {  	p2 =	seq.s32 s10, $0x1;
	s10 =	sld [smem:$0x3FB8]  }
0x3d: {  	_ =	shalt  }
0x3e: {  	_ =	shalt  }
0x3f: {  	_ =	shalt  }
0x40: {  	_ =	shalt  }
0x41: {  	_ =	shalt  }
0x42: {  	_ =	shalt  }
0x43: {  	_ =	shalt  }
0x44: {  	_ =	shalt  }
0x45: {  	_ =	shalt  }
0x46: {  	_ =	shalt  }
0x47: {  	_ =	shalt  }
0x48: {  	_ =	shalt  }
0x49: {  	_ =	shalt  }
0x4a: {  	_ =	shalt  }
0x4b: {  	_ =	shalt  }
0x4c: {  	_ =	shalt  }
0x4d: {  	_ =	shalt  }
0x4e: {  	_ =	shalt  }
0x4f: {  	_ =	shalt  }
0x50: {  	_ =	shalt  }
0x51: {  	_ =	shalt  }
0x52: {  	_ =	shalt  }
0x53: {  	_ =	shalt  }
0x54: {  	_ =	shalt  }
0x55: {  	_ =	shalt  }
0x56: {  	_ =	shalt  }
0x57: {  	_ =	shalt  }
0x58: {  	_ =	shalt  }
0x59: {  	_ =	shalt  }
0x5a: {  	_ =	shalt  }
0x5b: {  	_ =	shalt  }
0x5c: {  	_ =	shalt  }
0x5d: {  	_ =	shalt  }
0x5e: {  	_ =	shalt  }
0x5f: {  	_ =	shalt  }
0x60: {  	_ =	shalt  }
0x61: {  	_ =	shalt  }
0x62: {  	_ =	shalt  }
0x63: {  	_ =	shalt  }
0x64: {  	_ =	shalt  }
0x65: {  	_ =	shalt  }
0x66: {  	_ =	shalt  }
0x67: {  	_ =	shalt  }
0x68: {  	_ =	shalt  }
0x69: {  	_ =	shalt  }
0x6a: {  	_ =	shalt  }
0x6b: {  	_ =	shalt  }
0x6c: {  	_ =	shalt  }
0x6d: {  	_ =	shalt  }
0x6e: {  	_ =	shalt  }
0x6f: {  	_ =	shalt  }
0x70: {  	_ =	shalt  }
0x71: {  	_ =	shalt  }
0x72: {  	_ =	shalt  }
0x73: {  	_ =	shalt  }
0x74: {  	_ =	shalt  }
0x75: {  	_ =	shalt  }
0x76: {  	_ =	shalt  }
0x77: {  	_ =	shalt  }
0x78: {  	_ =	shalt  }
0x79: {  	_ =	shalt  }
0x7a: {  	_ =	shalt  }
0x7b: {  	_ =	shalt  }
0x7c: {  	_ =	shalt  }
0x7d: {  	_ =	shalt  }
0x7e: {  	_ =	shalt  }
0x7f: {  	_ =	shalt  }
0x80: {  	_ =	shalt  }
0x81: {  	_ =	shalt  }
0x82: {  	_ =	shalt  }
0x83: {  	_ =	shalt  }
0x84: {  	_ =	shalt  }
0x85: {  	_ =	shalt  }
0x86: {  	_ =	shalt  }
0x87: {  	_ =	shalt  }
.Lfunc_end0:
.L_simem_size_0:
called_computation_lowered:
.L_overlay_start_0:
0x88: {  	s2 =	sld [smem:$0x3FD9]  }
0x89: {  	s3 =	sld [smem:$0x3FFE];
	_ =	sdelay $0x1  }
0x8a: {  	s1 =	srdreg.scid  }
0x8b: {  	s0 =	sand.u32 $0x1, s1  }
0x8c: {  	s17 =	sshll.u32 s0, $0xA;
	s2 =	sadd.s32 s3, s2  }
0x8d: {  	s2 =	sadd.s32 s2, s17  }
0x8e: {  	[smem:$0x3FC4] =	sst s2  }
0x8f: {  	_ = 	snop  }
0x90: {  	s2 =	sld [smem:$0x3FC7]  }
0x91: {  	s18 =	sld [smem:$0x3FC6]  }
0x92: {  	s4 =	sld [smem:$0x3FD0];
	(tm) =	ssettm $0x1  }
0x93: {  	s5 =	sld [smem:$0x3FFB];
	_ =	sdelay $0x3  }
0x94: {  	_ =	strace s5  }
0x95: {  	s5 =	sld [smem:$0x3FFC];
	_ =	sdelay $0x3  }
0x96: {  	_ =	strace s5  }
0x97: {  	s5 =	sld [smem:$0x3FFD];
	_ =	sdelay $0x3  }
0x98: {  	_ =	strace s5  }
0x99: {  	_ =	strace $0x8FFFFFFF  }
0x9a: {  	s19 =	sld [smem:$0x3FDB];
	_ =	sdelay $0x1  }
0x9b: {  	s6 =	simm.s32 $_scs_section_size  }
0x9c: {  	s7 =	simm.s32 $_size__tile_overlayer_lowered;
	s8 =	simm.s32 $_tile_overlayer_lowered  }
0x9d: {  	s22 =	simm.s32 $0x1BFF;
	s21 =	sshll.u32 s8, $0x1;
	s5 =	sadd.s32 s6, s19  }
0x9e: {  	s9 =	simm.s32 $0x0;
	s20 =	sshll.u32 s7, $0x1;
	s7 =	sadd.s32 s21, s5  }
0x9f: {  	[timem:s9], [sflag:s22] =	dma.local [hbm:s7], s20  }
0xa0: {  	_ =	swait.ge [sflag:s22], s20  }
0xa1: {  	s6 =	ssub.s32 $0x0, s20;
	[sflag:s22] =	ssyncset.done $0x0  }
0xa2: {  	[sflag:s22] =	ssyncadd.s32 s6;
	_ =	sdelay $0x1  }
0xa3: {  	s23 =	simm.s32 $0x1B8B  }
0xa4: {  	_ =	swait.ge [sflag:s23], $0x1  }
0xa5: {  	[sflag:s23] =	ssyncset.done $0x0  }
0xa6: {  	s25 =	simm.s32 $0x1B8E;
	s24 =	sld [smem:$0x3FFE];
	[sflag:s23] =	ssyncadd.s32 $0xFFFFFFFF  }
0xa7: {  	s26 =	simm.s32 $execute0_lowered;
	[smem:$0x3FD2] =	sst s25  }
0xa8: {  	s7 =	sshll.u32 s26, $0x1;
	_ =	strace $0x80000046;
	[dreg:$0x1] =	wrdreg $0xFFFFFFFF  }
0xa9: {  	s28 =	simm.s32 $_size_execute0_lowered;
	s5 =	sadd.s32 s5, s7;
	[dreg:$0x0] =	wrdreg $0x0  }
0xaa: {  	s7 =	sshll.u32 s28, $0x1;
	[dreg:$0x2] =	wrdreg s5  }
0xab: {  	[dreg:$0x3] =	wrdreg s7  }
0xac: {  	[dreg:$0x4] =	wrdreg $0xC0  }
0xad: {  	_ =	task [dreg:s9], $0x5FFFF  }
0xae: {  	[dreg:$0x1] =	wrdreg $0xFFFFFFFF  }
0xaf: {  	[dreg:$0x0] =	wrdreg $0x60  }
0xb0: {  	[dreg:$0x2] =	wrdreg s24  }
0xb1: {  	[dreg:$0x3] =	wrdreg s2  }
0xb2: {  	[dreg:$0x4] =	wrdreg s18  }
0xb3: {  	[dreg:$0x5] =	wrdreg s4  }
0xb4: {  	[dreg:$0x6] =	wrdreg $0x9  }
0xb5: {  	_ =	task.clear_ibuf [dreg:s9], $0x7FFFF;
	_ =	strace $0x90000046  }
0xb6: {  	s29 =	simm.s32 $0x9;
	_ =	strace $0x80000048  }
0xb7: {  	_ =	swait.ge [sflag:s29], $0x1  }
0xb8: {  	[sflag:s29] =	ssyncadd.s32 $0xFFFFFFFF  }
0xb9: {  	_ =	strace $0x90000048  }
0xba: {  	_ =	sfence  }
0xbb: {  	s30 =	sld [smem:$0x0];
	_ =	sdelay $0x2  }
0xbc: {  	s31 =	sshll.u32 s1, $0xD;
	s1 =	sshrl.u32 s1, $0x2  }
0xbd: {  	s3 =	sand.u32 $0x4000, s31;
	s1 =	sadd.s32 s1, s30  }
0xbe: {  	s0 =	sor.u32 s3, s0;
	s1 =	sshll.u32 s1, $0x11  }
0xbf: {  	s0 =	sor.u32 s1, s0  }
0xc0: {  	s0 =	sadd.s32 $0x8F2B, s0  }
0xc1: {  	[sflag:s0] =	ssyncadd.remote.s32 $0x1  }
0xc2: {  	_ =	sfence.sel $0xFFFF  }
0xc3: {  	[dreg:$0x0] =	wrdreg $0xFFFFFFFF;
	(pc) =	sbr.abs _section_cstart, $3  }
0xc4: {  	[dreg:$0x1] =	wrdreg $0xFFFFFFFF  }
0xc5: {  	_ =	task.clear_ibuf [dreg:s9], $0x2FFFF;
	_ =	strace $0x9FFFFFFF  }
0xc6: {  	(tm) =	ssettm $0x7FFFFFFF  }
0xc7: {  	_ =	shalt  }
tec
execute0_lowered:
.L_overlay_start_1:
0x0: {  	(tag) =	ssettag $0x1  }
0x1: {  	s0 =	rddreg [dreg:$0x0]  }
0x2: {  	s1 =	rddreg [dreg:$0x1]  }
0x3: {  	s3 =	rddreg [dreg:$0x2];
	s2 =	srdreg.scid  }
0x4: {  	s5 =	stileid.u32;
	s4 =	rddreg [dreg:$0x3];
	s18 =	simm.s32 $0x1  }
0x5: {  	s19 =	simm.s32 $0x5;
	s21 =	simm.s32 $0x2;
	s22 =	simm.s32 $0x6  }
0x6: {  	s24 =	simm.s32 $0x3;
	s28 =	simm.s32 $0x4;
	s29 =	simm.s32 $0x8  }
0x7: {  	s30 =	simm.s32 $0x1E000;
	s2 =	sand.u32 $0x1, s2;
	s5 =	sshll.u32 s5, $0x1  }
0x8: {  	s8 =	sadd.s32 $0x100, s1;
	s9 =	sadd.s32 $0x200, s1;
	s10 =	sadd.s32 $0x300, s1  }
0x9: {  	s11 =	sadd.s32 $0x100, s3;
	s12 =	sadd.s32 $0x200, s3;
	s6 =	sor.u32 s2, s5  }
0xa: {  	s13 =	sadd.s32 $0x300, s3;
	s5 =	simm.s32 $0x0;
	s7 =	sshll.u32 s6, $0xB  }
0xb: {  	s2 =	ssub.s32 $0x2, s2;
	[smem:$0x7FF] =	sst s5;
	s0 =	sadd.s32 s7, s0  }
0xc: {  	s25 =	sshrl.u32 s2, $0x1;
	_ =	strace $0x80000047;
	s26 =	sadd.s32 $0x400, s0  }
0xd: {  	v0 =	vlaneseq.u32;
	s2 =	ssub.s32 s2, s25;
	s0 =	sadd.s32 $0x10400, s0;
	[dreg:$0x5] =	wrdreg s26  }
0xe: {  	v1 =	vshrl.u32 v0, $0x3;
	s14 =	sshll.u32 s6, $0x14;
	s31 =	smax.u32 s2, $0x1;
	[dreg:$0x6] =	wrdreg s0  }
0xf: {  	vm0 =	vmmov $0xffff;
	v0 =	vand.u32 $0x7, v0;
	v1 =	vmul.u32 $0x8, v1;
	s6 =	simm.s32 $0x0;
	s25 =	simm.s32 $0x7;
	[dreg:$0x7] =	wrdreg s31  }
.LBB2_1:
0x10: {  	[dreg:$0x8] =	wrdreg s6  }
0x11: {  	s0 =	rddreg [dreg:$0x5];
	s2 =	simm.s32 $0xD  }
0x12: {  	[tilespmem:s5], [sflag:$0xD] =	stream.linear.gather [hbm4b:s0+s5], $0x4000, $0x38;
	v63 =	vld [tilespmem:$0x0]  }
0x13: {  	_ =	swait.ge [sflag:s2], $0x4000  }
0x14: {  	[sflag:s2] =	ssyncset.done $0x0  }
0x15: {  	s23 =	simm.s32 $0x4000;
	s20 =	rddreg [dreg:$0x6];
	[sflag:s2] =	ssyncadd.s32 $0xFFFFC000  }
0x16: {  	[tilespmem:s23], [sflag:$0xD] =	stream.linear.gather [hbm4b:s20+s5], $0x4000, $0x38;
	v63 =	vld [tilespmem:$0x0]  }
0x17: {  	_ =	swait.ge [sflag:s2], $0x4000  }
0x18: {  	[sflag:s2] =	ssyncset.done $0x0  }
0x19: {  	[sflag:s2] =	ssyncadd.s32 $0xFFFFC000  }
0x1a: {  	v2 =	vld.msk [tilespmem:$0x0], $0xff;
	_ =	sdelay $0x4  }
0x1b: {  	v3 =	vshll.u32 v2, $0x3  }
0x1c: {  	v2 =	vand.u32 $0x7, v2;
	v3 =	vand.u32 $0xFFFFFFC0, v3  }
0x1d: {  	v2 =	vor.u32 v2, v3  }
0x1e: {  	v2 =	vperm.xlane v2, v0;
	_ =	sdelay $0x1  }
0x1f: {  	v2 =	vadd.s32 v1, v2;
	_ =	sdelay $0x3  }
0x20: {  	s26 =	simm.s32 $0x8000  }
0x21: {  	[tilespmem:s26], [sflag:$0x1] =	stream.indirect_vreg.gather [hbm4b:s1+s5], $0x80, v2, vm0, $0xb8;
	v63 =	vld [tilespmem:$0x0]  }
0x22: {  	s31 =	simm.s32 $0x8800  }
0x23: {  	[tilespmem:s31], [sflag:$0x1] =	stream.indirect_vreg.gather [hbm4b:s8+s5], $0x80, v2, vm0, $0xb8;
	v63 =	vld [tilespmem:$0x0]  }
0x24: {  	s2 =	simm.s32 $0x9000  }
0x25: {  	[tilespmem:s2], [sflag:$0x1] =	stream.indirect_vreg.gather [hbm4b:s9+s5], $0x80, v2, vm0, $0xb8;
	v63 =	vld [tilespmem:$0x0]  }
0x26: {  	s6 =	simm.s32 $0x9800  }
0x27: {  	[tilespmem:s6], [sflag:$0x1] =	stream.indirect_vreg.gather [hbm4b:s10+s5], $0x80, v2, vm0, $0xb8;
	v63 =	vld [tilespmem:$0x0]  }
0x28: {  	v2 =	vld.msk [tilespmem:$0x4000], $0xff;
	_ =	sdelay $0x4  }
0x29: {  	v3 =	vshll.u32 v2, $0x3  }
0x2a: {  	v2 =	vand.u32 $0x7, v2;
	v3 =	vand.u32 $0xFFFFFFC0, v3  }
0x2b: {  	v2 =	vor.u32 v2, v3  }
0x2c: {  	v2 =	vperm.xlane v2, v0;
	_ =	sdelay $0x1  }
0x2d: {  	v2 =	vadd.s32 v1, v2;
	_ =	sdelay $0x3  }
0x2e: {  	s7 =	simm.s32 $0x10000  }
0x2f: {  	[tilespmem:s7], [sflag:$0x5] =	stream.indirect_vreg.gather [hbm4b:s3+s5], $0x80, v2, vm0, $0xb8;
	v63 =	vld [tilespmem:$0x0]  }
0x30: {  	s15 =	simm.s32 $0x10800  }
0x31: {  	[tilespmem:s15], [sflag:$0x5] =	stream.indirect_vreg.gather [hbm4b:s11+s5], $0x80, v2, vm0, $0xb8;
	v63 =	vld [tilespmem:$0x0]  }
0x32: {  	s16 =	simm.s32 $0x11000  }
0x33: {  	[tilespmem:s16], [sflag:$0x5] =	stream.indirect_vreg.gather [hbm4b:s12+s5], $0x80, v2, vm0, $0xb8;
	v63 =	vld [tilespmem:$0x0]  }
0x34: {  	s17 =	simm.s32 $0x11800  }
0x35: {  	[tilespmem:s17], [sflag:$0x5] =	stream.indirect_vreg.gather [hbm4b:s13+s5], $0x80, v2, vm0, $0xb8;
	v63 =	vld [tilespmem:$0x0]  }
0x36: {  	v2 =	vld.msk [tilespmem:$0x80], $0xff;
	_ =	sdelay $0x4  }
0x37: {  	v3 =	vshll.u32 v2, $0x3  }
0x38: {  	v2 =	vand.u32 $0x7, v2;
	v3 =	vand.u32 $0xFFFFFFC0, v3  }
0x39: {  	v2 =	vor.u32 v2, v3  }
0x3a: {  	v2 =	vperm.xlane v2, v0;
	_ =	sdelay $0x1  }
0x3b: {  	v2 =	vadd.s32 v1, v2;
	_ =	sdelay $0x3  }
0x3c: {  	s20 =	simm.s32 $0xA000  }
0x3d: {  	[tilespmem:s20], [sflag:$0x2] =	stream.indirect_vreg.gather [hbm4b:s1+s5], $0x80, v2, vm0, $0xb8;
	v63 =	vld [tilespmem:$0x0]  }
0x3e: {  	s23 =	simm.s32 $0xA800  }
0x3f: {  	[tilespmem:s23], [sflag:$0x2] =	stream.indirect_vreg.gather [hbm4b:s8+s5], $0x80, v2, vm0, $0xb8;
	v63 =	vld [tilespmem:$0x0]  }
0x40: {  	s26 =	simm.s32 $0xB000  }
0x41: {  	[tilespmem:s26], [sflag:$0x2] =	stream.indirect_vreg.gather [hbm4b:s9+s5], $0x80, v2, vm0, $0xb8;
	v63 =	vld [tilespmem:$0x0]  }
0x42: {  	s31 =	simm.s32 $0xB800  }
0x43: {  	[tilespmem:s31], [sflag:$0x2] =	stream.indirect_vreg.gather [hbm4b:s10+s5], $0x80, v2, vm0, $0xb8;
	v63 =	vld [tilespmem:$0x0]  }
0x44: {  	v2 =	vld.msk [tilespmem:$0x4080], $0xff;
	_ =	sdelay $0x4  }
0x45: {  	v3 =	vshll.u32 v2, $0x3  }
0x46: {  	v2 =	vand.u32 $0x7, v2;
	v3 =	vand.u32 $0xFFFFFFC0, v3  }
0x47: {  	v2 =	vor.u32 v2, v3  }
0x48: {  	v2 =	vperm.xlane v2, v0;
	_ =	sdelay $0x1  }
0x49: {  	v2 =	vadd.s32 v1, v2;
	_ =	sdelay $0x3  }
0x4a: {  	s2 =	simm.s32 $0x12000  }
0x4b: {  	[tilespmem:s2], [sflag:$0x6] =	stream.indirect_vreg.gather [hbm4b:s3+s5], $0x80, v2, vm0, $0xb8;
	v63 =	vld [tilespmem:$0x0]  }
0x4c: {  	s6 =	simm.s32 $0x12800  }
0x4d: {  	[tilespmem:s6], [sflag:$0x6] =	stream.indirect_vreg.gather [hbm4b:s11+s5], $0x80, v2, vm0, $0xb8;
	v63 =	vld [tilespmem:$0x0]  }
0x4e: {  	s7 =	simm.s32 $0x13000  }
0x4f: {  	[tilespmem:s7], [sflag:$0x6] =	stream.indirect_vreg.gather [hbm4b:s12+s5], $0x80, v2, vm0, $0xb8;
	v63 =	vld [tilespmem:$0x0]  }
0x50: {  	s15 =	simm.s32 $0x13800  }
0x51: {  	[tilespmem:s15], [sflag:$0x6] =	stream.indirect_vreg.gather [hbm4b:s13+s5], $0x80, v2, vm0, $0xb8;
	v63 =	vld [tilespmem:$0x0]  }
0x52: {  	v2 =	vld.msk [tilespmem:$0x100], $0xff;
	_ =	sdelay $0x4  }
0x53: {  	v3 =	vshll.u32 v2, $0x3  }
0x54: {  	v2 =	vand.u32 $0x7, v2;
	v3 =	vand.u32 $0xFFFFFFC0, v3  }
0x55: {  	v2 =	vor.u32 v2, v3  }
0x56: {  	v2 =	vperm.xlane v2, v0;
	_ =	sdelay $0x1  }
0x57: {  	v2 =	vadd.s32 v1, v2;
	_ =	sdelay $0x3  }
0x58: {  	s16 =	simm.s32 $0xC000  }
0x59: {  	[tilespmem:s16], [sflag:$0x3] =	stream.indirect_vreg.gather [hbm4b:s1+s5], $0x80, v2, vm0, $0xb8;
	v63 =	vld [tilespmem:$0x0]  }
0x5a: {  	s17 =	simm.s32 $0xC800  }
0x5b: {  	[tilespmem:s17], [sflag:$0x3] =	stream.indirect_vreg.gather [hbm4b:s8+s5], $0x80, v2, vm0, $0xb8;
	v63 =	vld [tilespmem:$0x0]  }
0x5c: {  	s20 =	simm.s32 $0xD000  }
0x5d: {  	[tilespmem:s20], [sflag:$0x3] =	stream.indirect_vreg.gather [hbm4b:s9+s5], $0x80, v2, vm0, $0xb8;
	v63 =	vld [tilespmem:$0x0]  }
0x5e: {  	s23 =	simm.s32 $0xD800  }
0x5f: {  	[tilespmem:s23], [sflag:$0x3] =	stream.indirect_vreg.gather [hbm4b:s10+s5], $0x80, v2, vm0, $0xb8;
	v63 =	vld [tilespmem:$0x0]  }
0x60: {  	v2 =	vld.msk [tilespmem:$0x4100], $0xff;
	_ =	sdelay $0x4  }
0x61: {  	v3 =	vshll.u32 v2, $0x3  }
0x62: {  	v2 =	vand.u32 $0x7, v2;
	v3 =	vand.u32 $0xFFFFFFC0, v3  }
0x63: {  	v2 =	vor.u32 v2, v3  }
0x64: {  	v2 =	vperm.xlane v2, v0;
	_ =	sdelay $0x1  }
0x65: {  	v2 =	vadd.s32 v1, v2;
	_ =	sdelay $0x3  }
0x66: {  	s26 =	simm.s32 $0x14000  }
0x67: {  	[tilespmem:s26], [sflag:$0x7] =	stream.indirect_vreg.gather [hbm4b:s3+s5], $0x80, v2, vm0, $0xb8;
	v63 =	vld [tilespmem:$0x0]  }
0x68: {  	s31 =	simm.s32 $0x14800  }
0x69: {  	[tilespmem:s31], [sflag:$0x7] =	stream.indirect_vreg.gather [hbm4b:s11+s5], $0x80, v2, vm0, $0xb8;
	v63 =	vld [tilespmem:$0x0]  }
0x6a: {  	s2 =	simm.s32 $0x15000  }
0x6b: {  	[tilespmem:s2], [sflag:$0x7] =	stream.indirect_vreg.gather [hbm4b:s12+s5], $0x80, v2, vm0, $0xb8;
	v63 =	vld [tilespmem:$0x0]  }
0x6c: {  	s6 =	simm.s32 $0x15800  }
0x6d: {  	[tilespmem:s6], [sflag:$0x7] =	stream.indirect_vreg.gather [hbm4b:s13+s5], $0x80, v2, vm0, $0xb8;
	v63 =	vld [tilespmem:$0x0]  }
0x6e: {  	v2 =	vld.msk [tilespmem:$0x180], $0xff;
	_ =	sdelay $0x4  }
0x6f: {  	v3 =	vshll.u32 v2, $0x3  }
0x70: {  	v2 =	vand.u32 $0x7, v2;
	v3 =	vand.u32 $0xFFFFFFC0, v3  }
0x71: {  	v2 =	vor.u32 v2, v3  }
0x72: {  	v2 =	vperm.xlane v2, v0;
	_ =	sdelay $0x1  }
0x73: {  	v2 =	vadd.s32 v1, v2;
	_ =	sdelay $0x3  }
0x74: {  	s7 =	simm.s32 $0xE000  }
0x75: {  	[tilespmem:s7], [sflag:$0x4] =	stream.indirect_vreg.gather [hbm4b:s1+s5], $0x80, v2, vm0, $0xb8;
	v63 =	vld [tilespmem:$0x0]  }
0x76: {  	s15 =	simm.s32 $0xE800  }
0x77: {  	[tilespmem:s15], [sflag:$0x4] =	stream.indirect_vreg.gather [hbm4b:s8+s5], $0x80, v2, vm0, $0xb8;
	v63 =	vld [tilespmem:$0x0]  }
0x78: {  	s16 =	simm.s32 $0xF000  }
0x79: {  	[tilespmem:s16], [sflag:$0x4] =	stream.indirect_vreg.gather [hbm4b:s9+s5], $0x80, v2, vm0, $0xb8;
	v63 =	vld [tilespmem:$0x0]  }
0x7a: {  	s17 =	simm.s32 $0xF800  }
0x7b: {  	[tilespmem:s17], [sflag:$0x4] =	stream.indirect_vreg.gather [hbm4b:s10+s5], $0x80, v2, vm0, $0xb8;
	v63 =	vld [tilespmem:$0x0]  }
0x7c: {  	v2 =	vld.msk [tilespmem:$0x4180], $0xff;
	_ =	sdelay $0x4  }
0x7d: {  	v3 =	vshll.u32 v2, $0x3  }
0x7e: {  	v2 =	vand.u32 $0x7, v2;
	v3 =	vand.u32 $0xFFFFFFC0, v3  }
0x7f: {  	v2 =	vor.u32 v2, v3  }
0x80: {  	v2 =	vperm.xlane v2, v0;
	_ =	sdelay $0x1  }
0x81: {  	v2 =	vadd.s32 v1, v2;
	_ =	sdelay $0x3  }
0x82: {  	s20 =	simm.s32 $0x16000  }
0x83: {  	[tilespmem:s20], [sflag:$0x8] =	stream.indirect_vreg.gather [hbm4b:s3+s5], $0x80, v2, vm0, $0xb8;
	v63 =	vld [tilespmem:$0x0]  }
0x84: {  	s23 =	simm.s32 $0x16800  }
0x85: {  	[tilespmem:s23], [sflag:$0x8] =	stream.indirect_vreg.gather [hbm4b:s11+s5], $0x80, v2, vm0, $0xb8;
	v63 =	vld [tilespmem:$0x0]  }
0x86: {  	s26 =	simm.s32 $0x17000  }
0x87: {  	[tilespmem:s26], [sflag:$0x8] =	stream.indirect_vreg.gather [hbm4b:s12+s5], $0x80, v2, vm0, $0xb8;
	v63 =	vld [tilespmem:$0x0]  }
0x88: {  	s31 =	simm.s32 $0x17800;
	s7 =	simm.s32 $0x0  }
0x89: {  	[tilespmem:s31], [sflag:$0x8] =	stream.indirect_vreg.gather [hbm4b:s13+s5], $0x80, v2, vm0, $0xb8;
	v63 =	vld [tilespmem:$0x0]  }
.LBB2_2:
0x8a: {  	_ =	swait.ge [sflag:s18], $0x2000  }
0x8b: {  	[sflag:s18] =	ssyncset.done $0x0  }
0x8c: {  	[sflag:s18] =	ssyncadd.s32 $0xFFFFE000  }
0x8d: {  	_ =	swait.ge [sflag:s19], $0x2000  }
0x8e: {  	p1 =	seq.s32 s7, $0x0;
	[sflag:s19] =	ssyncset.done $0x0  }
0x8f: {  	s2 =	simm.s32 @!p1 $0x9;
	[sflag:s19] =	ssyncadd.s32 $0xFFFFE000  }
0x90: {  	s0 =	simm.s32 $0x0;
	_ =	swait.ge @!p1 [sflag:s2], $0x2000  }
0x91: {  	s6 =	sand.u32 $0x1C00, s0;
	s15 =	sand.u32 $0x380, s0;
	[sflag:s2] =	ssyncset.done @!p1 $0x0  }
0x92: {  	s15 =	sor.u32 s15, s6;
	[sflag:s2] =	ssyncadd.s32 @!p1 $0xFFFFE000  }
0x93: {  	v4 =	vld [tilespmem:s15+$0x10060]  }
0x94: {  	v2 =	vld [tilespmem:s15+$0x10040]  }
0x95: {  	v3 =	vld [tilespmem:s15+$0x8030]  }
0x96: {  	v5 =	vld [tilespmem:s15+$0x8020]  }
0x97: {  	v6 =	vld [tilespmem:s15+$0x10020]  }
0x98: {  	s31 =	sshll.u32 s7, $0xF;
	v8 =	vld [tilespmem:s15+$0x10010]  }
0x99: {  	s17 =	simm.s32 $0x0;
	s16 =	simm.s32 $0x0;
	s2 =	sor.u32 s6, s0;
	v7 =	vld [tilespmem:s15+$0x10000]  }
.LBB2_3:
0x9a: {  	s17 =	sadd.s32 $0x8, s17;
	v9 =	vld [tilespmem:s15+$0x8010];
	s0 =	sadd.s32 $0x400, s0;
	s16 =	sadd.s32 $0x10, s16  }
0x9b: {  	p0 =	slt.u32 s17, $0x1F8;
	v10 =	vld [tilespmem:s15+$0x8000]  }
0x9c: {  	v11 =	vld [tilespmem:s15+$0x8060]  }
0x9d: {  	v12 =	vld [tilespmem:s15+$0x8040]  }
0x9e: {  	v13 =	vld [tilespmem:s15+$0x10030]  }
0x9f: {  	v8 =	vadd.f32 v8, v9;
	v9 =	vld [tilespmem:s15+$0x10050]  }
0xa0: {  	v5 =	vadd.f32 v6, v5;
	v7 =	vadd.f32 v7, v10;
	v6 =	vld [tilespmem:s15+$0x8050]  }
0xa1: {  	[tilespmem:s15+$0x18010] =	vst v8;
	v4 =	vadd.f32 v4, v11  }
0xa2: {  	[tilespmem:s15+$0x18020] =	vst v5;
	v2 =	vadd.f32 v2, v12  }
0xa3: {  	[tilespmem:s15+$0x18000] =	vst v7;
	v3 =	vadd.f32 v13, v3  }
0xa4: {  	[tilespmem:s15+$0x18060] =	vst v4  }
0xa5: {  	[tilespmem:s15+$0x18030] =	vst v3;
	v3 =	vadd.f32 v9, v6  }
0xa6: {  	[tilespmem:s15+$0x18040] =	vst v2  }
0xa7: {  	s23 =	sor.u32 $0x70, s2;
	s6 =	sand.u32 $0x1C00, s0;
	s20 =	sand.u32 $0x380, s16;
	[tilespmem:s15+$0x18050] =	vst v3  }
0xa8: {  	s2 =	sor.u32 s6, s16;
	s15 =	sor.u32 s20, s6;
	v2 =	vld [tilespmem:s23+$0x8000]  }
0xa9: {  	v3 =	vld [tilespmem:s23+$0x10000];
	_ =	sdelay $0x4  }
0xaa: {  	v2 =	vadd.f32 v3, v2;
	_ =	sdelay $0x1  }
0xab: {  	[tilespmem:s23+$0x18000] =	vst v2  }
0xac: {  	v4 =	vld [tilespmem:s15+$0x10060]  }
0xad: {  	v2 =	vld [tilespmem:s15+$0x10040]  }
.Ltmp0:
0xae: {  	v3 =	vld [tilespmem:s15+$0x8030];
	(pc) =	sbr.rel @p0 .LBB2_3-.Ltmp0, $4  }
0xaf: {  	v5 =	vld [tilespmem:s15+$0x8020]  }
0xb0: {  	v6 =	vld [tilespmem:s15+$0x10020]  }
0xb1: {  	v8 =	vld [tilespmem:s15+$0x10010]  }
0xb2: {  	v7 =	vld [tilespmem:s15+$0x10000]  }
0xb3: {  	v9 =	vld [tilespmem:s15+$0x8010]  }
0xb4: {  	v10 =	vld [tilespmem:s15+$0x8000]  }
0xb5: {  	v11 =	vld [tilespmem:s15+$0x8060]  }
0xb6: {  	v12 =	vld [tilespmem:s15+$0x8040]  }
0xb7: {  	v13 =	vld [tilespmem:s15+$0x10030]  }
0xb8: {  	v5 =	vadd.f32 v6, v5;
	v6 =	vld [tilespmem:s15+$0x8050]  }
0xb9: {  	v8 =	vadd.f32 v8, v9;
	v9 =	vld [tilespmem:s15+$0x10050]  }
0xba: {  	[tilespmem:s15+$0x18020] =	vst v5;
	v7 =	vadd.f32 v7, v10  }
0xbb: {  	v4 =	vadd.f32 v4, v11;
	[tilespmem:s15+$0x18010] =	vst v8  }
0xbc: {  	v3 =	vadd.f32 v13, v3;
	[tilespmem:s15+$0x18000] =	vst v7  }
0xbd: {  	v2 =	vadd.f32 v2, v12;
	[tilespmem:s15+$0x18060] =	vst v4  }
0xbe: {  	[tilespmem:s15+$0x18030] =	vst v3;
	v3 =	vadd.f32 v9, v6  }
0xbf: {  	[tilespmem:s15+$0x18040] =	vst v2  }
0xc0: {  	s0 =	sor.u32 $0x70, s2;
	[tilespmem:s15+$0x18050] =	vst v3  }
0xc1: {  	v2 =	vld [tilespmem:s0+$0x8000]  }
0xc2: {  	v3 =	vld [tilespmem:s0+$0x10000];
	_ =	sdelay $0x4  }
0xc3: {  	v2 =	vadd.f32 v3, v2  }
0xc4: {  	p0 =	seq.s32 s7, $0x1F  }
0xc5: {  	s15 =	sshll.u32 @!p0 s7, $0x9;
	[tilespmem:s0+$0x18000] =	vst v2  }
0xc6: {  	v2 =	vld.msk @!p0 [tilespmem:s15+$0x200], $0xff;
	_ =	sdelay $0x4  }
0xc7: {  	v3 =	vshll.u32 @!p0 v2, $0x3  }
0xc8: {  	v4 =	vlaneseq.u32 @!p0;
	v2 =	vand.u32 @!p0 $0x7, v2;
	v3 =	vand.u32 @!p0 $0xFFFFFFC0, v3  }
0xc9: {  	v2 =	vor.u32 @!p0 v2, v3;
	v3 =	vand.u32 @!p0 $0x7, v4;
	v4 =	vshrl.u32 @!p0 v4, $0x3  }
0xca: {  	v2 =	vperm.xlane @!p0 v2, v3;
	v4 =	vmul.u32 @!p0 $0x8, v4;
	_ =	sdelay $0x1  }
0xcb: {  	v2 =	vadd.s32 @!p0 v4, v2;
	_ =	sdelay $0x3  }
0xcc: {  	vm1 =	vmmov @!p0 $0xffff;
	s2 =	simm.s32 @!p0 $0x8000;
	s0 =	simm.s32 @!p0 $0x0  }
0xcd: {  	[tilespmem:s2], [sflag:$0x1] =	stream.indirect_vreg.gather @!p0 [hbm4b:s1+s0], $0x80, v2, vm1, $0xb8;
	v63 =	vld [tilespmem:$0x0]  }
0xce: {  	s2 =	simm.s32 @!p0 $0x8800  }
0xcf: {  	[tilespmem:s2], [sflag:$0x1] =	stream.indirect_vreg.gather @!p0 [hbm4b:s8+s0], $0x80, v2, vm1, $0xb8;
	v63 =	vld [tilespmem:$0x0]  }
0xd0: {  	s2 =	simm.s32 @!p0 $0x9000  }
0xd1: {  	[tilespmem:s2], [sflag:$0x1] =	stream.indirect_vreg.gather @!p0 [hbm4b:s9+s0], $0x80, v2, vm1, $0xb8;
	v63 =	vld [tilespmem:$0x0]  }
0xd2: {  	s2 =	simm.s32 @!p0 $0x9800  }
0xd3: {  	[tilespmem:s2], [sflag:$0x1] =	stream.indirect_vreg.gather @!p0 [hbm4b:s10+s0], $0x80, v2, vm1, $0xb8;
	v63 =	vld [tilespmem:$0x0]  }
0xd4: {  	v2 =	vld.msk @!p0 [tilespmem:s15+$0x4200], $0xff;
	_ =	sdelay $0x4  }
0xd5: {  	v5 =	vshll.u32 @!p0 v2, $0x3  }
0xd6: {  	v2 =	vand.u32 @!p0 $0x7, v2;
	v5 =	vand.u32 @!p0 $0xFFFFFFC0, v5  }
0xd7: {  	v2 =	vor.u32 @!p0 v2, v5  }
0xd8: {  	v2 =	vperm.xlane @!p0 v2, v3;
	_ =	sdelay $0x1  }
0xd9: {  	v2 =	vadd.s32 @!p0 v4, v2;
	_ =	sdelay $0x3  }
0xda: {  	s2 =	simm.s32 @!p0 $0x10000  }
0xdb: {  	[tilespmem:s2], [sflag:$0x5] =	stream.indirect_vreg.gather @!p0 [hbm4b:s3+s0], $0x80, v2, vm1, $0xb8;
	v63 =	vld [tilespmem:$0x0]  }
0xdc: {  	s2 =	simm.s32 @!p0 $0x10800  }
0xdd: {  	[tilespmem:s2], [sflag:$0x5] =	stream.indirect_vreg.gather @!p0 [hbm4b:s11+s0], $0x80, v2, vm1, $0xb8;
	v63 =	vld [tilespmem:$0x0]  }
0xde: {  	s20 =	sor.u32 s14, s31;
	s2 =	simm.s32 @!p0 $0x11000  }
0xdf: {  	[tilespmem:s2], [sflag:$0x5] =	stream.indirect_vreg.gather @!p0 [hbm4b:s12+s0], $0x80, v2, vm1, $0xb8;
	v63 =	vld [tilespmem:$0x0]  }
0xe0: {  	s31 =	sshrl.u32 s20, $0x3;
	s2 =	simm.s32 @!p0 $0x11800  }
0xe1: {  	[tilespmem:s2], [sflag:$0x5] =	stream.indirect_vreg.gather @!p0 [hbm4b:s13+s0], $0x80, v2, vm1, $0xb8;
	v63 =	vld [tilespmem:$0x0]  }
0xe2: {  	s23 =	simm.s32 $0x18000;
	s0 =	sadd.s32 s4, s31  }
0xe3: {  	[hbm4b:s0+s5] =	stream.linear.scatter [tilespmem:s23], [sflag:$0x9], $0x2000, $0x38;
	v63 =	vld [tilespmem:$0x0]  }
0xe4: {  	_ =	swait.ge [sflag:s21], $0x2000  }
0xe5: {  	[sflag:s21] =	ssyncset.done $0x0  }
0xe6: {  	[sflag:s21] =	ssyncadd.s32 $0xFFFFE000  }
0xe7: {  	_ =	swait.ge [sflag:s22], $0x2000  }
0xe8: {  	[sflag:s22] =	ssyncset.done $0x0  }
0xe9: {  	s0 =	simm.s32 @!p1 $0xA;
	[sflag:s22] =	ssyncadd.s32 $0xFFFFE000  }
0xea: {  	s17 =	simm.s32 $0x0;
	_ =	swait.ge @!p1 [sflag:s0], $0x2000  }
0xeb: {  	s6 =	sand.u32 $0x1C00, s17;
	s26 =	sand.u32 $0x380, s17;
	[sflag:s0] =	ssyncset.done @!p1 $0x0  }
0xec: {  	s2 =	sor.u32 s26, s6;
	[sflag:s0] =	ssyncadd.s32 @!p1 $0xFFFFE000  }
0xed: {  	v4 =	vld [tilespmem:s2+$0x12060]  }
0xee: {  	v2 =	vld [tilespmem:s2+$0x12040]  }
0xef: {  	v3 =	vld [tilespmem:s2+$0xA030]  }
0xf0: {  	v5 =	vld [tilespmem:s2+$0xA020]  }
0xf1: {  	v6 =	vld [tilespmem:s2+$0x12020]  }
0xf2: {  	v8 =	vld [tilespmem:s2+$0x12010]  }
0xf3: {  	s16 =	simm.s32 $0x0;
	s0 =	sor.u32 s6, s17;
	s6 =	simm.s32 $0x0;
	v7 =	vld [tilespmem:s2+$0x12000]  }
.LBB2_5:
0xf4: {  	s16 =	sadd.s32 $0x8, s16;
	v9 =	vld [tilespmem:s2+$0xA010];
	s17 =	sadd.s32 $0x400, s17;
	s6 =	sadd.s32 $0x10, s6  }
0xf5: {  	p2 =	slt.u32 s16, $0x1F8;
	v10 =	vld [tilespmem:s2+$0xA000]  }
0xf6: {  	v11 =	vld [tilespmem:s2+$0xA060]  }
0xf7: {  	v12 =	vld [tilespmem:s2+$0xA040]  }
0xf8: {  	v13 =	vld [tilespmem:s2+$0x12030]  }
0xf9: {  	v8 =	vadd.f32 v8, v9;
	v9 =	vld [tilespmem:s2+$0x12050]  }
0xfa: {  	v5 =	vadd.f32 v6, v5;
	v7 =	vadd.f32 v7, v10;
	v6 =	vld [tilespmem:s2+$0xA050]  }
0xfb: {  	[tilespmem:s2+$0x1A010] =	vst v8;
	v4 =	vadd.f32 v4, v11  }
0xfc: {  	[tilespmem:s2+$0x1A020] =	vst v5;
	v2 =	vadd.f32 v2, v12  }
0xfd: {  	[tilespmem:s2+$0x1A000] =	vst v7;
	v3 =	vadd.f32 v13, v3  }
0xfe: {  	[tilespmem:s2+$0x1A060] =	vst v4  }
0xff: {  	[tilespmem:s2+$0x1A030] =	vst v3;
	v3 =	vadd.f32 v9, v6  }
0x100: {  	[tilespmem:s2+$0x1A040] =	vst v2  }
0x101: {  	s26 =	sor.u32 $0x2070, s0;
	s20 =	sand.u32 $0x1C00, s17;
	s23 =	sand.u32 $0x380, s6;
	[tilespmem:s2+$0x1A050] =	vst v3  }
0x102: {  	s0 =	sor.u32 s20, s6;
	s2 =	sor.u32 s23, s20;
	v2 =	vld [tilespmem:s26+$0x8000]  }
0x103: {  	v3 =	vld [tilespmem:s26+$0x10000];
	_ =	sdelay $0x4  }
0x104: {  	v2 =	vadd.f32 v3, v2;
	_ =	sdelay $0x1  }
0x105: {  	[tilespmem:s26+$0x18000] =	vst v2  }
0x106: {  	v4 =	vld [tilespmem:s2+$0x12060]  }
0x107: {  	v2 =	vld [tilespmem:s2+$0x12040]  }
.Ltmp1:
0x108: {  	v3 =	vld [tilespmem:s2+$0xA030];
	(pc) =	sbr.rel @p2 .LBB2_5-.Ltmp1, $4  }
0x109: {  	v5 =	vld [tilespmem:s2+$0xA020]  }
0x10a: {  	v6 =	vld [tilespmem:s2+$0x12020]  }
0x10b: {  	v8 =	vld [tilespmem:s2+$0x12010]  }
0x10c: {  	v7 =	vld [tilespmem:s2+$0x12000]  }
0x10d: {  	v9 =	vld [tilespmem:s2+$0xA010]  }
0x10e: {  	v10 =	vld [tilespmem:s2+$0xA000]  }
0x10f: {  	v11 =	vld [tilespmem:s2+$0xA060]  }
0x110: {  	v12 =	vld [tilespmem:s2+$0xA040]  }
0x111: {  	v13 =	vld [tilespmem:s2+$0x12030]  }
0x112: {  	v5 =	vadd.f32 v6, v5;
	v6 =	vld [tilespmem:s2+$0xA050]  }
0x113: {  	v8 =	vadd.f32 v8, v9;
	v9 =	vld [tilespmem:s2+$0x12050]  }
0x114: {  	[tilespmem:s2+$0x1A020] =	vst v5;
	v7 =	vadd.f32 v7, v10  }
0x115: {  	v4 =	vadd.f32 v4, v11;
	[tilespmem:s2+$0x1A010] =	vst v8  }
0x116: {  	v3 =	vadd.f32 v13, v3;
	[tilespmem:s2+$0x1A000] =	vst v7  }
0x117: {  	v2 =	vadd.f32 v2, v12;
	[tilespmem:s2+$0x1A060] =	vst v4  }
0x118: {  	[tilespmem:s2+$0x1A030] =	vst v3;
	v3 =	vadd.f32 v9, v6  }
0x119: {  	[tilespmem:s2+$0x1A040] =	vst v2  }
0x11a: {  	s0 =	sor.u32 $0x2070, s0;
	[tilespmem:s2+$0x1A050] =	vst v3  }
0x11b: {  	v2 =	vld [tilespmem:s0+$0x8000]  }
0x11c: {  	v3 =	vld [tilespmem:s0+$0x10000];
	_ =	sdelay $0x4  }
0x11d: {  	v2 =	vadd.f32 v3, v2;
	_ =	sdelay $0x1  }
0x11e: {  	[tilespmem:s0+$0x18000] =	vst v2  }
0x11f: {  	v2 =	vld.msk @!p0 [tilespmem:s15+$0x280], $0xff;
	_ =	sdelay $0x4  }
0x120: {  	v3 =	vshll.u32 @!p0 v2, $0x3  }
0x121: {  	v4 =	vlaneseq.u32 @!p0;
	v2 =	vand.u32 @!p0 $0x7, v2;
	v3 =	vand.u32 @!p0 $0xFFFFFFC0, v3  }
0x122: {  	v2 =	vor.u32 @!p0 v2, v3;
	v3 =	vand.u32 @!p0 $0x7, v4;
	v4 =	vshrl.u32 @!p0 v4, $0x3  }
0x123: {  	v2 =	vperm.xlane @!p0 v2, v3;
	v4 =	vmul.u32 @!p0 $0x8, v4;
	_ =	sdelay $0x1  }
0x124: {  	v2 =	vadd.s32 @!p0 v4, v2;
	_ =	sdelay $0x3  }
0x125: {  	s2 =	simm.s32 @!p0 $0xA000;
	s0 =	simm.s32 @!p0 $0x0  }
0x126: {  	[tilespmem:s2], [sflag:$0x2] =	stream.indirect_vreg.gather @!p0 [hbm4b:s1+s0], $0x80, v2, vm1, $0xb8;
	v63 =	vld [tilespmem:$0x0]  }
0x127: {  	s2 =	simm.s32 @!p0 $0xA800  }
0x128: {  	[tilespmem:s2], [sflag:$0x2] =	stream.indirect_vreg.gather @!p0 [hbm4b:s8+s0], $0x80, v2, vm1, $0xb8;
	v63 =	vld [tilespmem:$0x0]  }
0x129: {  	s2 =	simm.s32 @!p0 $0xB000  }
0x12a: {  	[tilespmem:s2], [sflag:$0x2] =	stream.indirect_vreg.gather @!p0 [hbm4b:s9+s0], $0x80, v2, vm1, $0xb8;
	v63 =	vld [tilespmem:$0x0]  }
0x12b: {  	s2 =	simm.s32 @!p0 $0xB800  }
0x12c: {  	[tilespmem:s2], [sflag:$0x2] =	stream.indirect_vreg.gather @!p0 [hbm4b:s10+s0], $0x80, v2, vm1, $0xb8;
	v63 =	vld [tilespmem:$0x0]  }
0x12d: {  	v2 =	vld.msk @!p0 [tilespmem:s15+$0x4280], $0xff;
	_ =	sdelay $0x4  }
0x12e: {  	v5 =	vshll.u32 @!p0 v2, $0x3  }
0x12f: {  	v2 =	vand.u32 @!p0 $0x7, v2;
	v5 =	vand.u32 @!p0 $0xFFFFFFC0, v5  }
0x130: {  	v2 =	vor.u32 @!p0 v2, v5  }
0x131: {  	v2 =	vperm.xlane @!p0 v2, v3;
	_ =	sdelay $0x1  }
0x132: {  	v2 =	vadd.s32 @!p0 v4, v2;
	_ =	sdelay $0x3  }
0x133: {  	s2 =	simm.s32 @!p0 $0x12000  }
0x134: {  	[tilespmem:s2], [sflag:$0x6] =	stream.indirect_vreg.gather @!p0 [hbm4b:s3+s0], $0x80, v2, vm1, $0xb8;
	v63 =	vld [tilespmem:$0x0]  }
0x135: {  	s2 =	simm.s32 @!p0 $0x12800  }
0x136: {  	[tilespmem:s2], [sflag:$0x6] =	stream.indirect_vreg.gather @!p0 [hbm4b:s11+s0], $0x80, v2, vm1, $0xb8;
	v63 =	vld [tilespmem:$0x0]  }
0x137: {  	s2 =	simm.s32 @!p0 $0x13000  }
0x138: {  	[tilespmem:s2], [sflag:$0x6] =	stream.indirect_vreg.gather @!p0 [hbm4b:s12+s0], $0x80, v2, vm1, $0xb8;
	v63 =	vld [tilespmem:$0x0]  }
0x139: {  	s31 =	sadd.s32 s31, s4;
	s2 =	simm.s32 @!p0 $0x13800  }
0x13a: {  	[tilespmem:s2], [sflag:$0x6] =	stream.indirect_vreg.gather @!p0 [hbm4b:s13+s0], $0x80, v2, vm1, $0xb8;
	v63 =	vld [tilespmem:$0x0]  }
0x13b: {  	s23 =	simm.s32 $0x1A000;
	s20 =	sadd.s32 $0x400, s31  }
0x13c: {  	[hbm4b:s20+s5] =	stream.linear.scatter [tilespmem:s23], [sflag:$0xA], $0x2000, $0x38;
	v63 =	vld [tilespmem:$0x0]  }
0x13d: {  	_ =	swait.ge [sflag:s24], $0x2000  }
0x13e: {  	[sflag:s24] =	ssyncset.done $0x0  }
0x13f: {  	[sflag:s24] =	ssyncadd.s32 $0xFFFFE000  }
0x140: {  	_ =	swait.ge [sflag:s25], $0x2000  }
0x141: {  	[sflag:s25] =	ssyncset.done $0x0  }
0x142: {  	s0 =	simm.s32 @!p1 $0xB;
	[sflag:s25] =	ssyncadd.s32 $0xFFFFE000  }
0x143: {  	s17 =	simm.s32 $0x0;
	_ =	swait.ge @!p1 [sflag:s0], $0x2000  }
0x144: {  	s6 =	sand.u32 $0x1C00, s17;
	s26 =	sand.u32 $0x380, s17;
	[sflag:s0] =	ssyncset.done @!p1 $0x0  }
0x145: {  	s2 =	sor.u32 s26, s6;
	[sflag:s0] =	ssyncadd.s32 @!p1 $0xFFFFE000  }
0x146: {  	v4 =	vld [tilespmem:s2+$0x14060]  }
0x147: {  	v2 =	vld [tilespmem:s2+$0x14040]  }
0x148: {  	v3 =	vld [tilespmem:s2+$0xC030]  }
0x149: {  	v5 =	vld [tilespmem:s2+$0xC020]  }
0x14a: {  	v6 =	vld [tilespmem:s2+$0x14020]  }
0x14b: {  	v8 =	vld [tilespmem:s2+$0x14010]  }
0x14c: {  	s16 =	simm.s32 $0x0;
	s0 =	sor.u32 s6, s17;
	s6 =	simm.s32 $0x0;
	v7 =	vld [tilespmem:s2+$0x14000]  }
.LBB2_7:
0x14d: {  	s16 =	sadd.s32 $0x8, s16;
	v9 =	vld [tilespmem:s2+$0xC010];
	s17 =	sadd.s32 $0x400, s17;
	s6 =	sadd.s32 $0x10, s6  }
0x14e: {  	p2 =	slt.u32 s16, $0x1F8;
	v10 =	vld [tilespmem:s2+$0xC000]  }
0x14f: {  	v11 =	vld [tilespmem:s2+$0xC060]  }
0x150: {  	v12 =	vld [tilespmem:s2+$0xC040]  }
0x151: {  	v13 =	vld [tilespmem:s2+$0x14030]  }
0x152: {  	v8 =	vadd.f32 v8, v9;
	v9 =	vld [tilespmem:s2+$0x14050]  }
0x153: {  	v5 =	vadd.f32 v6, v5;
	v7 =	vadd.f32 v7, v10;
	v6 =	vld [tilespmem:s2+$0xC050]  }
0x154: {  	[tilespmem:s2+$0x1C010] =	vst v8;
	v4 =	vadd.f32 v4, v11  }
0x155: {  	[tilespmem:s2+$0x1C020] =	vst v5;
	v2 =	vadd.f32 v2, v12  }
0x156: {  	[tilespmem:s2+$0x1C000] =	vst v7;
	v3 =	vadd.f32 v13, v3  }
0x157: {  	[tilespmem:s2+$0x1C060] =	vst v4  }
0x158: {  	[tilespmem:s2+$0x1C030] =	vst v3;
	v3 =	vadd.f32 v9, v6  }
0x159: {  	[tilespmem:s2+$0x1C040] =	vst v2  }
0x15a: {  	s26 =	sor.u32 $0x4070, s0;
	s20 =	sand.u32 $0x1C00, s17;
	s23 =	sand.u32 $0x380, s6;
	[tilespmem:s2+$0x1C050] =	vst v3  }
0x15b: {  	s0 =	sor.u32 s20, s6;
	s2 =	sor.u32 s23, s20;
	v2 =	vld [tilespmem:s26+$0x8000]  }
0x15c: {  	v3 =	vld [tilespmem:s26+$0x10000];
	_ =	sdelay $0x4  }
0x15d: {  	v2 =	vadd.f32 v3, v2;
	_ =	sdelay $0x1  }
0x15e: {  	[tilespmem:s26+$0x18000] =	vst v2  }
0x15f: {  	v4 =	vld [tilespmem:s2+$0x14060]  }
0x160: {  	v2 =	vld [tilespmem:s2+$0x14040]  }
.Ltmp2:
0x161: {  	v3 =	vld [tilespmem:s2+$0xC030];
	(pc) =	sbr.rel @p2 .LBB2_7-.Ltmp2, $4  }
0x162: {  	v5 =	vld [tilespmem:s2+$0xC020]  }
0x163: {  	v6 =	vld [tilespmem:s2+$0x14020]  }
0x164: {  	v8 =	vld [tilespmem:s2+$0x14010]  }
0x165: {  	v7 =	vld [tilespmem:s2+$0x14000]  }
0x166: {  	v9 =	vld [tilespmem:s2+$0xC010]  }
0x167: {  	v10 =	vld [tilespmem:s2+$0xC000]  }
0x168: {  	v11 =	vld [tilespmem:s2+$0xC060]  }
0x169: {  	v12 =	vld [tilespmem:s2+$0xC040]  }
0x16a: {  	v13 =	vld [tilespmem:s2+$0x14030]  }
0x16b: {  	v5 =	vadd.f32 v6, v5;
	v6 =	vld [tilespmem:s2+$0xC050]  }
0x16c: {  	v8 =	vadd.f32 v8, v9;
	v9 =	vld [tilespmem:s2+$0x14050]  }
0x16d: {  	[tilespmem:s2+$0x1C020] =	vst v5;
	v7 =	vadd.f32 v7, v10  }
0x16e: {  	v4 =	vadd.f32 v4, v11;
	[tilespmem:s2+$0x1C010] =	vst v8  }
0x16f: {  	v3 =	vadd.f32 v13, v3;
	[tilespmem:s2+$0x1C000] =	vst v7  }
0x170: {  	v2 =	vadd.f32 v2, v12;
	[tilespmem:s2+$0x1C060] =	vst v4  }
0x171: {  	[tilespmem:s2+$0x1C030] =	vst v3;
	v3 =	vadd.f32 v9, v6  }
0x172: {  	[tilespmem:s2+$0x1C040] =	vst v2  }
0x173: {  	s0 =	sor.u32 $0x4070, s0;
	[tilespmem:s2+$0x1C050] =	vst v3  }
0x174: {  	v2 =	vld [tilespmem:s0+$0x8000]  }
0x175: {  	v3 =	vld [tilespmem:s0+$0x10000];
	_ =	sdelay $0x4  }
0x176: {  	v2 =	vadd.f32 v3, v2;
	_ =	sdelay $0x1  }
0x177: {  	[tilespmem:s0+$0x18000] =	vst v2  }
0x178: {  	v2 =	vld.msk @!p0 [tilespmem:s15+$0x300], $0xff;
	_ =	sdelay $0x4  }
0x179: {  	v3 =	vshll.u32 @!p0 v2, $0x3  }
0x17a: {  	v4 =	vlaneseq.u32 @!p0;
	v2 =	vand.u32 @!p0 $0x7, v2;
	v3 =	vand.u32 @!p0 $0xFFFFFFC0, v3  }
0x17b: {  	v2 =	vor.u32 @!p0 v2, v3;
	v3 =	vand.u32 @!p0 $0x7, v4;
	v4 =	vshrl.u32 @!p0 v4, $0x3  }
0x17c: {  	v2 =	vperm.xlane @!p0 v2, v3;
	v4 =	vmul.u32 @!p0 $0x8, v4;
	_ =	sdelay $0x1  }
0x17d: {  	v2 =	vadd.s32 @!p0 v4, v2;
	_ =	sdelay $0x3  }
0x17e: {  	s2 =	simm.s32 @!p0 $0xC000;
	s0 =	simm.s32 @!p0 $0x0  }
0x17f: {  	[tilespmem:s2], [sflag:$0x3] =	stream.indirect_vreg.gather @!p0 [hbm4b:s1+s0], $0x80, v2, vm1, $0xb8;
	v63 =	vld [tilespmem:$0x0]  }
0x180: {  	s2 =	simm.s32 @!p0 $0xC800  }
0x181: {  	[tilespmem:s2], [sflag:$0x3] =	stream.indirect_vreg.gather @!p0 [hbm4b:s8+s0], $0x80, v2, vm1, $0xb8;
	v63 =	vld [tilespmem:$0x0]  }
0x182: {  	s2 =	simm.s32 @!p0 $0xD000  }
0x183: {  	[tilespmem:s2], [sflag:$0x3] =	stream.indirect_vreg.gather @!p0 [hbm4b:s9+s0], $0x80, v2, vm1, $0xb8;
	v63 =	vld [tilespmem:$0x0]  }
0x184: {  	s2 =	simm.s32 @!p0 $0xD800  }
0x185: {  	[tilespmem:s2], [sflag:$0x3] =	stream.indirect_vreg.gather @!p0 [hbm4b:s10+s0], $0x80, v2, vm1, $0xb8;
	v63 =	vld [tilespmem:$0x0]  }
0x186: {  	v2 =	vld.msk @!p0 [tilespmem:s15+$0x4300], $0xff;
	_ =	sdelay $0x4  }
0x187: {  	v5 =	vshll.u32 @!p0 v2, $0x3  }
0x188: {  	v2 =	vand.u32 @!p0 $0x7, v2;
	v5 =	vand.u32 @!p0 $0xFFFFFFC0, v5  }
0x189: {  	v2 =	vor.u32 @!p0 v2, v5  }
0x18a: {  	v2 =	vperm.xlane @!p0 v2, v3;
	_ =	sdelay $0x1  }
0x18b: {  	v2 =	vadd.s32 @!p0 v4, v2;
	_ =	sdelay $0x3  }
0x18c: {  	s2 =	simm.s32 @!p0 $0x14000  }
0x18d: {  	[tilespmem:s2], [sflag:$0x7] =	stream.indirect_vreg.gather @!p0 [hbm4b:s3+s0], $0x80, v2, vm1, $0xb8;
	v63 =	vld [tilespmem:$0x0]  }
0x18e: {  	s2 =	simm.s32 @!p0 $0x14800  }
0x18f: {  	[tilespmem:s2], [sflag:$0x7] =	stream.indirect_vreg.gather @!p0 [hbm4b:s11+s0], $0x80, v2, vm1, $0xb8;
	v63 =	vld [tilespmem:$0x0]  }
0x190: {  	s2 =	simm.s32 @!p0 $0x15000  }
0x191: {  	[tilespmem:s2], [sflag:$0x7] =	stream.indirect_vreg.gather @!p0 [hbm4b:s12+s0], $0x80, v2, vm1, $0xb8;
	v63 =	vld [tilespmem:$0x0]  }
0x192: {  	s2 =	simm.s32 @!p0 $0x15800  }
0x193: {  	[tilespmem:s2], [sflag:$0x7] =	stream.indirect_vreg.gather @!p0 [hbm4b:s13+s0], $0x80, v2, vm1, $0xb8;
	v63 =	vld [tilespmem:$0x0]  }
0x194: {  	s20 =	sadd.s32 $0x800, s31;
	s23 =	simm.s32 $0x1C000  }
0x195: {  	[hbm4b:s20+s5] =	stream.linear.scatter [tilespmem:s23], [sflag:$0xB], $0x2000, $0x38;
	v63 =	vld [tilespmem:$0x0]  }
0x196: {  	_ =	swait.ge [sflag:s28], $0x2000  }
0x197: {  	[sflag:s28] =	ssyncset.done $0x0  }
0x198: {  	[sflag:s28] =	ssyncadd.s32 $0xFFFFE000  }
0x199: {  	_ =	swait.ge [sflag:s29], $0x2000  }
0x19a: {  	[sflag:s29] =	ssyncset.done $0x0  }
0x19b: {  	s0 =	simm.s32 @!p1 $0xC;
	[sflag:s29] =	ssyncadd.s32 $0xFFFFE000  }
0x19c: {  	s17 =	simm.s32 $0x0;
	_ =	swait.ge @!p1 [sflag:s0], $0x2000  }
0x19d: {  	s6 =	sand.u32 $0x1C00, s17;
	s26 =	sand.u32 $0x380, s17;
	[sflag:s0] =	ssyncset.done @!p1 $0x0  }
0x19e: {  	s2 =	sor.u32 s26, s6;
	[sflag:s0] =	ssyncadd.s32 @!p1 $0xFFFFE000  }
0x19f: {  	v4 =	vld [tilespmem:s2+$0x16060]  }
0x1a0: {  	v2 =	vld [tilespmem:s2+$0x16040]  }
0x1a1: {  	v3 =	vld [tilespmem:s2+$0xE030]  }
0x1a2: {  	v5 =	vld [tilespmem:s2+$0xE020]  }
0x1a3: {  	v6 =	vld [tilespmem:s2+$0x16020]  }
0x1a4: {  	v8 =	vld [tilespmem:s2+$0x16010]  }
0x1a5: {  	s16 =	simm.s32 $0x0;
	s0 =	sor.u32 s6, s17;
	s6 =	simm.s32 $0x0;
	v7 =	vld [tilespmem:s2+$0x16000]  }
.LBB2_9:
0x1a6: {  	s16 =	sadd.s32 $0x8, s16;
	v9 =	vld [tilespmem:s2+$0xE010];
	s17 =	sadd.s32 $0x400, s17;
	s6 =	sadd.s32 $0x10, s6  }
0x1a7: {  	p1 =	slt.u32 s16, $0x1F8;
	v10 =	vld [tilespmem:s2+$0xE000]  }
0x1a8: {  	v11 =	vld [tilespmem:s2+$0xE060]  }
0x1a9: {  	v12 =	vld [tilespmem:s2+$0xE040]  }
0x1aa: {  	v13 =	vld [tilespmem:s2+$0x16030]  }
0x1ab: {  	v8 =	vadd.f32 v8, v9;
	v9 =	vld [tilespmem:s2+$0x16050]  }
0x1ac: {  	v5 =	vadd.f32 v6, v5;
	v7 =	vadd.f32 v7, v10;
	v6 =	vld [tilespmem:s2+$0xE050]  }
0x1ad: {  	[tilespmem:s2+$0x1E010] =	vst v8;
	v4 =	vadd.f32 v4, v11  }
0x1ae: {  	[tilespmem:s2+$0x1E020] =	vst v5;
	v2 =	vadd.f32 v2, v12  }
0x1af: {  	[tilespmem:s2+$0x1E000] =	vst v7;
	v3 =	vadd.f32 v13, v3  }
0x1b0: {  	[tilespmem:s2+$0x1E060] =	vst v4  }
0x1b1: {  	[tilespmem:s2+$0x1E030] =	vst v3;
	v3 =	vadd.f32 v9, v6  }
0x1b2: {  	[tilespmem:s2+$0x1E040] =	vst v2  }
0x1b3: {  	s26 =	sor.u32 $0x6070, s0;
	s20 =	sand.u32 $0x1C00, s17;
	s23 =	sand.u32 $0x380, s6;
	[tilespmem:s2+$0x1E050] =	vst v3  }
0x1b4: {  	s0 =	sor.u32 s20, s6;
	s2 =	sor.u32 s23, s20;
	v2 =	vld [tilespmem:s26+$0x8000]  }
0x1b5: {  	v3 =	vld [tilespmem:s26+$0x10000];
	_ =	sdelay $0x4  }
0x1b6: {  	v2 =	vadd.f32 v3, v2;
	_ =	sdelay $0x1  }
0x1b7: {  	[tilespmem:s26+$0x18000] =	vst v2  }
0x1b8: {  	v4 =	vld [tilespmem:s2+$0x16060]  }
0x1b9: {  	v2 =	vld [tilespmem:s2+$0x16040]  }
.Ltmp3:
0x1ba: {  	v3 =	vld [tilespmem:s2+$0xE030];
	(pc) =	sbr.rel @p1 .LBB2_9-.Ltmp3, $4  }
0x1bb: {  	v5 =	vld [tilespmem:s2+$0xE020]  }
0x1bc: {  	v6 =	vld [tilespmem:s2+$0x16020]  }
0x1bd: {  	v8 =	vld [tilespmem:s2+$0x16010]  }
0x1be: {  	v7 =	vld [tilespmem:s2+$0x16000]  }
0x1bf: {  	v9 =	vld [tilespmem:s2+$0xE010]  }
0x1c0: {  	v10 =	vld [tilespmem:s2+$0xE000]  }
0x1c1: {  	v11 =	vld [tilespmem:s2+$0xE060]  }
0x1c2: {  	v12 =	vld [tilespmem:s2+$0xE040]  }
0x1c3: {  	v13 =	vld [tilespmem:s2+$0x16030]  }
0x1c4: {  	v61 =	vld [tilespmem:s2+$0x16050];
	v5 =	vadd.f32 v6, v5  }
0x1c5: {  	v62 =	vld [tilespmem:s2+$0xE050];
	v8 =	vadd.f32 v8, v9  }
0x1c6: {  	[tilespmem:s2+$0x1E020] =	vst v5;
	v7 =	vadd.f32 v7, v10  }
0x1c7: {  	v4 =	vadd.f32 v4, v11;
	[tilespmem:s2+$0x1E010] =	vst v8  }
0x1c8: {  	v3 =	vadd.f32 v13, v3;
	[tilespmem:s2+$0x1E000] =	vst v7  }
0x1c9: {  	v2 =	vadd.f32 v2, v12;
	[tilespmem:s2+$0x1E060] =	vst v4  }
0x1ca: {  	[tilespmem:s2+$0x1E030] =	vst v3;
	v3 =	vadd.f32 v61, v62  }
0x1cb: {  	[tilespmem:s2+$0x1E040] =	vst v2  }
0x1cc: {  	s0 =	sor.u32 $0x6070, s0;
	[tilespmem:s2+$0x1E050] =	vst v3  }
0x1cd: {  	v2 =	vld [tilespmem:s0+$0x8000]  }
0x1ce: {  	v3 =	vld [tilespmem:s0+$0x10000];
	_ =	sdelay $0x4  }
0x1cf: {  	v2 =	vadd.f32 v3, v2;
	_ =	sdelay $0x1  }
0x1d0: {  	[tilespmem:s0+$0x18000] =	vst v2  }
0x1d1: {  	v2 =	vld.msk @!p0 [tilespmem:s15+$0x380], $0xff;
	_ =	sdelay $0x4  }
0x1d2: {  	v3 =	vshll.u32 @!p0 v2, $0x3  }
0x1d3: {  	v4 =	vlaneseq.u32 @!p0;
	v2 =	vand.u32 @!p0 $0x7, v2;
	v3 =	vand.u32 @!p0 $0xFFFFFFC0, v3  }
0x1d4: {  	v2 =	vor.u32 @!p0 v2, v3;
	v3 =	vand.u32 @!p0 $0x7, v4;
	v4 =	vshrl.u32 @!p0 v4, $0x3  }
0x1d5: {  	v2 =	vperm.xlane @!p0 v2, v3;
	v4 =	vmul.u32 @!p0 $0x8, v4;
	_ =	sdelay $0x1  }
0x1d6: {  	v2 =	vadd.s32 @!p0 v4, v2;
	_ =	sdelay $0x3  }
0x1d7: {  	s2 =	simm.s32 @!p0 $0xE000;
	s0 =	simm.s32 @!p0 $0x0  }
0x1d8: {  	[tilespmem:s2], [sflag:$0x4] =	stream.indirect_vreg.gather @!p0 [hbm4b:s1+s0], $0x80, v2, vm1, $0xb8;
	v63 =	vld [tilespmem:$0x0]  }
0x1d9: {  	s2 =	simm.s32 @!p0 $0xE800  }
0x1da: {  	[tilespmem:s2], [sflag:$0x4] =	stream.indirect_vreg.gather @!p0 [hbm4b:s8+s0], $0x80, v2, vm1, $0xb8;
	v63 =	vld [tilespmem:$0x0]  }
0x1db: {  	s2 =	simm.s32 @!p0 $0xF000  }
0x1dc: {  	[tilespmem:s2], [sflag:$0x4] =	stream.indirect_vreg.gather @!p0 [hbm4b:s9+s0], $0x80, v2, vm1, $0xb8;
	v63 =	vld [tilespmem:$0x0]  }
0x1dd: {  	s2 =	simm.s32 @!p0 $0xF800  }
0x1de: {  	[tilespmem:s2], [sflag:$0x4] =	stream.indirect_vreg.gather @!p0 [hbm4b:s10+s0], $0x80, v2, vm1, $0xb8;
	v63 =	vld [tilespmem:$0x0]  }
0x1df: {  	v2 =	vld.msk @!p0 [tilespmem:s15+$0x4380], $0xff;
	_ =	sdelay $0x4  }
0x1e0: {  	v5 =	vshll.u32 @!p0 v2, $0x3  }
0x1e1: {  	v2 =	vand.u32 @!p0 $0x7, v2;
	v5 =	vand.u32 @!p0 $0xFFFFFFC0, v5  }
0x1e2: {  	v2 =	vor.u32 @!p0 v2, v5  }
0x1e3: {  	v2 =	vperm.xlane @!p0 v2, v3;
	_ =	sdelay $0x1  }
0x1e4: {  	v2 =	vadd.s32 @!p0 v4, v2;
	_ =	sdelay $0x3  }
0x1e5: {  	s2 =	simm.s32 @!p0 $0x16000  }
0x1e6: {  	[tilespmem:s2], [sflag:$0x8] =	stream.indirect_vreg.gather @!p0 [hbm4b:s3+s0], $0x80, v2, vm1, $0xb8;
	v63 =	vld [tilespmem:$0x0]  }
0x1e7: {  	s2 =	simm.s32 @!p0 $0x16800  }
0x1e8: {  	[tilespmem:s2], [sflag:$0x8] =	stream.indirect_vreg.gather @!p0 [hbm4b:s11+s0], $0x80, v2, vm1, $0xb8;
	v63 =	vld [tilespmem:$0x0]  }
0x1e9: {  	s2 =	simm.s32 @!p0 $0x17000  }
0x1ea: {  	[tilespmem:s2], [sflag:$0x8] =	stream.indirect_vreg.gather @!p0 [hbm4b:s12+s0], $0x80, v2, vm1, $0xb8;
	v63 =	vld [tilespmem:$0x0]  }
0x1eb: {  	s7 =	sadd.s32 $0x1, s7;
	s2 =	simm.s32 @!p0 $0x17800  }
0x1ec: {  	[tilespmem:s2], [sflag:$0x8] =	stream.indirect_vreg.gather @!p0 [hbm4b:s13+s0], $0x80, v2, vm1, $0xb8;
	v63 =	vld [tilespmem:$0x0]  }
0x1ed: {  	p0 =	sne.s32 s7, $0x20  }
.Ltmp4:
0x1ee: {  	_ = 	snop;
	(pc) =	sbr.rel @p0 .LBB2_2-.Ltmp4, $3  }
0x1ef: {  	_ =	sdelay $0x1  }
0x1f0: {  	s31 =	sadd.s32 $0xC00, s31  }
0x1f1: {  	[hbm4b:s31+s5] =	stream.linear.scatter [tilespmem:s30], [sflag:$0xC], $0x2000, $0x38;
	v63 =	vld [tilespmem:$0x0]  }
0x1f2: {  	s0 =	simm.s32 $0x9  }
0x1f3: {  	_ =	swait.ge [sflag:s0], $0x2000  }
0x1f4: {  	[sflag:s0] =	ssyncset.done $0x0  }
0x1f5: {  	s23 =	simm.s32 $0xA;
	[sflag:s0] =	ssyncadd.s32 $0xFFFFE000  }
0x1f6: {  	_ =	swait.ge [sflag:s23], $0x2000  }
0x1f7: {  	[sflag:s23] =	ssyncset.done $0x0  }
0x1f8: {  	s26 =	simm.s32 $0xB;
	[sflag:s23] =	ssyncadd.s32 $0xFFFFE000  }
0x1f9: {  	_ =	swait.ge [sflag:s26], $0x2000  }
0x1fa: {  	[sflag:s26] =	ssyncset.done $0x0  }
0x1fb: {  	s2 =	simm.s32 $0xC;
	[sflag:s26] =	ssyncadd.s32 $0xFFFFE000  }
0x1fc: {  	_ =	swait.ge [sflag:s2], $0x2000  }
0x1fd: {  	s6 =	rddreg [dreg:$0x8]  }
0x1fe: {  	s31 =	rddreg [dreg:$0x7];
	s6 =	sadd.s32 $0x1, s6  }
0x1ff: {  	p0 =	sne.s32 s6, s31  }
.Ltmp5:
0x200: {  	_ = 	snop;
	(pc) =	sbr.rel @p0 .LBB2_1-.Ltmp5, $3  }
0x201: {  	_ =	sdelay $0x1  }
0x202: {  	[sflag:s2] =	ssyncset.done $0x0  }
0x203: {  	[sflag:s2] =	ssyncadd.s32 $0xFFFFE000  }
0x204: {  	_ =	sfence.sel $0x180000  }
0x205: {  	[bflag:$0x0] =	sbarrier.arrive $0xFFFF  }
0x206: {  	_ =	strace $0x90000047  }
0x207: {  	s0 =	stileid.u32;
	[bflag:$0x2] =	sbarrier.arrive $0xFFFF  }
0x208: {  	p0 =	sne.s32 s0, $0x0;
	s0 =	rddreg [dreg:$0x4]  }
0x209: {  	s0 =	sadd.s32 @!p0 $0x100000, s0  }
0x20a: {  	[sflag:s0] =	ssyncadd.tile.s32 @!p0 $0x1;
	_ =	shalt  }
.Lfunc_end2:
_tile_overlayer_lowered:
.L_overlay_start_2:
0x20b: {  	(tag) =	ssettag $0x2  }
0x20c: {  	s0 =	rddreg [dreg:$0x0];
	s2 =	stileid.u32  }
0x20d: {  	s1 =	rddreg [dreg:$0x1];
	p0 =	sne.s32 s2, $0x0  }
0x20e: {  	s3 =	rddreg [dreg:$0x2];
	[bflag:$0x3] =	sbarrier.arrive $0xFFFF;
	s2 =	simm.s32 @!p0 $0x1C0D  }
0x20f: {  	[timem:s3], [sflag:s2] =	dma.local @!p0 [hbm:s0], s1  }
0x210: {  	s0 =	simm.s32 @!p0 $0xD  }
0x211: {  	_ =	swait.ge @!p0 [sflag:s0], s1  }
0x212: {  	s1 =	ssub.s32 @!p0 $0x0, s1;
	[sflag:s0] =	ssyncset.done @!p0 $0x0  }
0x213: {  	[sflag:s0] =	ssyncadd.s32 @!p0 s1  }
0x214: {  	[bflag:$0x3] =	sbarrier.arrive $0xFFFF  }
0x215: {  	_ =	shalt  }

</sc_bundles>
